<compile_context>
chip_gen: v7x
topology: tpu7x:2x2x1
jax: 0.10.2.dev20260603
libtpu: 0.0.44.dev20260713+nightly
codegen_flags: <defaults>
</compile_context>

<pallas_src>
import functools

import jax
import jax.numpy as jnp
from jax import lax
from jax.experimental import pallas as pl
from jax.experimental.pallas import tpu as pltpu
from jax.experimental.pallas import tpu_sc as plsc

N_NODES = 10000
F_IN = 500
N_CLS = 3

NPAD = 10240
FPAD = 512
W1TAB = 80
W2TAB = 16

ETOT = 160000 + N_NODES
NTILES = 32
EB = 128
CE = 5376
EPAD = NTILES * CE
NBLK = CE // EB
STRIPE = NPAD // 16



def _stage1_body(x_ref, w1_ref, wsd_ref, t1_ref, asad_ref):
    hb = jnp.dot(x_ref[...], w1_ref[...], preferred_element_type=jnp.float32)
    col = lax.broadcasted_iota(jnp.int32, (1, W1TAB), 1)
    ones_cols = jnp.where((col >= 64) & (col < 72), 1.0, 0.0)
    t1_ref[...] = jnp.pad(hb, ((0, 0), (0, W1TAB - 64))) + ones_cols
    asad_ref[...] = jnp.dot(hb, wsd_ref[...], preferred_element_type=jnp.float32)


def _stage1(x, w1, wsd):
    grid = NPAD // 256
    return pl.pallas_call(
        _stage1_body,
        grid=(grid,),
        in_specs=[
            pl.BlockSpec((256, F_IN), lambda i: (i, 0)),
            pl.BlockSpec((F_IN, 64), lambda i: (0, 0)),
            pl.BlockSpec((64, 16), lambda i: (0, 0)),
        ],
        out_specs=[
            pl.BlockSpec((256, W1TAB), lambda i: (i, 0)),
            pl.BlockSpec((256, 16), lambda i: (i, 0)),
        ],
        out_shape=[
            jax.ShapeDtypeStruct((NPAD, W1TAB), jnp.float32),
            jax.ShapeDtypeStruct((NPAD, 16), jnp.float32),
        ],
    )(x, w1, wsd)


def _stage2_body(a_ref, b_ref, r_ref, b1_ref, wc2_ref, t2_ref, as_ref, ad_ref):
    acc = a_ref[...] + b_ref[...]
    num = acc[:, :64]
    den = acc[:, 64:72]
    denrep = jnp.dot(den, r_ref[...], preferred_element_type=jnp.float32)
    out1 = num / (denrep + 1e-16) + b1_ref[...]
    hx = jnp.where(out1 > 0, out1, jnp.exp(out1) - 1.0)
    h2x3 = jnp.dot(hx, wc2_ref[...], preferred_element_type=jnp.float32)
    col = lax.broadcasted_iota(jnp.int32, (1, 16), 1)
    t2_ref[...] = h2x3[:, :16] + jnp.where(col == 3, 1.0, 0.0)
    as_ref[...] = h2x3[:, 16:32]
    ad_ref[...] = h2x3[:, 32:48]


def _stage2(acc1a, acc1b, rmat, b1row, wc2):
    grid = NPAD // 256
    spec16 = pl.BlockSpec((256, 16), lambda i: (i, 0))
    shp16 = jax.ShapeDtypeStruct((NPAD, 16), jnp.float32)
    return pl.pallas_call(
        _stage2_body,
        grid=(grid,),
        in_specs=[
            pl.BlockSpec((256, W1TAB), lambda i: (i, 0)),
            pl.BlockSpec((256, W1TAB), lambda i: (i, 0)),
            pl.BlockSpec((8, 64), lambda i: (0, 0)),
            pl.BlockSpec((1, 64), lambda i: (0, 0)),
            pl.BlockSpec((64, 48), lambda i: (0, 0)),
        ],
        out_specs=[spec16, spec16, spec16],
        out_shape=[shp16, shp16, shp16],
    )(acc1a, acc1b, rmat, b1row, wc2)


def _stage3_body(a_ref, b_ref, b3_ref, b2_ref, out_ref, lp_ref):
    acc = a_ref[...] + b_ref[...]
    den = jnp.dot(acc, b3_ref[...], preferred_element_type=jnp.float32)
    o = acc / (den + 1e-16) + b2_ref[...]
    col = lax.broadcasted_iota(jnp.int32, (1, 16), 1)
    z = jnp.where(col < 3, o, -1e30)
    m = jnp.max(z, axis=1, keepdims=True)
    s = jnp.sum(jnp.exp(z - m), axis=1, keepdims=True)
    lp_ref[...] = z - (m + jnp.log(s))
    out_ref[...] = o


def _stage3(acc2a, acc2b, b3mat, b2row):
    grid = NPAD // 256
    spec16 = pl.BlockSpec((256, 16), lambda i: (i, 0))
    shp16 = jax.ShapeDtypeStruct((NPAD, 16), jnp.float32)
    return pl.pallas_call(
        _stage3_body,
        grid=(grid,),
        in_specs=[
            spec16,
            spec16,
            pl.BlockSpec((16, 16), lambda i: (0, 0)),
            pl.BlockSpec((1, 16), lambda i: (0, 0)),
        ],
        out_specs=[spec16, spec16],
        out_shape=[shp16, shp16],
    )(acc2a, acc2b, b3mat, b2row)



def _vexpand(vec, idx):
    dn = lax.GatherDimensionNumbers(
        offset_dims=(), collapsed_slice_dims=(0,), start_index_map=(0,))
    return lax.gather(vec, idx[:, None], dn, (1,),
                      mode=lax.GatherScatterMode.PROMISE_IN_BOUNDS)


def _edge_body(w, compact, t_hbm, as_hbm, ad_hbm, src_hbm, dst_hbm,
               out0_hbm, out1_hbm,
               sidx0, sidx1, didx0, didx1, sall, dall,
               t0, t1b, a0, a1, d0, d1, acc,
               st0, st1, sa0, sa1, sd0, sd1):
    kw = w // 16
    c = lax.axis_index("c")
    s = lax.axis_index("s")
    wid = s * 2 + c
    ebase = wid * CE

    sidx = (sidx0, sidx1)
    didx = (didx0, didx1)
    trows = (t0, t1b)
    asrows = (a0, a1)
    adrows = (d0, d1)
    sem_t = (st0, st1)
    sem_a = (sa0, sa1)
    sem_d = (sd0, sd1)

    def _zrow(r, carry):
        for k in range(kw):
            t0[r, pl.ds(k * 16, 16)] = jnp.zeros((16,), jnp.float32)
        return carry
    lax.fori_loop(0, EB, _zrow, 0)
    for j in range(STRIPE // EB):
        pltpu.sync_copy(t0, acc.at[pl.ds(s * STRIPE + j * EB, EB), :])
    plsc.subcore_barrier()

    pltpu.sync_copy(src_hbm.at[pl.ds(ebase, CE)], sall)
    pltpu.sync_copy(dst_hbm.at[pl.ds(ebase, CE)], dall)

    def _fetch(b, buf):
        for k in range(EB // 16):
            sl = pl.ds(k * 16, 16)
            sidx[buf][sl] = sall[pl.ds(b * EB + k * 16, 16)]
            didx[buf][sl] = dall[pl.ds(b * EB + k * 16, 16)]
        pltpu.async_copy(t_hbm.at[sidx[buf]], trows[buf], sem_t[buf])
        pltpu.async_copy(as_hbm.at[sidx[buf]], asrows[buf], sem_a[buf])
        pltpu.async_copy(ad_hbm.at[didx[buf]], adrows[buf], sem_d[buf])

    def _wait(buf):
        pltpu.make_async_copy(t_hbm.at[sidx[buf]], trows[buf], sem_t[buf]).wait()
        pltpu.make_async_copy(as_hbm.at[sidx[buf]], asrows[buf], sem_a[buf]).wait()
        pltpu.make_async_copy(ad_hbm.at[didx[buf]], adrows[buf], sem_d[buf]).wait()

    _fetch(0, 0)

    def _outer(i, carry):
        for j in range(2):
            b = 2 * i + j
            nb = b + 1

            @pl.when(nb < NBLK)
            def _():
                _fetch(nb, j ^ 1)

            _wait(j)

            if compact:
                iota = lax.iota(jnp.int32, 16)
                shift_idx = (iota & 7) + 8
                widx = [jnp.where(iota < 8, 2 * k, 2 * k + 1) for k in range(4)]

                def _one(r):
                    sreg = asrows[j][r, :]
                    dreg = adrows[j][r, :]
                    e = sreg + _vexpand(dreg, shift_idx)
                    e = jnp.where(e >= 0, e, 0.2 * e)
                    wv = jnp.exp(e)
                    for k in range(4):
                        sl = pl.ds(k * 16, 16)
                        trows[j][r, sl] = trows[j][r, sl] * _vexpand(wv, widx[k])
                    sl = pl.ds(64, 16)
                    trows[j][r, sl] = trows[j][r, sl] * wv

            else:
                def _one(r):
                    for k in range(kw):
                        sl = pl.ds(k * 16, 16)
                        e = asrows[j][r, sl] + adrows[j][r, sl]
                        e = jnp.where(e >= 0, e, 0.2 * e)
                        trows[j][r, sl] = trows[j][r, sl] * jnp.exp(e)

            @plsc.parallel_loop(0, EB, unroll=2)
            def _rows(r):
                _one(r)

            pltpu.sync_copy(trows[j], acc.at[didx[j]], add=True)
        return carry
    lax.fori_loop(0, NBLK // 2, _outer, 0)

    plsc.subcore_barrier()
    rows = pl.ds(s * STRIPE, STRIPE)

    @pl.when(c == 0)
    def _():
        pltpu.sync_copy(acc.at[rows, :], out0_hbm.at[rows, :])

    @pl.when(c == 1)
    def _():
        pltpu.sync_copy(acc.at[rows, :], out1_hbm.at[rows, :])


def _edge_pass(w, t_tab, as_tab, ad_tab, src, dst, compact=False):
    mesh = plsc.VectorSubcoreMesh(core_axis_name="c", subcore_axis_name="s")
    shp = jax.ShapeDtypeStruct((NPAD, w), jnp.float32)
    wa = 16 if compact else w
    kern = functools.partial(
        pl.kernel,
        out_type=(shp, shp),
        mesh=mesh,
        compiler_params=pltpu.CompilerParams(use_tc_tiling_on_sc=False),
        scratch_types=[
            pltpu.VMEM((EB,), jnp.int32),
            pltpu.VMEM((EB,), jnp.int32),
            pltpu.VMEM((EB,), jnp.int32),
            pltpu.VMEM((EB,), jnp.int32),
            pltpu.VMEM((CE,), jnp.int32),
            pltpu.VMEM((CE,), jnp.int32),
            pltpu.VMEM((EB, w), jnp.float32),
            pltpu.VMEM((EB, w), jnp.float32),
            pltpu.VMEM((EB, wa), jnp.float32),
            pltpu.VMEM((EB, wa), jnp.float32),
            pltpu.VMEM((EB, wa), jnp.float32),
            pltpu.VMEM((EB, wa), jnp.float32),
            pltpu.VMEM_SHARED((NPAD, w), jnp.float32),
            pltpu.SemaphoreType.DMA,
            pltpu.SemaphoreType.DMA,
            pltpu.SemaphoreType.DMA,
            pltpu.SemaphoreType.DMA,
            pltpu.SemaphoreType.DMA,
            pltpu.SemaphoreType.DMA,
        ],
    )(functools.partial(_edge_body, w, compact))
    return kern(t_tab, as_tab, ad_tab, src, dst)



def kernel(x, edge_index, W1, att_src1, att_dst1, b1, W2, att_src2, att_dst2, b2):
    f32 = jnp.float32
    eye8 = jnp.eye(8, dtype=f32)

    ms = (att_src1[0][:, :, None] * eye8[:, None, :]).reshape(64, 8)
    md = (att_dst1[0][:, :, None] * eye8[:, None, :]).reshape(64, 8)
    rmat = (eye8[:, :, None] * jnp.ones((1, 1, 8), f32)).reshape(8, 64)
    wsd = jnp.concatenate([ms, md], axis=1)

    w2p = jnp.pad(W2, ((0, 0), (0, 16 - N_CLS)))
    col16 = jnp.arange(16)
    msel = jnp.where((col16[None, :] < 4) & (col16[:, None] < 3),
                     1.0, 0.0).astype(f32)
    m_s = msel * jnp.pad(att_src2[0, 0], (0, 13))[:, None]
    m_d = msel * jnp.pad(att_dst2[0, 0], (0, 13))[:, None]
    wc2 = jnp.concatenate([w2p, w2p @ m_s, w2p @ m_d], axis=1)

    b1row = b1.reshape(1, 64)
    b3mat = jnp.where((jnp.arange(16)[:, None] == 3), 1.0, 0.0
                      ).astype(f32) * jnp.ones((1, 16), f32)
    b2row = jnp.pad(b2, (0, 16 - N_CLS)).reshape(1, 16)

    loop = jnp.arange(N_NODES, dtype=edge_index.dtype)
    padv = jnp.full((EPAD - ETOT,), N_NODES, dtype=edge_index.dtype)
    src = jnp.concatenate([edge_index[0], loop, padv])
    dst = jnp.concatenate([edge_index[1], loop, padv])

    t1, asad = _stage1(x, W1, wsd)

    acc1a, acc1b = _edge_pass(W1TAB, t1, asad, asad, src, dst, compact=True)

    t2, as16, ad16 = _stage2(acc1a, acc1b, rmat, b1row, wc2)

    acc2a, acc2b = _edge_pass(W2TAB, t2, as16, ad16, src, dst)

    out16, lp16 = _stage3(acc2a, acc2b, b3mat, b2row)
    return (out16[:N_NODES, :N_CLS], lp16[:N_NODES, :N_CLS])

# --- scband reference (transcript-rebuilt; emitter-appended) ---
"""Pipeline reference for scband-gat-58488864637047 (READ-ONLY COPY).

The authoritative reference and input builder live on the scoring server;
editing this copy changes nothing except your own understanding.
"""

import jax, jax.numpy as jnp
import numpy as np

N = 10000
E = 160000
F_IN = 500
HID = 8
HEADS = 8
NCLS = 3


def setup_inputs(seed: int = 0):
    key = jax.random.key(seed)
    ks = jax.random.split(key, 12)
    x = jax.random.normal(ks[0], (N, F_IN), dtype=jnp.float32)
    edge_index = jax.random.randint(ks[1], (2, E), 0, N, dtype=jnp.int32)
    W1 = jax.random.normal(ks[2], (F_IN, HEADS * HID), dtype=jnp.float32) * 0.05
    att_src1 = jax.random.normal(ks[3], (1, HEADS, HID), dtype=jnp.float32) * 0.1
    att_dst1 = jax.random.normal(ks[4], (1, HEADS, HID), dtype=jnp.float32) * 0.1
    b1 = jnp.zeros((HEADS * HID,), dtype=jnp.float32)
    W2 = jax.random.normal(ks[5], (HEADS * HID, 1 * NCLS), dtype=jnp.float32) * 0.1
    att_src2 = jax.random.normal(ks[6], (1, 1, NCLS), dtype=jnp.float32) * 0.1
    att_dst2 = jax.random.normal(ks[7], (1, 1, NCLS), dtype=jnp.float32) * 0.1
    b2 = jnp.zeros((NCLS,), dtype=jnp.float32)
    return {"x": x, "edge_index": edge_index, "W1": W1, "att_src1": att_src1,
            "att_dst1": att_dst1, "b1": b1, "W2": W2, "att_src2": att_src2,
            "att_dst2": att_dst2, "b2": b2}


def _gat_conv(x, src, dst, W, att_src, att_dst, bias, heads, out_ch, concat):
    n = x.shape[0]
    h = (x @ W).reshape(n, heads, out_ch)
    a_src = jnp.sum(h * att_src, axis=-1)  # [N, H]
    a_dst = jnp.sum(h * att_dst, axis=-1)  # [N, H]
    e = a_src[src] + a_dst[dst]            # [E, H]
    e = jax.nn.leaky_relu(e, negative_slope=0.2)
    e_max = jax.ops.segment_max(e, dst, num_segments=n)
    e_max = jnp.where(jnp.isfinite(e_max), e_max, 0.0)
    expv = jnp.exp(e - e_max[dst])
    denom = jax.ops.segment_sum(expv, dst, num_segments=n)
    alpha = expv / (denom[dst] + 1e-16)
    msg = h[src] * alpha[:, :, None]
    out = jax.ops.segment_sum(msg, dst, num_segments=n)
    if concat:
        out = out.reshape(n, heads * out_ch)
    else:
        out = out.mean(axis=1)
    return out + bias


def reference(x, edge_index, W1, att_src1, att_dst1, b1, W2, att_src2, att_dst2, b2):
    # eval mode: all dropouts are identity
    loop = jnp.arange(N, dtype=edge_index.dtype)
    src = jnp.concatenate([edge_index[0], loop])  # add_self_loops=True (PyG default)
    dst = jnp.concatenate([edge_index[1], loop])
    h = _gat_conv(x, src, dst, W1, att_src1, att_dst1, b1, HEADS, HID, True)
    h = jax.nn.elu(h)
    out = _gat_conv(h, src, dst, W2, att_src2, att_dst2, b2, 1, NCLS, False)
    return (out, jax.nn.log_softmax(out, axis=1))

if __name__ == "__main__":
    import jax
    _d = setup_inputs()
    print(jax.jit(kernel)(*tuple(_d.values())))

</pallas_src>

<mosaic_0001>
#map = affine_map<(d0, d1) -> (0, 0)>
#map1 = affine_map<(d0, d1) -> (0)>
module attributes {stable_mosaic.version = 14 : i64} {
  func.func @_edge_body(%arg0: i32, %arg1: i32, %arg2: memref<10240x16xf32, #tpu.memory_space<hbm>>, %arg3: memref<10240x16xf32, #tpu.memory_space<hbm>>, %arg4: memref<10240x16xf32, #tpu.memory_space<hbm>>, %arg5: memref<172032xi32, #tpu.memory_space<hbm>>, %arg6: memref<172032xi32, #tpu.memory_space<hbm>>, %arg7: memref<10240x16xf32, #tpu.memory_space<hbm>>, %arg8: memref<10240x16xf32, #tpu.memory_space<hbm>>, %arg9: memref<128xi32, #tpu.memory_space<vmem>>, %arg10: memref<128xi32, #tpu.memory_space<vmem>>, %arg11: memref<128xi32, #tpu.memory_space<vmem>>, %arg12: memref<128xi32, #tpu.memory_space<vmem>>, %arg13: memref<5376xi32, #tpu.memory_space<vmem>>, %arg14: memref<5376xi32, #tpu.memory_space<vmem>>, %arg15: memref<128x16xf32, #tpu.memory_space<vmem>>, %arg16: memref<128x16xf32, #tpu.memory_space<vmem>>, %arg17: memref<128x16xf32, #tpu.memory_space<vmem>>, %arg18: memref<128x16xf32, #tpu.memory_space<vmem>>, %arg19: memref<128x16xf32, #tpu.memory_space<vmem>>, %arg20: memref<128x16xf32, #tpu.memory_space<vmem>>, %arg21: memref<10240x16xf32, #tpu.memory_space<vmem_shared>>, %arg22: memref<!tpu.dma_semaphore, #tpu.memory_space<semaphore_mem>>, %arg23: memref<!tpu.dma_semaphore, #tpu.memory_space<semaphore_mem>>, %arg24: memref<!tpu.dma_semaphore, #tpu.memory_space<semaphore_mem>>, %arg25: memref<!tpu.dma_semaphore, #tpu.memory_space<semaphore_mem>>, %arg26: memref<!tpu.dma_semaphore, #tpu.memory_space<semaphore_mem>>, %arg27: memref<!tpu.dma_semaphore, #tpu.memory_space<semaphore_mem>>) attributes {dimension_semantics = [#tpu.dimension_semantics<core_parallel>, #tpu.dimension_semantics<subcore_parallel>], iteration_bounds = array<i64: 2, 16>, scalar_prefetch = 0 : i64, scratch_operands = 19 : i64, tpu.core_type = #tpu.core_type<sc_vector_subcore>, window_params = [{transform_indices = #map}, {transform_indices = #map}, {transform_indices = #map}, {transform_indices = #map1}, {transform_indices = #map1}, {transform_indices = #map}, {transform_indices = #map}]} {
    %mul3A = arith.constant 2 : i32
    %mul3A_0 = arith.muli %arg1, %mul3A : i32
    %add3A = arith.addi %mul3A_0, %arg0 : i32
    %mul3A_1 = arith.constant 5376 : i32
    %mul3A_2 = arith.muli %add3A, %mul3A_1 : i32
    %scan3A = arith.constant 0 : i32
    %scan3A_3 = arith.constant 0 : i32
    %scan3A_4 = arith.constant 128 : i32
    %scan3A_5 = arith.addi %scan3A_3, %scan3A_4 : i32
    %scan3A_6 = arith.constant 1 : i32
    scf.for %scan3A_162 = %scan3A_3 to %scan3A_5 step %scan3A_6  : i32 {
      %broadcast_in_dim3A = arith.constant 0.000000e+00 : f32
      %broadcast_in_dim3A_163 = vector.broadcast %broadcast_in_dim3A : f32 to vector<16xf32>
      %swap3A_164 = arith.index_cast %scan3A_162 : i32 to index
      %swap3A_165 = arith.constant 0 : index
      %swap3A_166 = tpu.vector_load %arg15[%swap3A_164, %swap3A_165] {strides = array<i32>} : memref<128x16xf32, #tpu.memory_space<vmem>>, vector<1x16xf32>,
      %swap3A_167 = vector.shape_cast %swap3A_166 : vector<1x16xf32> to vector<16xf32>
      %swap3A_168 = vector.shape_cast %broadcast_in_dim3A_163 : vector<16xf32> to vector<1x16xf32>
      tpu.vector_store %arg15[%swap3A_164, %swap3A_165], %swap3A_168 {strides = array<i32>} : memref<128x16xf32, #tpu.memory_space<vmem>>, vector<1x16xf32>,
    }
    %scan3A_7 = arith.constant 128 : i32
    %mul3A_8 = arith.constant 640 : i32
    %mul3A_9 = arith.muli %arg1, %mul3A_8 : i32
    %add3A_10 = arith.constant 0 : i32
    %add3A_11 = arith.addi %mul3A_9, %add3A_10 : i32
    "tpu.region"() ({
      %run_scoped3A = tpu.sem_alloc : memref<!tpu.dma_semaphore, #tpu.memory_space<semaphore_mem>>
      %dma_start3A_162 = arith.constant 0 : i32
      %dma_start3A_163 = tpu.memref_slice %arg21[%add3A_11, %dma_start3A_162] : memref<10240x16xf32, #tpu.memory_space<vmem_shared>> -> memref<128x16xf32, #tpu.memory_space<vmem_shared>>
      %dma_start3A_164 = arith.constant 0 : i32
      %dma_start3A_165 = tpu.memref_slice %arg21[%add3A_11, %dma_start3A_164] : memref<10240x16xf32, #tpu.memory_space<vmem_shared>> -> memref<128x16xf32, #tpu.memory_space<vmem_shared>>
      tpu.enqueue_dma source(%arg15 : memref<128x16xf32, #tpu.memory_space<vmem>>) target(%dma_start3A_165 : memref<128x16xf32, #tpu.memory_space<vmem_shared>>) target_semaphore(%run_scoped3A : memref<!tpu.dma_semaphore, #tpu.memory_space<semaphore_mem>>)
      %dma_wait3A = arith.constant 0 : i32
      %dma_wait3A_166 = tpu.memref_slice %arg21[%add3A_11, %dma_wait3A] : memref<10240x16xf32, #tpu.memory_space<vmem_shared>> -> memref<128x16xf32, #tpu.memory_space<vmem_shared>>
      %dma_wait3A_167 = arith.constant 0 : i32
      %dma_wait3A_168 = tpu.memref_slice %arg21[%add3A_11, %dma_wait3A_167] : memref<10240x16xf32, #tpu.memory_space<vmem_shared>> -> memref<128x16xf32, #tpu.memory_space<vmem_shared>>
      tpu.wait_dma2 semaphore(%run_scoped3A : memref<!tpu.dma_semaphore, #tpu.memory_space<semaphore_mem>>) src(%arg15 : memref<128x16xf32, #tpu.memory_space<vmem>>) dst(%dma_wait3A_168 : memref<128x16xf32, #tpu.memory_space<vmem_shared>>)
      tpu.yield
    }) : () -> ()
    %mul3A_12 = arith.constant 640 : i32
    %mul3A_13 = arith.muli %arg1, %mul3A_12 : i32
    %add3A_14 = arith.constant 128 : i32
    %add3A_15 = arith.addi %mul3A_13, %add3A_14 : i32
    "tpu.region"() ({
      %run_scoped3A = tpu.sem_alloc : memref<!tpu.dma_semaphore, #tpu.memory_space<semaphore_mem>>
      %dma_start3A_162 = arith.constant 0 : i32
      %dma_start3A_163 = tpu.memref_slice %arg21[%add3A_15, %dma_start3A_162] : memref<10240x16xf32, #tpu.memory_space<vmem_shared>> -> memref<128x16xf32, #tpu.memory_space<vmem_shared>>
      %dma_start3A_164 = arith.constant 0 : i32
      %dma_start3A_165 = tpu.memref_slice %arg21[%add3A_15, %dma_start3A_164] : memref<10240x16xf32, #tpu.memory_space<vmem_shared>> -> memref<128x16xf32, #tpu.memory_space<vmem_shared>>
      tpu.enqueue_dma source(%arg15 : memref<128x16xf32, #tpu.memory_space<vmem>>) target(%dma_start3A_165 : memref<128x16xf32, #tpu.memory_space<vmem_shared>>) target_semaphore(%run_scoped3A : memref<!tpu.dma_semaphore, #tpu.memory_space<semaphore_mem>>)
      %dma_wait3A = arith.constant 0 : i32
      %dma_wait3A_166 = tpu.memref_slice %arg21[%add3A_15, %dma_wait3A] : memref<10240x16xf32, #tpu.memory_space<vmem_shared>> -> memref<128x16xf32, #tpu.memory_space<vmem_shared>>
      %dma_wait3A_167 = arith.constant 0 : i32
      %dma_wait3A_168 = tpu.memref_slice %arg21[%add3A_15, %dma_wait3A_167] : memref<10240x16xf32, #tpu.memory_space<vmem_shared>> -> memref<128x16xf32, #tpu.memory_space<vmem_shared>>
      tpu.wait_dma2 semaphore(%run_scoped3A : memref<!tpu.dma_semaphore, #tpu.memory_space<semaphore_mem>>) src(%arg15 : memref<128x16xf32, #tpu.memory_space<vmem>>) dst(%dma_wait3A_168 : memref<128x16xf32, #tpu.memory_space<vmem_shared>>)
      tpu.yield
    }) : () -> ()
    %mul3A_16 = arith.constant 640 : i32
    %mul3A_17 = arith.muli %arg1, %mul3A_16 : i32
    %add3A_18 = arith.constant 256 : i32
    %add3A_19 = arith.addi %mul3A_17, %add3A_18 : i32
    "tpu.region"() ({
      %run_scoped3A = tpu.sem_alloc : memref<!tpu.dma_semaphore, #tpu.memory_space<semaphore_mem>>
      %dma_start3A_162 = arith.constant 0 : i32
      %dma_start3A_163 = tpu.memref_slice %arg21[%add3A_19, %dma_start3A_162] : memref<10240x16xf32, #tpu.memory_space<vmem_shared>> -> memref<128x16xf32, #tpu.memory_space<vmem_shared>>
      %dma_start3A_164 = arith.constant 0 : i32
      %dma_start3A_165 = tpu.memref_slice %arg21[%add3A_19, %dma_start3A_164] : memref<10240x16xf32, #tpu.memory_space<vmem_shared>> -> memref<128x16xf32, #tpu.memory_space<vmem_shared>>
      tpu.enqueue_dma source(%arg15 : memref<128x16xf32, #tpu.memory_space<vmem>>) target(%dma_start3A_165 : memref<128x16xf32, #tpu.memory_space<vmem_shared>>) target_semaphore(%run_scoped3A : memref<!tpu.dma_semaphore, #tpu.memory_space<semaphore_mem>>)
      %dma_wait3A = arith.constant 0 : i32
      %dma_wait3A_166 = tpu.memref_slice %arg21[%add3A_19, %dma_wait3A] : memref<10240x16xf32, #tpu.memory_space<vmem_shared>> -> memref<128x16xf32, #tpu.memory_space<vmem_shared>>
      %dma_wait3A_167 = arith.constant 0 : i32
      %dma_wait3A_168 = tpu.memref_slice %arg21[%add3A_19, %dma_wait3A_167] : memref<10240x16xf32, #tpu.memory_space<vmem_shared>> -> memref<128x16xf32, #tpu.memory_space<vmem_shared>>
      tpu.wait_dma2 semaphore(%run_scoped3A : memref<!tpu.dma_semaphore, #tpu.memory_space<semaphore_mem>>) src(%arg15 : memref<128x16xf32, #tpu.memory_space<vmem>>) dst(%dma_wait3A_168 : memref<128x16xf32, #tpu.memory_space<vmem_shared>>)
      tpu.yield
    }) : () -> ()
    %mul3A_20 = arith.constant 640 : i32
    %mul3A_21 = arith.muli %arg1, %mul3A_20 : i32
    %add3A_22 = arith.constant 384 : i32
    %add3A_23 = arith.addi %mul3A_21, %add3A_22 : i32
    "tpu.region"() ({
      %run_scoped3A = tpu.sem_alloc : memref<!tpu.dma_semaphore, #tpu.memory_space<semaphore_mem>>
      %dma_start3A_162 = arith.constant 0 : i32
      %dma_start3A_163 = tpu.memref_slice %arg21[%add3A_23, %dma_start3A_162] : memref<10240x16xf32, #tpu.memory_space<vmem_shared>> -> memref<128x16xf32, #tpu.memory_space<vmem_shared>>
      %dma_start3A_164 = arith.constant 0 : i32
      %dma_start3A_165 = tpu.memref_slice %arg21[%add3A_23, %dma_start3A_164] : memref<10240x16xf32, #tpu.memory_space<vmem_shared>> -> memref<128x16xf32, #tpu.memory_space<vmem_shared>>
      tpu.enqueue_dma source(%arg15 : memref<128x16xf32, #tpu.memory_space<vmem>>) target(%dma_start3A_165 : memref<128x16xf32, #tpu.memory_space<vmem_shared>>) target_semaphore(%run_scoped3A : memref<!tpu.dma_semaphore, #tpu.memory_space<semaphore_mem>>)
      %dma_wait3A = arith.constant 0 : i32
      %dma_wait3A_166 = tpu.memref_slice %arg21[%add3A_23, %dma_wait3A] : memref<10240x16xf32, #tpu.memory_space<vmem_shared>> -> memref<128x16xf32, #tpu.memory_space<vmem_shared>>
      %dma_wait3A_167 = arith.constant 0 : i32
      %dma_wait3A_168 = tpu.memref_slice %arg21[%add3A_23, %dma_wait3A_167] : memref<10240x16xf32, #tpu.memory_space<vmem_shared>> -> memref<128x16xf32, #tpu.memory_space<vmem_shared>>
      tpu.wait_dma2 semaphore(%run_scoped3A : memref<!tpu.dma_semaphore, #tpu.memory_space<semaphore_mem>>) src(%arg15 : memref<128x16xf32, #tpu.memory_space<vmem>>) dst(%dma_wait3A_168 : memref<128x16xf32, #tpu.memory_space<vmem_shared>>)
      tpu.yield
    }) : () -> ()
    %mul3A_24 = arith.constant 640 : i32
    %mul3A_25 = arith.muli %arg1, %mul3A_24 : i32
    %add3A_26 = arith.constant 512 : i32
    %add3A_27 = arith.addi %mul3A_25, %add3A_26 : i32
    "tpu.region"() ({
      %run_scoped3A = tpu.sem_alloc : memref<!tpu.dma_semaphore, #tpu.memory_space<semaphore_mem>>
      %dma_start3A_162 = arith.constant 0 : i32
      %dma_start3A_163 = tpu.memref_slice %arg21[%add3A_27, %dma_start3A_162] : memref<10240x16xf32, #tpu.memory_space<vmem_shared>> -> memref<128x16xf32, #tpu.memory_space<vmem_shared>>
      %dma_start3A_164 = arith.constant 0 : i32
      %dma_start3A_165 = tpu.memref_slice %arg21[%add3A_27, %dma_start3A_164] : memref<10240x16xf32, #tpu.memory_space<vmem_shared>> -> memref<128x16xf32, #tpu.memory_space<vmem_shared>>
      tpu.enqueue_dma source(%arg15 : memref<128x16xf32, #tpu.memory_space<vmem>>) target(%dma_start3A_165 : memref<128x16xf32, #tpu.memory_space<vmem_shared>>) target_semaphore(%run_scoped3A : memref<!tpu.dma_semaphore, #tpu.memory_space<semaphore_mem>>)
      %dma_wait3A = arith.constant 0 : i32
      %dma_wait3A_166 = tpu.memref_slice %arg21[%add3A_27, %dma_wait3A] : memref<10240x16xf32, #tpu.memory_space<vmem_shared>> -> memref<128x16xf32, #tpu.memory_space<vmem_shared>>
      %dma_wait3A_167 = arith.constant 0 : i32
      %dma_wait3A_168 = tpu.memref_slice %arg21[%add3A_27, %dma_wait3A_167] : memref<10240x16xf32, #tpu.memory_space<vmem_shared>> -> memref<128x16xf32, #tpu.memory_space<vmem_shared>>
      tpu.wait_dma2 semaphore(%run_scoped3A : memref<!tpu.dma_semaphore, #tpu.memory_space<semaphore_mem>>) src(%arg15 : memref<128x16xf32, #tpu.memory_space<vmem>>) dst(%dma_wait3A_168 : memref<128x16xf32, #tpu.memory_space<vmem_shared>>)
      tpu.yield
    }) : () -> ()
    %barrier3A = arith.constant 0 : index
    tpu.barrier barrier_id(%barrier3A)
    "tpu.region"() ({
      %run_scoped3A = tpu.sem_alloc : memref<!tpu.dma_semaphore, #tpu.memory_space<semaphore_mem>>
      %dma_start3A_162 = tpu.memref_slice %arg5[%mul3A_2] : memref<172032xi32, #tpu.memory_space<hbm>> -> memref<5376xi32, #tpu.memory_space<hbm>>
      %dma_start3A_163 = tpu.memref_slice %arg5[%mul3A_2] : memref<172032xi32, #tpu.memory_space<hbm>> -> memref<5376xi32, #tpu.memory_space<hbm>>
      tpu.enqueue_dma source(%dma_start3A_163 : memref<5376xi32, #tpu.memory_space<hbm>>) target(%arg13 : memref<5376xi32, #tpu.memory_space<vmem>>) target_semaphore(%run_scoped3A : memref<!tpu.dma_semaphore, #tpu.memory_space<semaphore_mem>>)
      %dma_wait3A = tpu.memref_slice %arg5[%mul3A_2] : memref<172032xi32, #tpu.memory_space<hbm>> -> memref<5376xi32, #tpu.memory_space<hbm>>
      %dma_wait3A_164 = tpu.memref_slice %arg5[%mul3A_2] : memref<172032xi32, #tpu.memory_space<hbm>> -> memref<5376xi32, #tpu.memory_space<hbm>>
      tpu.wait_dma2 semaphore(%run_scoped3A : memref<!tpu.dma_semaphore, #tpu.memory_space<semaphore_mem>>) src(%dma_wait3A_164 : memref<5376xi32, #tpu.memory_space<hbm>>) dst(%arg13 : memref<5376xi32, #tpu.memory_space<vmem>>)
      tpu.yield
    }) : () -> ()
    "tpu.region"() ({
      %run_scoped3A = tpu.sem_alloc : memref<!tpu.dma_semaphore, #tpu.memory_space<semaphore_mem>>
      %dma_start3A_162 = tpu.memref_slice %arg6[%mul3A_2] : memref<172032xi32, #tpu.memory_space<hbm>> -> memref<5376xi32, #tpu.memory_space<hbm>>
      %dma_start3A_163 = tpu.memref_slice %arg6[%mul3A_2] : memref<172032xi32, #tpu.memory_space<hbm>> -> memref<5376xi32, #tpu.memory_space<hbm>>
      tpu.enqueue_dma source(%dma_start3A_163 : memref<5376xi32, #tpu.memory_space<hbm>>) target(%arg14 : memref<5376xi32, #tpu.memory_space<vmem>>) target_semaphore(%run_scoped3A : memref<!tpu.dma_semaphore, #tpu.memory_space<semaphore_mem>>)
      %dma_wait3A = tpu.memref_slice %arg6[%mul3A_2] : memref<172032xi32, #tpu.memory_space<hbm>> -> memref<5376xi32, #tpu.memory_space<hbm>>
      %dma_wait3A_164 = tpu.memref_slice %arg6[%mul3A_2] : memref<172032xi32, #tpu.memory_space<hbm>> -> memref<5376xi32, #tpu.memory_space<hbm>>
      tpu.wait_dma2 semaphore(%run_scoped3A : memref<!tpu.dma_semaphore, #tpu.memory_space<semaphore_mem>>) src(%dma_wait3A_164 : memref<5376xi32, #tpu.memory_space<hbm>>) dst(%arg14 : memref<5376xi32, #tpu.memory_space<vmem>>)
      tpu.yield
    }) : () -> ()
    %get3A = arith.constant 0 : index
    %get3A_28 = tpu.vector_load %arg13[%get3A] {strides = array<i32>} : memref<5376xi32, #tpu.memory_space<vmem>>, vector<16xi32>,
    %get3A_29 = vector.shape_cast %get3A_28 : vector<16xi32> to vector<16xi32>
    %swap3A = arith.constant 0 : index
    %swap3A_30 = tpu.vector_load %arg9[%swap3A] {strides = array<i32>} : memref<128xi32, #tpu.memory_space<vmem>>, vector<16xi32>,
    %swap3A_31 = vector.shape_cast %swap3A_30 : vector<16xi32> to vector<16xi32>
    %swap3A_32 = vector.shape_cast %get3A_29 : vector<16xi32> to vector<16xi32>
    tpu.vector_store %arg9[%swap3A], %swap3A_32 {strides = array<i32>} : memref<128xi32, #tpu.memory_space<vmem>>, vector<16xi32>,
    %get3A_33 = arith.constant 0 : index
    %get3A_34 = tpu.vector_load %arg14[%get3A_33] {strides = array<i32>} : memref<5376xi32, #tpu.memory_space<vmem>>, vector<16xi32>,
    %get3A_35 = vector.shape_cast %get3A_34 : vector<16xi32> to vector<16xi32>
    %swap3A_36 = arith.constant 0 : index
    %swap3A_37 = tpu.vector_load %arg11[%swap3A_36] {strides = array<i32>} : memref<128xi32, #tpu.memory_space<vmem>>, vector<16xi32>,
    %swap3A_38 = vector.shape_cast %swap3A_37 : vector<16xi32> to vector<16xi32>
    %swap3A_39 = vector.shape_cast %get3A_35 : vector<16xi32> to vector<16xi32>
    tpu.vector_store %arg11[%swap3A_36], %swap3A_39 {strides = array<i32>} : memref<128xi32, #tpu.memory_space<vmem>>, vector<16xi32>,
    %get3A_40 = arith.constant 16 : index
    %get3A_41 = tpu.vector_load %arg13[%get3A_40] {strides = array<i32>} : memref<5376xi32, #tpu.memory_space<vmem>>, vector<16xi32>,
    %get3A_42 = vector.shape_cast %get3A_41 : vector<16xi32> to vector<16xi32>
    %swap3A_43 = arith.constant 16 : index
    %swap3A_44 = tpu.vector_load %arg9[%swap3A_43] {strides = array<i32>} : memref<128xi32, #tpu.memory_space<vmem>>, vector<16xi32>,
    %swap3A_45 = vector.shape_cast %swap3A_44 : vector<16xi32> to vector<16xi32>
    %swap3A_46 = vector.shape_cast %get3A_42 : vector<16xi32> to vector<16xi32>
    tpu.vector_store %arg9[%swap3A_43], %swap3A_46 {strides = array<i32>} : memref<128xi32, #tpu.memory_space<vmem>>, vector<16xi32>,
    %get3A_47 = arith.constant 16 : index
    %get3A_48 = tpu.vector_load %arg14[%get3A_47] {strides = array<i32>} : memref<5376xi32, #tpu.memory_space<vmem>>, vector<16xi32>,
    %get3A_49 = vector.shape_cast %get3A_48 : vector<16xi32> to vector<16xi32>
    %swap3A_50 = arith.constant 16 : index
    %swap3A_51 = tpu.vector_load %arg11[%swap3A_50] {strides = array<i32>} : memref<128xi32, #tpu.memory_space<vmem>>, vector<16xi32>,
    %swap3A_52 = vector.shape_cast %swap3A_51 : vector<16xi32> to vector<16xi32>
    %swap3A_53 = vector.shape_cast %get3A_49 : vector<16xi32> to vector<16xi32>
    tpu.vector_store %arg11[%swap3A_50], %swap3A_53 {strides = array<i32>} : memref<128xi32, #tpu.memory_space<vmem>>, vector<16xi32>,
    %get3A_54 = arith.constant 32 : index
    %get3A_55 = tpu.vector_load %arg13[%get3A_54] {strides = array<i32>} : memref<5376xi32, #tpu.memory_space<vmem>>, vector<16xi32>,
    %get3A_56 = vector.shape_cast %get3A_55 : vector<16xi32> to vector<16xi32>
    %swap3A_57 = arith.constant 32 : index
    %swap3A_58 = tpu.vector_load %arg9[%swap3A_57] {strides = array<i32>} : memref<128xi32, #tpu.memory_space<vmem>>, vector<16xi32>,
    %swap3A_59 = vector.shape_cast %swap3A_58 : vector<16xi32> to vector<16xi32>
    %swap3A_60 = vector.shape_cast %get3A_56 : vector<16xi32> to vector<16xi32>
    tpu.vector_store %arg9[%swap3A_57], %swap3A_60 {strides = array<i32>} : memref<128xi32, #tpu.memory_space<vmem>>, vector<16xi32>,
    %get3A_61 = arith.constant 32 : index
    %get3A_62 = tpu.vector_load %arg14[%get3A_61] {strides = array<i32>} : memref<5376xi32, #tpu.memory_space<vmem>>, vector<16xi32>,
    %get3A_63 = vector.shape_cast %get3A_62 : vector<16xi32> to vector<16xi32>
    %swap3A_64 = arith.constant 32 : index
    %swap3A_65 = tpu.vector_load %arg11[%swap3A_64] {strides = array<i32>} : memref<128xi32, #tpu.memory_space<vmem>>, vector<16xi32>,
    %swap3A_66 = vector.shape_cast %swap3A_65 : vector<16xi32> to vector<16xi32>
    %swap3A_67 = vector.shape_cast %get3A_63 : vector<16xi32> to vector<16xi32>
    tpu.vector_store %arg11[%swap3A_64], %swap3A_67 {strides = array<i32>} : memref<128xi32, #tpu.memory_space<vmem>>, vector<16xi32>,
    %get3A_68 = arith.constant 48 : index
    %get3A_69 = tpu.vector_load %arg13[%get3A_68] {strides = array<i32>} : memref<5376xi32, #tpu.memory_space<vmem>>, vector<16xi32>,
    %get3A_70 = vector.shape_cast %get3A_69 : vector<16xi32> to vector<16xi32>
    %swap3A_71 = arith.constant 48 : index
    %swap3A_72 = tpu.vector_load %arg9[%swap3A_71] {strides = array<i32>} : memref<128xi32, #tpu.memory_space<vmem>>, vector<16xi32>,
    %swap3A_73 = vector.shape_cast %swap3A_72 : vector<16xi32> to vector<16xi32>
    %swap3A_74 = vector.shape_cast %get3A_70 : vector<16xi32> to vector<16xi32>
    tpu.vector_store %arg9[%swap3A_71], %swap3A_74 {strides = array<i32>} : memref<128xi32, #tpu.memory_space<vmem>>, vector<16xi32>,
    %get3A_75 = arith.constant 48 : index
    %get3A_76 = tpu.vector_load %arg14[%get3A_75] {strides = array<i32>} : memref<5376xi32, #tpu.memory_space<vmem>>, vector<16xi32>,
    %get3A_77 = vector.shape_cast %get3A_76 : vector<16xi32> to vector<16xi32>
    %swap3A_78 = arith.constant 48 : index
    %swap3A_79 = tpu.vector_load %arg11[%swap3A_78] {strides = array<i32>} : memref<128xi32, #tpu.memory_space<vmem>>, vector<16xi32>,
    %swap3A_80 = vector.shape_cast %swap3A_79 : vector<16xi32> to vector<16xi32>
    %swap3A_81 = vector.shape_cast %get3A_77 : vector<16xi32> to vector<16xi32>
    tpu.vector_store %arg11[%swap3A_78], %swap3A_81 {strides = array<i32>} : memref<128xi32, #tpu.memory_space<vmem>>, vector<16xi32>,
    %get3A_82 = arith.constant 64 : index
    %get3A_83 = tpu.vector_load %arg13[%get3A_82] {strides = array<i32>} : memref<5376xi32, #tpu.memory_space<vmem>>, vector<16xi32>,
    %get3A_84 = vector.shape_cast %get3A_83 : vector<16xi32> to vector<16xi32>
    %swap3A_85 = arith.constant 64 : index
    %swap3A_86 = tpu.vector_load %arg9[%swap3A_85] {strides = array<i32>} : memref<128xi32, #tpu.memory_space<vmem>>, vector<16xi32>,
    %swap3A_87 = vector.shape_cast %swap3A_86 : vector<16xi32> to vector<16xi32>
    %swap3A_88 = vector.shape_cast %get3A_84 : vector<16xi32> to vector<16xi32>
    tpu.vector_store %arg9[%swap3A_85], %swap3A_88 {strides = array<i32>} : memref<128xi32, #tpu.memory_space<vmem>>, vector<16xi32>,
    %get3A_89 = arith.constant 64 : index
    %get3A_90 = tpu.vector_load %arg14[%get3A_89] {strides = array<i32>} : memref<5376xi32, #tpu.memory_space<vmem>>, vector<16xi32>,
    %get3A_91 = vector.shape_cast %get3A_90 : vector<16xi32> to vector<16xi32>
    %swap3A_92 = arith.constant 64 : index
    %swap3A_93 = tpu.vector_load %arg11[%swap3A_92] {strides = array<i32>} : memref<128xi32, #tpu.memory_space<vmem>>, vector<16xi32>,
    %swap3A_94 = vector.shape_cast %swap3A_93 : vector<16xi32> to vector<16xi32>
    %swap3A_95 = vector.shape_cast %get3A_91 : vector<16xi32> to vector<16xi32>
    tpu.vector_store %arg11[%swap3A_92], %swap3A_95 {strides = array<i32>} : memref<128xi32, #tpu.memory_space<vmem>>, vector<16xi32>,
    %get3A_96 = arith.constant 80 : index
    %get3A_97 = tpu.vector_load %arg13[%get3A_96] {strides = array<i32>} : memref<5376xi32, #tpu.memory_space<vmem>>, vector<16xi32>,
    %get3A_98 = vector.shape_cast %get3A_97 : vector<16xi32> to vector<16xi32>
    %swap3A_99 = arith.constant 80 : index
    %swap3A_100 = tpu.vector_load %arg9[%swap3A_99] {strides = array<i32>} : memref<128xi32, #tpu.memory_space<vmem>>, vector<16xi32>,
    %swap3A_101 = vector.shape_cast %swap3A_100 : vector<16xi32> to vector<16xi32>
    %swap3A_102 = vector.shape_cast %get3A_98 : vector<16xi32> to vector<16xi32>
    tpu.vector_store %arg9[%swap3A_99], %swap3A_102 {strides = array<i32>} : memref<128xi32, #tpu.memory_space<vmem>>, vector<16xi32>,
    %get3A_103 = arith.constant 80 : index
    %get3A_104 = tpu.vector_load %arg14[%get3A_103] {strides = array<i32>} : memref<5376xi32, #tpu.memory_space<vmem>>, vector<16xi32>,
    %get3A_105 = vector.shape_cast %get3A_104 : vector<16xi32> to vector<16xi32>
    %swap3A_106 = arith.constant 80 : index
    %swap3A_107 = tpu.vector_load %arg11[%swap3A_106] {strides = array<i32>} : memref<128xi32, #tpu.memory_space<vmem>>, vector<16xi32>,
    %swap3A_108 = vector.shape_cast %swap3A_107 : vector<16xi32> to vector<16xi32>
    %swap3A_109 = vector.shape_cast %get3A_105 : vector<16xi32> to vector<16xi32>
    tpu.vector_store %arg11[%swap3A_106], %swap3A_109 {strides = array<i32>} : memref<128xi32, #tpu.memory_space<vmem>>, vector<16xi32>,
    %get3A_110 = arith.constant 96 : index
    %get3A_111 = tpu.vector_load %arg13[%get3A_110] {strides = array<i32>} : memref<5376xi32, #tpu.memory_space<vmem>>, vector<16xi32>,
    %get3A_112 = vector.shape_cast %get3A_111 : vector<16xi32> to vector<16xi32>
    %swap3A_113 = arith.constant 96 : index
    %swap3A_114 = tpu.vector_load %arg9[%swap3A_113] {strides = array<i32>} : memref<128xi32, #tpu.memory_space<vmem>>, vector<16xi32>,
    %swap3A_115 = vector.shape_cast %swap3A_114 : vector<16xi32> to vector<16xi32>
    %swap3A_116 = vector.shape_cast %get3A_112 : vector<16xi32> to vector<16xi32>
    tpu.vector_store %arg9[%swap3A_113], %swap3A_116 {strides = array<i32>} : memref<128xi32, #tpu.memory_space<vmem>>, vector<16xi32>,
    %get3A_117 = arith.constant 96 : index
    %get3A_118 = tpu.vector_load %arg14[%get3A_117] {strides = array<i32>} : memref<5376xi32, #tpu.memory_space<vmem>>, vector<16xi32>,
    %get3A_119 = vector.shape_cast %get3A_118 : vector<16xi32> to vector<16xi32>
    %swap3A_120 = arith.constant 96 : index
    %swap3A_121 = tpu.vector_load %arg11[%swap3A_120] {strides = array<i32>} : memref<128xi32, #tpu.memory_space<vmem>>, vector<16xi32>,
    %swap3A_122 = vector.shape_cast %swap3A_121 : vector<16xi32> to vector<16xi32>
    %swap3A_123 = vector.shape_cast %get3A_119 : vector<16xi32> to vector<16xi32>
    tpu.vector_store %arg11[%swap3A_120], %swap3A_123 {strides = array<i32>} : memref<128xi32, #tpu.memory_space<vmem>>, vector<16xi32>,
    %get3A_124 = arith.constant 112 : index
    %get3A_125 = tpu.vector_load %arg13[%get3A_124] {strides = array<i32>} : memref<5376xi32, #tpu.memory_space<vmem>>, vector<16xi32>,
    %get3A_126 = vector.shape_cast %get3A_125 : vector<16xi32> to vector<16xi32>
    %swap3A_127 = arith.constant 112 : index
    %swap3A_128 = tpu.vector_load %arg9[%swap3A_127] {strides = array<i32>} : memref<128xi32, #tpu.memory_space<vmem>>, vector<16xi32>,
    %swap3A_129 = vector.shape_cast %swap3A_128 : vector<16xi32> to vector<16xi32>
    %swap3A_130 = vector.shape_cast %get3A_126 : vector<16xi32> to vector<16xi32>
    tpu.vector_store %arg9[%swap3A_127], %swap3A_130 {strides = array<i32>} : memref<128xi32, #tpu.memory_space<vmem>>, vector<16xi32>,
    %get3A_131 = arith.constant 112 : index
    %get3A_132 = tpu.vector_load %arg14[%get3A_131] {strides = array<i32>} : memref<5376xi32, #tpu.memory_space<vmem>>, vector<16xi32>,
    %get3A_133 = vector.shape_cast %get3A_132 : vector<16xi32> to vector<16xi32>
    %swap3A_134 = arith.constant 112 : index
    %swap3A_135 = tpu.vector_load %arg11[%swap3A_134] {strides = array<i32>} : memref<128xi32, #tpu.memory_space<vmem>>, vector<16xi32>,
    %swap3A_136 = vector.shape_cast %swap3A_135 : vector<16xi32> to vector<16xi32>
    %swap3A_137 = vector.shape_cast %get3A_133 : vector<16xi32> to vector<16xi32>
    tpu.vector_store %arg11[%swap3A_134], %swap3A_137 {strides = array<i32>} : memref<128xi32, #tpu.memory_space<vmem>>, vector<16xi32>,
    %dma_start3A = arith.constant 0 : i32
    %dma_start3A_138 = arith.constant 0 : i32
    %dma_start3A_139 = tpu.memref_slice %arg2[%dma_start3A, %dma_start3A_138] : memref<10240x16xf32, #tpu.memory_space<hbm>> -> memref<10240x16xf32, #tpu.memory_space<hbm>>
    tpu.enqueue_indirect_dma source(%dma_start3A_139 : memref<10240x16xf32, #tpu.memory_space<hbm>>) target(%arg15 : memref<128x16xf32, #tpu.memory_space<vmem>>) offsets(%arg9 : memref<128xi32, #tpu.memory_space<vmem>>) semaphore(%arg22 : memref<!tpu.dma_semaphore, #tpu.memory_space<semaphore_mem>>)
    %dma_start3A_140 = arith.constant 0 : i32
    %dma_start3A_141 = arith.constant 0 : i32
    %dma_start3A_142 = tpu.memref_slice %arg3[%dma_start3A_140, %dma_start3A_141] : memref<10240x16xf32, #tpu.memory_space<hbm>> -> memref<10240x16xf32, #tpu.memory_space<hbm>>
    tpu.enqueue_indirect_dma source(%dma_start3A_142 : memref<10240x16xf32, #tpu.memory_space<hbm>>) target(%arg17 : memref<128x16xf32, #tpu.memory_space<vmem>>) offsets(%arg9 : memref<128xi32, #tpu.memory_space<vmem>>) semaphore(%arg24 : memref<!tpu.dma_semaphore, #tpu.memory_space<semaphore_mem>>)
    %dma_start3A_143 = arith.constant 0 : i32
    %dma_start3A_144 = arith.constant 0 : i32
    %dma_start3A_145 = tpu.memref_slice %arg4[%dma_start3A_143, %dma_start3A_144] : memref<10240x16xf32, #tpu.memory_space<hbm>> -> memref<10240x16xf32, #tpu.memory_space<hbm>>
    tpu.enqueue_indirect_dma source(%dma_start3A_145 : memref<10240x16xf32, #tpu.memory_space<hbm>>) target(%arg19 : memref<128x16xf32, #tpu.memory_space<vmem>>) offsets(%arg11 : memref<128xi32, #tpu.memory_space<vmem>>) semaphore(%arg26 : memref<!tpu.dma_semaphore, #tpu.memory_space<semaphore_mem>>)
    %scan3A_146 = arith.constant 0 : i32
    %scan3A_147 = arith.constant 0 : i32
    %scan3A_148 = arith.constant 21 : i32
    %scan3A_149 = arith.addi %scan3A_147, %scan3A_148 : i32
    %scan3A_150 = arith.constant 1 : i32
    scf.for %scan3A_162 = %scan3A_147 to %scan3A_149 step %scan3A_150  : i32 {
      %mul3A_163 = arith.constant 2 : i32
      %mul3A_164 = arith.muli %mul3A_163, %scan3A_162 : i32
      %add3A_165 = arith.constant 0 : i32
      %add3A_166 = arith.addi %mul3A_164, %add3A_165 : i32
      %add3A_167 = arith.constant 1 : i32
      %add3A_168 = arith.addi %add3A_166, %add3A_167 : i32
      %lt3A = arith.constant 42 : i32
      %lt3A_169 = arith.cmpi slt, %add3A_168, %lt3A : i32
      %convert_element_type3A_170 = arith.extui %lt3A_169 : i1 to i32
      %cond3A_171 = arith.constant 0 : i32
      %cond3A_172 = arith.cmpi ne, %convert_element_type3A_170, %cond3A_171 : i32
      scf.if %cond3A_172 {
        %mul3A_206 = arith.constant 128 : i32
        %mul3A_207 = arith.muli %add3A_168, %mul3A_206 : i32
        %add3A_208 = arith.constant 0 : i32
        %add3A_209 = arith.addi %mul3A_207, %add3A_208 : i32
        %get3A_210 = arith.index_cast %add3A_209 : i32 to index
        %get3A_211 = tpu.vector_load %arg13[%get3A_210] {strides = array<i32>} : memref<5376xi32, #tpu.memory_space<vmem>>, vector<16xi32>,
        %get3A_212 = vector.shape_cast %get3A_211 : vector<16xi32> to vector<16xi32>
        %swap3A_213 = arith.constant 0 : index
        %swap3A_214 = tpu.vector_load %arg10[%swap3A_213] {strides = array<i32>} : memref<128xi32, #tpu.memory_space<vmem>>, vector<16xi32>,
        %swap3A_215 = vector.shape_cast %swap3A_214 : vector<16xi32> to vector<16xi32>
        %swap3A_216 = vector.shape_cast %get3A_212 : vector<16xi32> to vector<16xi32>
        tpu.vector_store %arg10[%swap3A_213], %swap3A_216 {strides = array<i32>} : memref<128xi32, #tpu.memory_space<vmem>>, vector<16xi32>,
        %mul3A_217 = arith.constant 128 : i32
        %mul3A_218 = arith.muli %add3A_168, %mul3A_217 : i32
        %add3A_219 = arith.constant 0 : i32
        %add3A_220 = arith.addi %mul3A_218, %add3A_219 : i32
        %get3A_221 = arith.index_cast %add3A_220 : i32 to index
        %get3A_222 = tpu.vector_load %arg14[%get3A_221] {strides = array<i32>} : memref<5376xi32, #tpu.memory_space<vmem>>, vector<16xi32>,
        %get3A_223 = vector.shape_cast %get3A_222 : vector<16xi32> to vector<16xi32>
        %swap3A_224 = arith.constant 0 : index
        %swap3A_225 = tpu.vector_load %arg12[%swap3A_224] {strides = array<i32>} : memref<128xi32, #tpu.memory_space<vmem>>, vector<16xi32>,
        %swap3A_226 = vector.shape_cast %swap3A_225 : vector<16xi32> to vector<16xi32>
        %swap3A_227 = vector.shape_cast %get3A_223 : vector<16xi32> to vector<16xi32>
        tpu.vector_store %arg12[%swap3A_224], %swap3A_227 {strides = array<i32>} : memref<128xi32, #tpu.memory_space<vmem>>, vector<16xi32>,
        %mul3A_228 = arith.constant 128 : i32
        %mul3A_229 = arith.muli %add3A_168, %mul3A_228 : i32
        %add3A_230 = arith.constant 16 : i32
        %add3A_231 = arith.addi %mul3A_229, %add3A_230 : i32
        %get3A_232 = arith.index_cast %add3A_231 : i32 to index
        %get3A_233 = tpu.vector_load %arg13[%get3A_232] {strides = array<i32>} : memref<5376xi32, #tpu.memory_space<vmem>>, vector<16xi32>,
        %get3A_234 = vector.shape_cast %get3A_233 : vector<16xi32> to vector<16xi32>
        %swap3A_235 = arith.constant 16 : index
        %swap3A_236 = tpu.vector_load %arg10[%swap3A_235] {strides = array<i32>} : memref<128xi32, #tpu.memory_space<vmem>>, vector<16xi32>,
        %swap3A_237 = vector.shape_cast %swap3A_236 : vector<16xi32> to vector<16xi32>
        %swap3A_238 = vector.shape_cast %get3A_234 : vector<16xi32> to vector<16xi32>
        tpu.vector_store %arg10[%swap3A_235], %swap3A_238 {strides = array<i32>} : memref<128xi32, #tpu.memory_space<vmem>>, vector<16xi32>,
        %mul3A_239 = arith.constant 128 : i32
        %mul3A_240 = arith.muli %add3A_168, %mul3A_239 : i32
        %add3A_241 = arith.constant 16 : i32
        %add3A_242 = arith.addi %mul3A_240, %add3A_241 : i32
        %get3A_243 = arith.index_cast %add3A_242 : i32 to index
        %get3A_244 = tpu.vector_load %arg14[%get3A_243] {strides = array<i32>} : memref<5376xi32, #tpu.memory_space<vmem>>, vector<16xi32>,
        %get3A_245 = vector.shape_cast %get3A_244 : vector<16xi32> to vector<16xi32>
        %swap3A_246 = arith.constant 16 : index
        %swap3A_247 = tpu.vector_load %arg12[%swap3A_246] {strides = array<i32>} : memref<128xi32, #tpu.memory_space<vmem>>, vector<16xi32>,
        %swap3A_248 = vector.shape_cast %swap3A_247 : vector<16xi32> to vector<16xi32>
        %swap3A_249 = vector.shape_cast %get3A_245 : vector<16xi32> to vector<16xi32>
        tpu.vector_store %arg12[%swap3A_246], %swap3A_249 {strides = array<i32>} : memref<128xi32, #tpu.memory_space<vmem>>, vector<16xi32>,
        %mul3A_250 = arith.constant 128 : i32
        %mul3A_251 = arith.muli %add3A_168, %mul3A_250 : i32
        %add3A_252 = arith.constant 32 : i32
        %add3A_253 = arith.addi %mul3A_251, %add3A_252 : i32
        %get3A_254 = arith.index_cast %add3A_253 : i32 to index
        %get3A_255 = tpu.vector_load %arg13[%get3A_254] {strides = array<i32>} : memref<5376xi32, #tpu.memory_space<vmem>>, vector<16xi32>,
        %get3A_256 = vector.shape_cast %get3A_255 : vector<16xi32> to vector<16xi32>
        %swap3A_257 = arith.constant 32 : index
        %swap3A_258 = tpu.vector_load %arg10[%swap3A_257] {strides = array<i32>} : memref<128xi32, #tpu.memory_space<vmem>>, vector<16xi32>,
        %swap3A_259 = vector.shape_cast %swap3A_258 : vector<16xi32> to vector<16xi32>
        %swap3A_260 = vector.shape_cast %get3A_256 : vector<16xi32> to vector<16xi32>
        tpu.vector_store %arg10[%swap3A_257], %swap3A_260 {strides = array<i32>} : memref<128xi32, #tpu.memory_space<vmem>>, vector<16xi32>,
        %mul3A_261 = arith.constant 128 : i32
        %mul3A_262 = arith.muli %add3A_168, %mul3A_261 : i32
        %add3A_263 = arith.constant 32 : i32
        %add3A_264 = arith.addi %mul3A_262, %add3A_263 : i32
        %get3A_265 = arith.index_cast %add3A_264 : i32 to index
        %get3A_266 = tpu.vector_load %arg14[%get3A_265] {strides = array<i32>} : memref<5376xi32, #tpu.memory_space<vmem>>, vector<16xi32>,
        %get3A_267 = vector.shape_cast %get3A_266 : vector<16xi32> to vector<16xi32>
        %swap3A_268 = arith.constant 32 : index
        %swap3A_269 = tpu.vector_load %arg12[%swap3A_268] {strides = array<i32>} : memref<128xi32, #tpu.memory_space<vmem>>, vector<16xi32>,
        %swap3A_270 = vector.shape_cast %swap3A_269 : vector<16xi32> to vector<16xi32>
        %swap3A_271 = vector.shape_cast %get3A_267 : vector<16xi32> to vector<16xi32>
        tpu.vector_store %arg12[%swap3A_268], %swap3A_271 {strides = array<i32>} : memref<128xi32, #tpu.memory_space<vmem>>, vector<16xi32>,
        %mul3A_272 = arith.constant 128 : i32
        %mul3A_273 = arith.muli %add3A_168, %mul3A_272 : i32
        %add3A_274 = arith.constant 48 : i32
        %add3A_275 = arith.addi %mul3A_273, %add3A_274 : i32
        %get3A_276 = arith.index_cast %add3A_275 : i32 to index
        %get3A_277 = tpu.vector_load %arg13[%get3A_276] {strides = array<i32>} : memref<5376xi32, #tpu.memory_space<vmem>>, vector<16xi32>,
        %get3A_278 = vector.shape_cast %get3A_277 : vector<16xi32> to vector<16xi32>
        %swap3A_279 = arith.constant 48 : index
        %swap3A_280 = tpu.vector_load %arg10[%swap3A_279] {strides = array<i32>} : memref<128xi32, #tpu.memory_space<vmem>>, vector<16xi32>,
        %swap3A_281 = vector.shape_cast %swap3A_280 : vector<16xi32> to vector<16xi32>
        %swap3A_282 = vector.shape_cast %get3A_278 : vector<16xi32> to vector<16xi32>
        tpu.vector_store %arg10[%swap3A_279], %swap3A_282 {strides = array<i32>} : memref<128xi32, #tpu.memory_space<vmem>>, vector<16xi32>,
        %mul3A_283 = arith.constant 128 : i32
        %mul3A_284 = arith.muli %add3A_168, %mul3A_283 : i32
        %add3A_285 = arith.constant 48 : i32
        %add3A_286 = arith.addi %mul3A_284, %add3A_285 : i32
        %get3A_287 = arith.index_cast %add3A_286 : i32 to index
        %get3A_288 = tpu.vector_load %arg14[%get3A_287] {strides = array<i32>} : memref<5376xi32, #tpu.memory_space<vmem>>, vector<16xi32>,
        %get3A_289 = vector.shape_cast %get3A_288 : vector<16xi32> to vector<16xi32>
        %swap3A_290 = arith.constant 48 : index
        %swap3A_291 = tpu.vector_load %arg12[%swap3A_290] {strides = array<i32>} : memref<128xi32, #tpu.memory_space<vmem>>, vector<16xi32>,
        %swap3A_292 = vector.shape_cast %swap3A_291 : vector<16xi32> to vector<16xi32>
        %swap3A_293 = vector.shape_cast %get3A_289 : vector<16xi32> to vector<16xi32>
        tpu.vector_store %arg12[%swap3A_290], %swap3A_293 {strides = array<i32>} : memref<128xi32, #tpu.memory_space<vmem>>, vector<16xi32>,
        %mul3A_294 = arith.constant 128 : i32
        %mul3A_295 = arith.muli %add3A_168, %mul3A_294 : i32
        %add3A_296 = arith.constant 64 : i32
        %add3A_297 = arith.addi %mul3A_295, %add3A_296 : i32
        %get3A_298 = arith.index_cast %add3A_297 : i32 to index
        %get3A_299 = tpu.vector_load %arg13[%get3A_298] {strides = array<i32>} : memref<5376xi32, #tpu.memory_space<vmem>>, vector<16xi32>,
        %get3A_300 = vector.shape_cast %get3A_299 : vector<16xi32> to vector<16xi32>
        %swap3A_301 = arith.constant 64 : index
        %swap3A_302 = tpu.vector_load %arg10[%swap3A_301] {strides = array<i32>} : memref<128xi32, #tpu.memory_space<vmem>>, vector<16xi32>,
        %swap3A_303 = vector.shape_cast %swap3A_302 : vector<16xi32> to vector<16xi32>
        %swap3A_304 = vector.shape_cast %get3A_300 : vector<16xi32> to vector<16xi32>
        tpu.vector_store %arg10[%swap3A_301], %swap3A_304 {strides = array<i32>} : memref<128xi32, #tpu.memory_space<vmem>>, vector<16xi32>,
        %mul3A_305 = arith.constant 128 : i32
        %mul3A_306 = arith.muli %add3A_168, %mul3A_305 : i32
        %add3A_307 = arith.constant 64 : i32
        %add3A_308 = arith.addi %mul3A_306, %add3A_307 : i32
        %get3A_309 = arith.index_cast %add3A_308 : i32 to index
        %get3A_310 = tpu.vector_load %arg14[%get3A_309] {strides = array<i32>} : memref<5376xi32, #tpu.memory_space<vmem>>, vector<16xi32>,
        %get3A_311 = vector.shape_cast %get3A_310 : vector<16xi32> to vector<16xi32>
        %swap3A_312 = arith.constant 64 : index
        %swap3A_313 = tpu.vector_load %arg12[%swap3A_312] {strides = array<i32>} : memref<128xi32, #tpu.memory_space<vmem>>, vector<16xi32>,
        %swap3A_314 = vector.shape_cast %swap3A_313 : vector<16xi32> to vector<16xi32>
        %swap3A_315 = vector.shape_cast %get3A_311 : vector<16xi32> to vector<16xi32>
        tpu.vector_store %arg12[%swap3A_312], %swap3A_315 {strides = array<i32>} : memref<128xi32, #tpu.memory_space<vmem>>, vector<16xi32>,
        %mul3A_316 = arith.constant 128 : i32
        %mul3A_317 = arith.muli %add3A_168, %mul3A_316 : i32
        %add3A_318 = arith.constant 80 : i32
        %add3A_319 = arith.addi %mul3A_317, %add3A_318 : i32
        %get3A_320 = arith.index_cast %add3A_319 : i32 to index
        %get3A_321 = tpu.vector_load %arg13[%get3A_320] {strides = array<i32>} : memref<5376xi32, #tpu.memory_space<vmem>>, vector<16xi32>,
        %get3A_322 = vector.shape_cast %get3A_321 : vector<16xi32> to vector<16xi32>
        %swap3A_323 = arith.constant 80 : index
        %swap3A_324 = tpu.vector_load %arg10[%swap3A_323] {strides = array<i32>} : memref<128xi32, #tpu.memory_space<vmem>>, vector<16xi32>,
        %swap3A_325 = vector.shape_cast %swap3A_324 : vector<16xi32> to vector<16xi32>
        %swap3A_326 = vector.shape_cast %get3A_322 : vector<16xi32> to vector<16xi32>
        tpu.vector_store %arg10[%swap3A_323], %swap3A_326 {strides = array<i32>} : memref<128xi32, #tpu.memory_space<vmem>>, vector<16xi32>,
        %mul3A_327 = arith.constant 128 : i32
        %mul3A_328 = arith.muli %add3A_168, %mul3A_327 : i32
        %add3A_329 = arith.constant 80 : i32
        %add3A_330 = arith.addi %mul3A_328, %add3A_329 : i32
        %get3A_331 = arith.index_cast %add3A_330 : i32 to index
        %get3A_332 = tpu.vector_load %arg14[%get3A_331] {strides = array<i32>} : memref<5376xi32, #tpu.memory_space<vmem>>, vector<16xi32>,
        %get3A_333 = vector.shape_cast %get3A_332 : vector<16xi32> to vector<16xi32>
        %swap3A_334 = arith.constant 80 : index
        %swap3A_335 = tpu.vector_load %arg12[%swap3A_334] {strides = array<i32>} : memref<128xi32, #tpu.memory_space<vmem>>, vector<16xi32>,
        %swap3A_336 = vector.shape_cast %swap3A_335 : vector<16xi32> to vector<16xi32>
        %swap3A_337 = vector.shape_cast %get3A_333 : vector<16xi32> to vector<16xi32>
        tpu.vector_store %arg12[%swap3A_334], %swap3A_337 {strides = array<i32>} : memref<128xi32, #tpu.memory_space<vmem>>, vector<16xi32>,
        %mul3A_338 = arith.constant 128 : i32
        %mul3A_339 = arith.muli %add3A_168, %mul3A_338 : i32
        %add3A_340 = arith.constant 96 : i32
        %add3A_341 = arith.addi %mul3A_339, %add3A_340 : i32
        %get3A_342 = arith.index_cast %add3A_341 : i32 to index
        %get3A_343 = tpu.vector_load %arg13[%get3A_342] {strides = array<i32>} : memref<5376xi32, #tpu.memory_space<vmem>>, vector<16xi32>,
        %get3A_344 = vector.shape_cast %get3A_343 : vector<16xi32> to vector<16xi32>
        %swap3A_345 = arith.constant 96 : index
        %swap3A_346 = tpu.vector_load %arg10[%swap3A_345] {strides = array<i32>} : memref<128xi32, #tpu.memory_space<vmem>>, vector<16xi32>,
        %swap3A_347 = vector.shape_cast %swap3A_346 : vector<16xi32> to vector<16xi32>
        %swap3A_348 = vector.shape_cast %get3A_344 : vector<16xi32> to vector<16xi32>
        tpu.vector_store %arg10[%swap3A_345], %swap3A_348 {strides = array<i32>} : memref<128xi32, #tpu.memory_space<vmem>>, vector<16xi32>,
        %mul3A_349 = arith.constant 128 : i32
        %mul3A_350 = arith.muli %add3A_168, %mul3A_349 : i32
        %add3A_351 = arith.constant 96 : i32
        %add3A_352 = arith.addi %mul3A_350, %add3A_351 : i32
        %get3A_353 = arith.index_cast %add3A_352 : i32 to index
        %get3A_354 = tpu.vector_load %arg14[%get3A_353] {strides = array<i32>} : memref<5376xi32, #tpu.memory_space<vmem>>, vector<16xi32>,
        %get3A_355 = vector.shape_cast %get3A_354 : vector<16xi32> to vector<16xi32>
        %swap3A_356 = arith.constant 96 : index
        %swap3A_357 = tpu.vector_load %arg12[%swap3A_356] {strides = array<i32>} : memref<128xi32, #tpu.memory_space<vmem>>, vector<16xi32>,
        %swap3A_358 = vector.shape_cast %swap3A_357 : vector<16xi32> to vector<16xi32>
        %swap3A_359 = vector.shape_cast %get3A_355 : vector<16xi32> to vector<16xi32>
        tpu.vector_store %arg12[%swap3A_356], %swap3A_359 {strides = array<i32>} : memref<128xi32, #tpu.memory_space<vmem>>, vector<16xi32>,
        %mul3A_360 = arith.constant 128 : i32
        %mul3A_361 = arith.muli %add3A_168, %mul3A_360 : i32
        %add3A_362 = arith.constant 112 : i32
        %add3A_363 = arith.addi %mul3A_361, %add3A_362 : i32
        %get3A_364 = arith.index_cast %add3A_363 : i32 to index
        %get3A_365 = tpu.vector_load %arg13[%get3A_364] {strides = array<i32>} : memref<5376xi32, #tpu.memory_space<vmem>>, vector<16xi32>,
        %get3A_366 = vector.shape_cast %get3A_365 : vector<16xi32> to vector<16xi32>
        %swap3A_367 = arith.constant 112 : index
        %swap3A_368 = tpu.vector_load %arg10[%swap3A_367] {strides = array<i32>} : memref<128xi32, #tpu.memory_space<vmem>>, vector<16xi32>,
        %swap3A_369 = vector.shape_cast %swap3A_368 : vector<16xi32> to vector<16xi32>
        %swap3A_370 = vector.shape_cast %get3A_366 : vector<16xi32> to vector<16xi32>
        tpu.vector_store %arg10[%swap3A_367], %swap3A_370 {strides = array<i32>} : memref<128xi32, #tpu.memory_space<vmem>>, vector<16xi32>,
        %mul3A_371 = arith.constant 128 : i32
        %mul3A_372 = arith.muli %add3A_168, %mul3A_371 : i32
        %add3A_373 = arith.constant 112 : i32
        %add3A_374 = arith.addi %mul3A_372, %add3A_373 : i32
        %get3A_375 = arith.index_cast %add3A_374 : i32 to index
        %get3A_376 = tpu.vector_load %arg14[%get3A_375] {strides = array<i32>} : memref<5376xi32, #tpu.memory_space<vmem>>, vector<16xi32>,
        %get3A_377 = vector.shape_cast %get3A_376 : vector<16xi32> to vector<16xi32>
        %swap3A_378 = arith.constant 112 : index
        %swap3A_379 = tpu.vector_load %arg12[%swap3A_378] {strides = array<i32>} : memref<128xi32, #tpu.memory_space<vmem>>, vector<16xi32>,
        %swap3A_380 = vector.shape_cast %swap3A_379 : vector<16xi32> to vector<16xi32>
        %swap3A_381 = vector.shape_cast %get3A_377 : vector<16xi32> to vector<16xi32>
        tpu.vector_store %arg12[%swap3A_378], %swap3A_381 {strides = array<i32>} : memref<128xi32, #tpu.memory_space<vmem>>, vector<16xi32>,
        %dma_start3A_382 = arith.constant 0 : i32
        %dma_start3A_383 = arith.constant 0 : i32
        %dma_start3A_384 = tpu.memref_slice %arg2[%dma_start3A_382, %dma_start3A_383] : memref<10240x16xf32, #tpu.memory_space<hbm>> -> memref<10240x16xf32, #tpu.memory_space<hbm>>
        tpu.enqueue_indirect_dma source(%dma_start3A_384 : memref<10240x16xf32, #tpu.memory_space<hbm>>) target(%arg16 : memref<128x16xf32, #tpu.memory_space<vmem>>) offsets(%arg10 : memref<128xi32, #tpu.memory_space<vmem>>) semaphore(%arg23 : memref<!tpu.dma_semaphore, #tpu.memory_space<semaphore_mem>>)
        %dma_start3A_385 = arith.constant 0 : i32
        %dma_start3A_386 = arith.constant 0 : i32
        %dma_start3A_387 = tpu.memref_slice %arg3[%dma_start3A_385, %dma_start3A_386] : memref<10240x16xf32, #tpu.memory_space<hbm>> -> memref<10240x16xf32, #tpu.memory_space<hbm>>
        tpu.enqueue_indirect_dma source(%dma_start3A_387 : memref<10240x16xf32, #tpu.memory_space<hbm>>) target(%arg18 : memref<128x16xf32, #tpu.memory_space<vmem>>) offsets(%arg10 : memref<128xi32, #tpu.memory_space<vmem>>) semaphore(%arg25 : memref<!tpu.dma_semaphore, #tpu.memory_space<semaphore_mem>>)
        %dma_start3A_388 = arith.constant 0 : i32
        %dma_start3A_389 = arith.constant 0 : i32
        %dma_start3A_390 = tpu.memref_slice %arg4[%dma_start3A_388, %dma_start3A_389] : memref<10240x16xf32, #tpu.memory_space<hbm>> -> memref<10240x16xf32, #tpu.memory_space<hbm>>
        tpu.enqueue_indirect_dma source(%dma_start3A_390 : memref<10240x16xf32, #tpu.memory_space<hbm>>) target(%arg20 : memref<128x16xf32, #tpu.memory_space<vmem>>) offsets(%arg12 : memref<128xi32, #tpu.memory_space<vmem>>) semaphore(%arg27 : memref<!tpu.dma_semaphore, #tpu.memory_space<semaphore_mem>>)
      } else {
      }
      %dma_wait3A = arith.constant 0 : i32
      %dma_wait3A_173 = arith.constant 0 : i32
      %dma_wait3A_174 = tpu.memref_slice %arg2[%dma_wait3A, %dma_wait3A_173] : memref<10240x16xf32, #tpu.memory_space<hbm>> -> memref<10240x16xf32, #tpu.memory_space<hbm>>
      tpu.wait_indirect_dma semaphore(%arg22 : memref<!tpu.dma_semaphore, #tpu.memory_space<semaphore_mem>>) src(%dma_wait3A_174 : memref<10240x16xf32, #tpu.memory_space<hbm>>) dst(%arg15 : memref<128x16xf32, #tpu.memory_space<vmem>>)
      %dma_wait3A_175 = arith.constant 0 : i32
      %dma_wait3A_176 = arith.constant 0 : i32
      %dma_wait3A_177 = tpu.memref_slice %arg3[%dma_wait3A_175, %dma_wait3A_176] : memref<10240x16xf32, #tpu.memory_space<hbm>> -> memref<10240x16xf32, #tpu.memory_space<hbm>>
      tpu.wait_indirect_dma semaphore(%arg24 : memref<!tpu.dma_semaphore, #tpu.memory_space<semaphore_mem>>) src(%dma_wait3A_177 : memref<10240x16xf32, #tpu.memory_space<hbm>>) dst(%arg17 : memref<128x16xf32, #tpu.memory_space<vmem>>)
      %dma_wait3A_178 = arith.constant 0 : i32
      %dma_wait3A_179 = arith.constant 0 : i32
      %dma_wait3A_180 = tpu.memref_slice %arg4[%dma_wait3A_178, %dma_wait3A_179] : memref<10240x16xf32, #tpu.memory_space<hbm>> -> memref<10240x16xf32, #tpu.memory_space<hbm>>
      tpu.wait_indirect_dma semaphore(%arg26 : memref<!tpu.dma_semaphore, #tpu.memory_space<semaphore_mem>>) src(%dma_wait3A_180 : memref<10240x16xf32, #tpu.memory_space<hbm>>) dst(%arg19 : memref<128x16xf32, #tpu.memory_space<vmem>>)
      %parallel_loop3A = arith.constant 0 : i32
      %parallel_loop3A_181 = arith.constant 128 : i32
      %parallel_loop3A_182 = arith.constant 1 : i32
      scf.for %parallel_loop3A_206 = %parallel_loop3A to %parallel_loop3A_181 step %parallel_loop3A_182  : i32 {
        %parallel_loop3A_207 = arith.index_cast %parallel_loop3A_206 : i32 to index
        %parallel_loop3A_208 = arith.constant 0 : index
        %parallel_loop3A_209 = tpu.vector_load %arg17[%parallel_loop3A_207, %parallel_loop3A_208] {strides = array<i32>} : memref<128x16xf32, #tpu.memory_space<vmem>>, vector<1x16xf32>,
        %parallel_loop3A_210 = vector.shape_cast %parallel_loop3A_209 : vector<1x16xf32> to vector<16xf32>
        %parallel_loop3A_211 = arith.index_cast %parallel_loop3A_206 : i32 to index
        %parallel_loop3A_212 = arith.constant 0 : index
        %parallel_loop3A_213 = tpu.vector_load %arg19[%parallel_loop3A_211, %parallel_loop3A_212] {strides = array<i32>} : memref<128x16xf32, #tpu.memory_space<vmem>>, vector<1x16xf32>,
        %parallel_loop3A_214 = vector.shape_cast %parallel_loop3A_213 : vector<1x16xf32> to vector<16xf32>
        %parallel_loop3A_215 = arith.addf %parallel_loop3A_210, %parallel_loop3A_214 : vector<16xf32>
        %parallel_loop3A_216 = arith.constant 0.000000e+00 : f32
        %parallel_loop3A_217 = vector.broadcast %parallel_loop3A_216 : f32 to vector<16xf32>
        %parallel_loop3A_218 = arith.cmpf oge, %parallel_loop3A_215, %parallel_loop3A_217 : vector<16xf32>
        %parallel_loop3A_219 = arith.constant 2.000000e-01 : f32
        %parallel_loop3A_220 = vector.broadcast %parallel_loop3A_219 : f32 to vector<16xf32>
        %parallel_loop3A_221 = arith.mulf %parallel_loop3A_220, %parallel_loop3A_215 : vector<16xf32>
        %parallel_loop3A_222 = arith.select %parallel_loop3A_218, %parallel_loop3A_215, %parallel_loop3A_221 : vector<16xi1>, vector<16xf32>
        %parallel_loop3A_223 = arith.index_cast %parallel_loop3A_206 : i32 to index
        %parallel_loop3A_224 = arith.constant 0 : index
        %parallel_loop3A_225 = tpu.vector_load %arg15[%parallel_loop3A_223, %parallel_loop3A_224] {strides = array<i32>} : memref<128x16xf32, #tpu.memory_space<vmem>>, vector<1x16xf32>,
        %parallel_loop3A_226 = vector.shape_cast %parallel_loop3A_225 : vector<1x16xf32> to vector<16xf32>
        %parallel_loop3A_227 = math.exp %parallel_loop3A_222 : vector<16xf32>
        %parallel_loop3A_228 = arith.mulf %parallel_loop3A_226, %parallel_loop3A_227 : vector<16xf32>
        %parallel_loop3A_229 = arith.index_cast %parallel_loop3A_206 : i32 to index
        %parallel_loop3A_230 = arith.constant 0 : index
        %parallel_loop3A_231 = tpu.vector_load %arg15[%parallel_loop3A_229, %parallel_loop3A_230] {strides = array<i32>} : memref<128x16xf32, #tpu.memory_space<vmem>>, vector<1x16xf32>,
        %parallel_loop3A_232 = vector.shape_cast %parallel_loop3A_231 : vector<1x16xf32> to vector<16xf32>
        %parallel_loop3A_233 = vector.shape_cast %parallel_loop3A_228 : vector<16xf32> to vector<1x16xf32>
        tpu.vector_store %arg15[%parallel_loop3A_229, %parallel_loop3A_230], %parallel_loop3A_233 {strides = array<i32>} : memref<128x16xf32, #tpu.memory_space<vmem>>, vector<1x16xf32>,
      } {sc.loop_unroll_factor = 2 : i64, sc.parallel_access}
      "tpu.region"() ({
        %run_scoped3A = tpu.sem_alloc : memref<!tpu.dma_semaphore, #tpu.memory_space<semaphore_mem>>
        %dma_start3A_206 = arith.constant 0 : i32
        %dma_start3A_207 = arith.constant 0 : i32
        %dma_start3A_208 = tpu.memref_slice %arg21[%dma_start3A_206, %dma_start3A_207] : memref<10240x16xf32, #tpu.memory_space<vmem_shared>> -> memref<10240x16xf32, #tpu.memory_space<vmem_shared>>
        tpu.enqueue_indirect_dma source(%arg15 : memref<128x16xf32, #tpu.memory_space<vmem>>) target(%dma_start3A_208 : memref<10240x16xf32, #tpu.memory_space<vmem_shared>>) offsets(%arg11 : memref<128xi32, #tpu.memory_space<vmem>>) semaphore(%run_scoped3A : memref<!tpu.dma_semaphore, #tpu.memory_space<semaphore_mem>>) {add = true}
        %dma_wait3A_209 = arith.constant 0 : i32
        %dma_wait3A_210 = arith.constant 0 : i32
        %dma_wait3A_211 = tpu.memref_slice %arg21[%dma_wait3A_209, %dma_wait3A_210] : memref<10240x16xf32, #tpu.memory_space<vmem_shared>> -> memref<10240x16xf32, #tpu.memory_space<vmem_shared>>
        tpu.wait_indirect_dma semaphore(%run_scoped3A : memref<!tpu.dma_semaphore, #tpu.memory_space<semaphore_mem>>) src(%arg15 : memref<128x16xf32, #tpu.memory_space<vmem>>) dst(%dma_wait3A_211 : memref<10240x16xf32, #tpu.memory_space<vmem_shared>>)
        tpu.yield
      }) : () -> ()
      %mul3A_183 = arith.constant 2 : i32
      %mul3A_184 = arith.muli %mul3A_183, %scan3A_162 : i32
      %add3A_185 = arith.constant 1 : i32
      %add3A_186 = arith.addi %mul3A_184, %add3A_185 : i32
      %add3A_187 = arith.constant 1 : i32
      %add3A_188 = arith.addi %add3A_186, %add3A_187 : i32
      %lt3A_189 = arith.constant 42 : i32
      %lt3A_190 = arith.cmpi slt, %add3A_188, %lt3A_189 : i32
      %convert_element_type3A_191 = arith.extui %lt3A_190 : i1 to i32
      %cond3A_192 = arith.constant 0 : i32
      %cond3A_193 = arith.cmpi ne, %convert_element_type3A_191, %cond3A_192 : i32
      scf.if %cond3A_193 {
        %mul3A_206 = arith.constant 128 : i32
        %mul3A_207 = arith.muli %add3A_188, %mul3A_206 : i32
        %add3A_208 = arith.constant 0 : i32
        %add3A_209 = arith.addi %mul3A_207, %add3A_208 : i32
        %get3A_210 = arith.index_cast %add3A_209 : i32 to index
        %get3A_211 = tpu.vector_load %arg13[%get3A_210] {strides = array<i32>} : memref<5376xi32, #tpu.memory_space<vmem>>, vector<16xi32>,
        %get3A_212 = vector.shape_cast %get3A_211 : vector<16xi32> to vector<16xi32>
        %swap3A_213 = arith.constant 0 : index
        %swap3A_214 = tpu.vector_load %arg9[%swap3A_213] {strides = array<i32>} : memref<128xi32, #tpu.memory_space<vmem>>, vector<16xi32>,
        %swap3A_215 = vector.shape_cast %swap3A_214 : vector<16xi32> to vector<16xi32>
        %swap3A_216 = vector.shape_cast %get3A_212 : vector<16xi32> to vector<16xi32>
        tpu.vector_store %arg9[%swap3A_213], %swap3A_216 {strides = array<i32>} : memref<128xi32, #tpu.memory_space<vmem>>, vector<16xi32>,
        %mul3A_217 = arith.constant 128 : i32
        %mul3A_218 = arith.muli %add3A_188, %mul3A_217 : i32
        %add3A_219 = arith.constant 0 : i32
        %add3A_220 = arith.addi %mul3A_218, %add3A_219 : i32
        %get3A_221 = arith.index_cast %add3A_220 : i32 to index
        %get3A_222 = tpu.vector_load %arg14[%get3A_221] {strides = array<i32>} : memref<5376xi32, #tpu.memory_space<vmem>>, vector<16xi32>,
        %get3A_223 = vector.shape_cast %get3A_222 : vector<16xi32> to vector<16xi32>
        %swap3A_224 = arith.constant 0 : index
        %swap3A_225 = tpu.vector_load %arg11[%swap3A_224] {strides = array<i32>} : memref<128xi32, #tpu.memory_space<vmem>>, vector<16xi32>,
        %swap3A_226 = vector.shape_cast %swap3A_225 : vector<16xi32> to vector<16xi32>
        %swap3A_227 = vector.shape_cast %get3A_223 : vector<16xi32> to vector<16xi32>
        tpu.vector_store %arg11[%swap3A_224], %swap3A_227 {strides = array<i32>} : memref<128xi32, #tpu.memory_space<vmem>>, vector<16xi32>,
        %mul3A_228 = arith.constant 128 : i32
        %mul3A_229 = arith.muli %add3A_188, %mul3A_228 : i32
        %add3A_230 = arith.constant 16 : i32
        %add3A_231 = arith.addi %mul3A_229, %add3A_230 : i32
        %get3A_232 = arith.index_cast %add3A_231 : i32 to index
        %get3A_233 = tpu.vector_load %arg13[%get3A_232] {strides = array<i32>} : memref<5376xi32, #tpu.memory_space<vmem>>, vector<16xi32>,
        %get3A_234 = vector.shape_cast %get3A_233 : vector<16xi32> to vector<16xi32>
        %swap3A_235 = arith.constant 16 : index
        %swap3A_236 = tpu.vector_load %arg9[%swap3A_235] {strides = array<i32>} : memref<128xi32, #tpu.memory_space<vmem>>, vector<16xi32>,
        %swap3A_237 = vector.shape_cast %swap3A_236 : vector<16xi32> to vector<16xi32>
        %swap3A_238 = vector.shape_cast %get3A_234 : vector<16xi32> to vector<16xi32>
        tpu.vector_store %arg9[%swap3A_235], %swap3A_238 {strides = array<i32>} : memref<128xi32, #tpu.memory_space<vmem>>, vector<16xi32>,
        %mul3A_239 = arith.constant 128 : i32
        %mul3A_240 = arith.muli %add3A_188, %mul3A_239 : i32
        %add3A_241 = arith.constant 16 : i32
        %add3A_242 = arith.addi %mul3A_240, %add3A_241 : i32
        %get3A_243 = arith.index_cast %add3A_242 : i32 to index
        %get3A_244 = tpu.vector_load %arg14[%get3A_243] {strides = array<i32>} : memref<5376xi32, #tpu.memory_space<vmem>>, vector<16xi32>,
        %get3A_245 = vector.shape_cast %get3A_244 : vector<16xi32> to vector<16xi32>
        %swap3A_246 = arith.constant 16 : index
        %swap3A_247 = tpu.vector_load %arg11[%swap3A_246] {strides = array<i32>} : memref<128xi32, #tpu.memory_space<vmem>>, vector<16xi32>,
        %swap3A_248 = vector.shape_cast %swap3A_247 : vector<16xi32> to vector<16xi32>
        %swap3A_249 = vector.shape_cast %get3A_245 : vector<16xi32> to vector<16xi32>
        tpu.vector_store %arg11[%swap3A_246], %swap3A_249 {strides = array<i32>} : memref<128xi32, #tpu.memory_space<vmem>>, vector<16xi32>,
        %mul3A_250 = arith.constant 128 : i32
        %mul3A_251 = arith.muli %add3A_188, %mul3A_250 : i32
        %add3A_252 = arith.constant 32 : i32
        %add3A_253 = arith.addi %mul3A_251, %add3A_252 : i32
        %get3A_254 = arith.index_cast %add3A_253 : i32 to index
        %get3A_255 = tpu.vector_load %arg13[%get3A_254] {strides = array<i32>} : memref<5376xi32, #tpu.memory_space<vmem>>, vector<16xi32>,
        %get3A_256 = vector.shape_cast %get3A_255 : vector<16xi32> to vector<16xi32>
        %swap3A_257 = arith.constant 32 : index
        %swap3A_258 = tpu.vector_load %arg9[%swap3A_257] {strides = array<i32>} : memref<128xi32, #tpu.memory_space<vmem>>, vector<16xi32>,
        %swap3A_259 = vector.shape_cast %swap3A_258 : vector<16xi32> to vector<16xi32>
        %swap3A_260 = vector.shape_cast %get3A_256 : vector<16xi32> to vector<16xi32>
        tpu.vector_store %arg9[%swap3A_257], %swap3A_260 {strides = array<i32>} : memref<128xi32, #tpu.memory_space<vmem>>, vector<16xi32>,
        %mul3A_261 = arith.constant 128 : i32
        %mul3A_262 = arith.muli %add3A_188, %mul3A_261 : i32
        %add3A_263 = arith.constant 32 : i32
        %add3A_264 = arith.addi %mul3A_262, %add3A_263 : i32
        %get3A_265 = arith.index_cast %add3A_264 : i32 to index
        %get3A_266 = tpu.vector_load %arg14[%get3A_265] {strides = array<i32>} : memref<5376xi32, #tpu.memory_space<vmem>>, vector<16xi32>,
        %get3A_267 = vector.shape_cast %get3A_266 : vector<16xi32> to vector<16xi32>
        %swap3A_268 = arith.constant 32 : index
        %swap3A_269 = tpu.vector_load %arg11[%swap3A_268] {strides = array<i32>} : memref<128xi32, #tpu.memory_space<vmem>>, vector<16xi32>,
        %swap3A_270 = vector.shape_cast %swap3A_269 : vector<16xi32> to vector<16xi32>
        %swap3A_271 = vector.shape_cast %get3A_267 : vector<16xi32> to vector<16xi32>
        tpu.vector_store %arg11[%swap3A_268], %swap3A_271 {strides = array<i32>} : memref<128xi32, #tpu.memory_space<vmem>>, vector<16xi32>,
        %mul3A_272 = arith.constant 128 : i32
        %mul3A_273 = arith.muli %add3A_188, %mul3A_272 : i32
        %add3A_274 = arith.constant 48 : i32
        %add3A_275 = arith.addi %mul3A_273, %add3A_274 : i32
        %get3A_276 = arith.index_cast %add3A_275 : i32 to index
        %get3A_277 = tpu.vector_load %arg13[%get3A_276] {strides = array<i32>} : memref<5376xi32, #tpu.memory_space<vmem>>, vector<16xi32>,
        %get3A_278 = vector.shape_cast %get3A_277 : vector<16xi32> to vector<16xi32>
        %swap3A_279 = arith.constant 48 : index
        %swap3A_280 = tpu.vector_load %arg9[%swap3A_279] {strides = array<i32>} : memref<128xi32, #tpu.memory_space<vmem>>, vector<16xi32>,
        %swap3A_281 = vector.shape_cast %swap3A_280 : vector<16xi32> to vector<16xi32>
        %swap3A_282 = vector.shape_cast %get3A_278 : vector<16xi32> to vector<16xi32>
        tpu.vector_store %arg9[%swap3A_279], %swap3A_282 {strides = array<i32>} : memref<128xi32, #tpu.memory_space<vmem>>, vector<16xi32>,
        %mul3A_283 = arith.constant 128 : i32
        %mul3A_284 = arith.muli %add3A_188, %mul3A_283 : i32
        %add3A_285 = arith.constant 48 : i32
        %add3A_286 = arith.addi %mul3A_284, %add3A_285 : i32
        %get3A_287 = arith.index_cast %add3A_286 : i32 to index
        %get3A_288 = tpu.vector_load %arg14[%get3A_287] {strides = array<i32>} : memref<5376xi32, #tpu.memory_space<vmem>>, vector<16xi32>,
        %get3A_289 = vector.shape_cast %get3A_288 : vector<16xi32> to vector<16xi32>
        %swap3A_290 = arith.constant 48 : index
        %swap3A_291 = tpu.vector_load %arg11[%swap3A_290] {strides = array<i32>} : memref<128xi32, #tpu.memory_space<vmem>>, vector<16xi32>,
        %swap3A_292 = vector.shape_cast %swap3A_291 : vector<16xi32> to vector<16xi32>
        %swap3A_293 = vector.shape_cast %get3A_289 : vector<16xi32> to vector<16xi32>
        tpu.vector_store %arg11[%swap3A_290], %swap3A_293 {strides = array<i32>} : memref<128xi32, #tpu.memory_space<vmem>>, vector<16xi32>,
        %mul3A_294 = arith.constant 128 : i32
        %mul3A_295 = arith.muli %add3A_188, %mul3A_294 : i32
        %add3A_296 = arith.constant 64 : i32
        %add3A_297 = arith.addi %mul3A_295, %add3A_296 : i32
        %get3A_298 = arith.index_cast %add3A_297 : i32 to index
        %get3A_299 = tpu.vector_load %arg13[%get3A_298] {strides = array<i32>} : memref<5376xi32, #tpu.memory_space<vmem>>, vector<16xi32>,
        %get3A_300 = vector.shape_cast %get3A_299 : vector<16xi32> to vector<16xi32>
        %swap3A_301 = arith.constant 64 : index
        %swap3A_302 = tpu.vector_load %arg9[%swap3A_301] {strides = array<i32>} : memref<128xi32, #tpu.memory_space<vmem>>, vector<16xi32>,
        %swap3A_303 = vector.shape_cast %swap3A_302 : vector<16xi32> to vector<16xi32>
        %swap3A_304 = vector.shape_cast %get3A_300 : vector<16xi32> to vector<16xi32>
        tpu.vector_store %arg9[%swap3A_301], %swap3A_304 {strides = array<i32>} : memref<128xi32, #tpu.memory_space<vmem>>, vector<16xi32>,
        %mul3A_305 = arith.constant 128 : i32
        %mul3A_306 = arith.muli %add3A_188, %mul3A_305 : i32
        %add3A_307 = arith.constant 64 : i32
        %add3A_308 = arith.addi %mul3A_306, %add3A_307 : i32
        %get3A_309 = arith.index_cast %add3A_308 : i32 to index
        %get3A_310 = tpu.vector_load %arg14[%get3A_309] {strides = array<i32>} : memref<5376xi32, #tpu.memory_space<vmem>>, vector<16xi32>,
        %get3A_311 = vector.shape_cast %get3A_310 : vector<16xi32> to vector<16xi32>
        %swap3A_312 = arith.constant 64 : index
        %swap3A_313 = tpu.vector_load %arg11[%swap3A_312] {strides = array<i32>} : memref<128xi32, #tpu.memory_space<vmem>>, vector<16xi32>,
        %swap3A_314 = vector.shape_cast %swap3A_313 : vector<16xi32> to vector<16xi32>
        %swap3A_315 = vector.shape_cast %get3A_311 : vector<16xi32> to vector<16xi32>
        tpu.vector_store %arg11[%swap3A_312], %swap3A_315 {strides = array<i32>} : memref<128xi32, #tpu.memory_space<vmem>>, vector<16xi32>,
        %mul3A_316 = arith.constant 128 : i32
        %mul3A_317 = arith.muli %add3A_188, %mul3A_316 : i32
        %add3A_318 = arith.constant 80 : i32
        %add3A_319 = arith.addi %mul3A_317, %add3A_318 : i32
        %get3A_320 = arith.index_cast %add3A_319 : i32 to index
        %get3A_321 = tpu.vector_load %arg13[%get3A_320] {strides = array<i32>} : memref<5376xi32, #tpu.memory_space<vmem>>, vector<16xi32>,
        %get3A_322 = vector.shape_cast %get3A_321 : vector<16xi32> to vector<16xi32>
        %swap3A_323 = arith.constant 80 : index
        %swap3A_324 = tpu.vector_load %arg9[%swap3A_323] {strides = array<i32>} : memref<128xi32, #tpu.memory_space<vmem>>, vector<16xi32>,
        %swap3A_325 = vector.shape_cast %swap3A_324 : vector<16xi32> to vector<16xi32>
        %swap3A_326 = vector.shape_cast %get3A_322 : vector<16xi32> to vector<16xi32>
        tpu.vector_store %arg9[%swap3A_323], %swap3A_326 {strides = array<i32>} : memref<128xi32, #tpu.memory_space<vmem>>, vector<16xi32>,
        %mul3A_327 = arith.constant 128 : i32
        %mul3A_328 = arith.muli %add3A_188, %mul3A_327 : i32
        %add3A_329 = arith.constant 80 : i32
        %add3A_330 = arith.addi %mul3A_328, %add3A_329 : i32
        %get3A_331 = arith.index_cast %add3A_330 : i32 to index
        %get3A_332 = tpu.vector_load %arg14[%get3A_331] {strides = array<i32>} : memref<5376xi32, #tpu.memory_space<vmem>>, vector<16xi32>,
        %get3A_333 = vector.shape_cast %get3A_332 : vector<16xi32> to vector<16xi32>
        %swap3A_334 = arith.constant 80 : index
        %swap3A_335 = tpu.vector_load %arg11[%swap3A_334] {strides = array<i32>} : memref<128xi32, #tpu.memory_space<vmem>>, vector<16xi32>,
        %swap3A_336 = vector.shape_cast %swap3A_335 : vector<16xi32> to vector<16xi32>
        %swap3A_337 = vector.shape_cast %get3A_333 : vector<16xi32> to vector<16xi32>
        tpu.vector_store %arg11[%swap3A_334], %swap3A_337 {strides = array<i32>} : memref<128xi32, #tpu.memory_space<vmem>>, vector<16xi32>,
        %mul3A_338 = arith.constant 128 : i32
        %mul3A_339 = arith.muli %add3A_188, %mul3A_338 : i32
        %add3A_340 = arith.constant 96 : i32
        %add3A_341 = arith.addi %mul3A_339, %add3A_340 : i32
        %get3A_342 = arith.index_cast %add3A_341 : i32 to index
        %get3A_343 = tpu.vector_load %arg13[%get3A_342] {strides = array<i32>} : memref<5376xi32, #tpu.memory_space<vmem>>, vector<16xi32>,
        %get3A_344 = vector.shape_cast %get3A_343 : vector<16xi32> to vector<16xi32>
        %swap3A_345 = arith.constant 96 : index
        %swap3A_346 = tpu.vector_load %arg9[%swap3A_345] {strides = array<i32>} : memref<128xi32, #tpu.memory_space<vmem>>, vector<16xi32>,
        %swap3A_347 = vector.shape_cast %swap3A_346 : vector<16xi32> to vector<16xi32>
        %swap3A_348 = vector.shape_cast %get3A_344 : vector<16xi32> to vector<16xi32>
        tpu.vector_store %arg9[%swap3A_345], %swap3A_348 {strides = array<i32>} : memref<128xi32, #tpu.memory_space<vmem>>, vector<16xi32>,
        %mul3A_349 = arith.constant 128 : i32
        %mul3A_350 = arith.muli %add3A_188, %mul3A_349 : i32
        %add3A_351 = arith.constant 96 : i32
        %add3A_352 = arith.addi %mul3A_350, %add3A_351 : i32
        %get3A_353 = arith.index_cast %add3A_352 : i32 to index
        %get3A_354 = tpu.vector_load %arg14[%get3A_353] {strides = array<i32>} : memref<5376xi32, #tpu.memory_space<vmem>>, vector<16xi32>,
        %get3A_355 = vector.shape_cast %get3A_354 : vector<16xi32> to vector<16xi32>
        %swap3A_356 = arith.constant 96 : index
        %swap3A_357 = tpu.vector_load %arg11[%swap3A_356] {strides = array<i32>} : memref<128xi32, #tpu.memory_space<vmem>>, vector<16xi32>,
        %swap3A_358 = vector.shape_cast %swap3A_357 : vector<16xi32> to vector<16xi32>
        %swap3A_359 = vector.shape_cast %get3A_355 : vector<16xi32> to vector<16xi32>
        tpu.vector_store %arg11[%swap3A_356], %swap3A_359 {strides = array<i32>} : memref<128xi32, #tpu.memory_space<vmem>>, vector<16xi32>,
        %mul3A_360 = arith.constant 128 : i32
        %mul3A_361 = arith.muli %add3A_188, %mul3A_360 : i32
        %add3A_362 = arith.constant 112 : i32
        %add3A_363 = arith.addi %mul3A_361, %add3A_362 : i32
        %get3A_364 = arith.index_cast %add3A_363 : i32 to index
        %get3A_365 = tpu.vector_load %arg13[%get3A_364] {strides = array<i32>} : memref<5376xi32, #tpu.memory_space<vmem>>, vector<16xi32>,
        %get3A_366 = vector.shape_cast %get3A_365 : vector<16xi32> to vector<16xi32>
        %swap3A_367 = arith.constant 112 : index
        %swap3A_368 = tpu.vector_load %arg9[%swap3A_367] {strides = array<i32>} : memref<128xi32, #tpu.memory_space<vmem>>, vector<16xi32>,
        %swap3A_369 = vector.shape_cast %swap3A_368 : vector<16xi32> to vector<16xi32>
        %swap3A_370 = vector.shape_cast %get3A_366 : vector<16xi32> to vector<16xi32>
        tpu.vector_store %arg9[%swap3A_367], %swap3A_370 {strides = array<i32>} : memref<128xi32, #tpu.memory_space<vmem>>, vector<16xi32>,
        %mul3A_371 = arith.constant 128 : i32
        %mul3A_372 = arith.muli %add3A_188, %mul3A_371 : i32
        %add3A_373 = arith.constant 112 : i32
        %add3A_374 = arith.addi %mul3A_372, %add3A_373 : i32
        %get3A_375 = arith.index_cast %add3A_374 : i32 to index
        %get3A_376 = tpu.vector_load %arg14[%get3A_375] {strides = array<i32>} : memref<5376xi32, #tpu.memory_space<vmem>>, vector<16xi32>,
        %get3A_377 = vector.shape_cast %get3A_376 : vector<16xi32> to vector<16xi32>
        %swap3A_378 = arith.constant 112 : index
        %swap3A_379 = tpu.vector_load %arg11[%swap3A_378] {strides = array<i32>} : memref<128xi32, #tpu.memory_space<vmem>>, vector<16xi32>,
        %swap3A_380 = vector.shape_cast %swap3A_379 : vector<16xi32> to vector<16xi32>
        %swap3A_381 = vector.shape_cast %get3A_377 : vector<16xi32> to vector<16xi32>
        tpu.vector_store %arg11[%swap3A_378], %swap3A_381 {strides = array<i32>} : memref<128xi32, #tpu.memory_space<vmem>>, vector<16xi32>,
        %dma_start3A_382 = arith.constant 0 : i32
        %dma_start3A_383 = arith.constant 0 : i32
        %dma_start3A_384 = tpu.memref_slice %arg2[%dma_start3A_382, %dma_start3A_383] : memref<10240x16xf32, #tpu.memory_space<hbm>> -> memref<10240x16xf32, #tpu.memory_space<hbm>>
        tpu.enqueue_indirect_dma source(%dma_start3A_384 : memref<10240x16xf32, #tpu.memory_space<hbm>>) target(%arg15 : memref<128x16xf32, #tpu.memory_space<vmem>>) offsets(%arg9 : memref<128xi32, #tpu.memory_space<vmem>>) semaphore(%arg22 : memref<!tpu.dma_semaphore, #tpu.memory_space<semaphore_mem>>)
        %dma_start3A_385 = arith.constant 0 : i32
        %dma_start3A_386 = arith.constant 0 : i32
        %dma_start3A_387 = tpu.memref_slice %arg3[%dma_start3A_385, %dma_start3A_386] : memref<10240x16xf32, #tpu.memory_space<hbm>> -> memref<10240x16xf32, #tpu.memory_space<hbm>>
        tpu.enqueue_indirect_dma source(%dma_start3A_387 : memref<10240x16xf32, #tpu.memory_space<hbm>>) target(%arg17 : memref<128x16xf32, #tpu.memory_space<vmem>>) offsets(%arg9 : memref<128xi32, #tpu.memory_space<vmem>>) semaphore(%arg24 : memref<!tpu.dma_semaphore, #tpu.memory_space<semaphore_mem>>)
        %dma_start3A_388 = arith.constant 0 : i32
        %dma_start3A_389 = arith.constant 0 : i32
        %dma_start3A_390 = tpu.memref_slice %arg4[%dma_start3A_388, %dma_start3A_389] : memref<10240x16xf32, #tpu.memory_space<hbm>> -> memref<10240x16xf32, #tpu.memory_space<hbm>>
        tpu.enqueue_indirect_dma source(%dma_start3A_390 : memref<10240x16xf32, #tpu.memory_space<hbm>>) target(%arg19 : memref<128x16xf32, #tpu.memory_space<vmem>>) offsets(%arg11 : memref<128xi32, #tpu.memory_space<vmem>>) semaphore(%arg26 : memref<!tpu.dma_semaphore, #tpu.memory_space<semaphore_mem>>)
      } else {
      }
      %dma_wait3A_194 = arith.constant 0 : i32
      %dma_wait3A_195 = arith.constant 0 : i32
      %dma_wait3A_196 = tpu.memref_slice %arg2[%dma_wait3A_194, %dma_wait3A_195] : memref<10240x16xf32, #tpu.memory_space<hbm>> -> memref<10240x16xf32, #tpu.memory_space<hbm>>
      tpu.wait_indirect_dma semaphore(%arg23 : memref<!tpu.dma_semaphore, #tpu.memory_space<semaphore_mem>>) src(%dma_wait3A_196 : memref<10240x16xf32, #tpu.memory_space<hbm>>) dst(%arg16 : memref<128x16xf32, #tpu.memory_space<vmem>>)
      %dma_wait3A_197 = arith.constant 0 : i32
      %dma_wait3A_198 = arith.constant 0 : i32
      %dma_wait3A_199 = tpu.memref_slice %arg3[%dma_wait3A_197, %dma_wait3A_198] : memref<10240x16xf32, #tpu.memory_space<hbm>> -> memref<10240x16xf32, #tpu.memory_space<hbm>>
      tpu.wait_indirect_dma semaphore(%arg25 : memref<!tpu.dma_semaphore, #tpu.memory_space<semaphore_mem>>) src(%dma_wait3A_199 : memref<10240x16xf32, #tpu.memory_space<hbm>>) dst(%arg18 : memref<128x16xf32, #tpu.memory_space<vmem>>)
      %dma_wait3A_200 = arith.constant 0 : i32
      %dma_wait3A_201 = arith.constant 0 : i32
      %dma_wait3A_202 = tpu.memref_slice %arg4[%dma_wait3A_200, %dma_wait3A_201] : memref<10240x16xf32, #tpu.memory_space<hbm>> -> memref<10240x16xf32, #tpu.memory_space<hbm>>
      tpu.wait_indirect_dma semaphore(%arg27 : memref<!tpu.dma_semaphore, #tpu.memory_space<semaphore_mem>>) src(%dma_wait3A_202 : memref<10240x16xf32, #tpu.memory_space<hbm>>) dst(%arg20 : memref<128x16xf32, #tpu.memory_space<vmem>>)
      %parallel_loop3A_203 = arith.constant 0 : i32
      %parallel_loop3A_204 = arith.constant 128 : i32
      %parallel_loop3A_205 = arith.constant 1 : i32
      scf.for %parallel_loop3A_206 = %parallel_loop3A_203 to %parallel_loop3A_204 step %parallel_loop3A_205  : i32 {
        %parallel_loop3A_207 = arith.index_cast %parallel_loop3A_206 : i32 to index
        %parallel_loop3A_208 = arith.constant 0 : index
        %parallel_loop3A_209 = tpu.vector_load %arg18[%parallel_loop3A_207, %parallel_loop3A_208] {strides = array<i32>} : memref<128x16xf32, #tpu.memory_space<vmem>>, vector<1x16xf32>,
        %parallel_loop3A_210 = vector.shape_cast %parallel_loop3A_209 : vector<1x16xf32> to vector<16xf32>
        %parallel_loop3A_211 = arith.index_cast %parallel_loop3A_206 : i32 to index
        %parallel_loop3A_212 = arith.constant 0 : index
        %parallel_loop3A_213 = tpu.vector_load %arg20[%parallel_loop3A_211, %parallel_loop3A_212] {strides = array<i32>} : memref<128x16xf32, #tpu.memory_space<vmem>>, vector<1x16xf32>,
        %parallel_loop3A_214 = vector.shape_cast %parallel_loop3A_213 : vector<1x16xf32> to vector<16xf32>
        %parallel_loop3A_215 = arith.addf %parallel_loop3A_210, %parallel_loop3A_214 : vector<16xf32>
        %parallel_loop3A_216 = arith.constant 0.000000e+00 : f32
        %parallel_loop3A_217 = vector.broadcast %parallel_loop3A_216 : f32 to vector<16xf32>
        %parallel_loop3A_218 = arith.cmpf oge, %parallel_loop3A_215, %parallel_loop3A_217 : vector<16xf32>
        %parallel_loop3A_219 = arith.constant 2.000000e-01 : f32
        %parallel_loop3A_220 = vector.broadcast %parallel_loop3A_219 : f32 to vector<16xf32>
        %parallel_loop3A_221 = arith.mulf %parallel_loop3A_220, %parallel_loop3A_215 : vector<16xf32>
        %parallel_loop3A_222 = arith.select %parallel_loop3A_218, %parallel_loop3A_215, %parallel_loop3A_221 : vector<16xi1>, vector<16xf32>
        %parallel_loop3A_223 = arith.index_cast %parallel_loop3A_206 : i32 to index
        %parallel_loop3A_224 = arith.constant 0 : index
        %parallel_loop3A_225 = tpu.vector_load %arg16[%parallel_loop3A_223, %parallel_loop3A_224] {strides = array<i32>} : memref<128x16xf32, #tpu.memory_space<vmem>>, vector<1x16xf32>,
        %parallel_loop3A_226 = vector.shape_cast %parallel_loop3A_225 : vector<1x16xf32> to vector<16xf32>
        %parallel_loop3A_227 = math.exp %parallel_loop3A_222 : vector<16xf32>
        %parallel_loop3A_228 = arith.mulf %parallel_loop3A_226, %parallel_loop3A_227 : vector<16xf32>
        %parallel_loop3A_229 = arith.index_cast %parallel_loop3A_206 : i32 to index
        %parallel_loop3A_230 = arith.constant 0 : index
        %parallel_loop3A_231 = tpu.vector_load %arg16[%parallel_loop3A_229, %parallel_loop3A_230] {strides = array<i32>} : memref<128x16xf32, #tpu.memory_space<vmem>>, vector<1x16xf32>,
        %parallel_loop3A_232 = vector.shape_cast %parallel_loop3A_231 : vector<1x16xf32> to vector<16xf32>
        %parallel_loop3A_233 = vector.shape_cast %parallel_loop3A_228 : vector<16xf32> to vector<1x16xf32>
        tpu.vector_store %arg16[%parallel_loop3A_229, %parallel_loop3A_230], %parallel_loop3A_233 {strides = array<i32>} : memref<128x16xf32, #tpu.memory_space<vmem>>, vector<1x16xf32>,
      } {sc.loop_unroll_factor = 2 : i64, sc.parallel_access}
      "tpu.region"() ({
        %run_scoped3A = tpu.sem_alloc : memref<!tpu.dma_semaphore, #tpu.memory_space<semaphore_mem>>
        %dma_start3A_206 = arith.constant 0 : i32
        %dma_start3A_207 = arith.constant 0 : i32
        %dma_start3A_208 = tpu.memref_slice %arg21[%dma_start3A_206, %dma_start3A_207] : memref<10240x16xf32, #tpu.memory_space<vmem_shared>> -> memref<10240x16xf32, #tpu.memory_space<vmem_shared>>
        tpu.enqueue_indirect_dma source(%arg16 : memref<128x16xf32, #tpu.memory_space<vmem>>) target(%dma_start3A_208 : memref<10240x16xf32, #tpu.memory_space<vmem_shared>>) offsets(%arg12 : memref<128xi32, #tpu.memory_space<vmem>>) semaphore(%run_scoped3A : memref<!tpu.dma_semaphore, #tpu.memory_space<semaphore_mem>>) {add = true}
        %dma_wait3A_209 = arith.constant 0 : i32
        %dma_wait3A_210 = arith.constant 0 : i32
        %dma_wait3A_211 = tpu.memref_slice %arg21[%dma_wait3A_209, %dma_wait3A_210] : memref<10240x16xf32, #tpu.memory_space<vmem_shared>> -> memref<10240x16xf32, #tpu.memory_space<vmem_shared>>
        tpu.wait_indirect_dma semaphore(%run_scoped3A : memref<!tpu.dma_semaphore, #tpu.memory_space<semaphore_mem>>) src(%arg16 : memref<128x16xf32, #tpu.memory_space<vmem>>) dst(%dma_wait3A_211 : memref<10240x16xf32, #tpu.memory_space<vmem_shared>>)
        tpu.yield
      }) : () -> ()
    }
    %scan3A_151 = arith.constant 21 : i32
    %barrier3A_152 = arith.constant 0 : index
    tpu.barrier barrier_id(%barrier3A_152)
    %mul3A_153 = arith.constant 640 : i32
    %mul3A_154 = arith.muli %arg1, %mul3A_153 : i32
    %eq3A = arith.constant 0 : i32
    %eq3A_155 = arith.cmpi eq, %arg0, %eq3A : i32
    %convert_element_type3A = arith.extui %eq3A_155 : i1 to i32
    %cond3A = arith.constant 0 : i32
    %cond3A_156 = arith.cmpi ne, %convert_element_type3A, %cond3A : i32
    scf.if %cond3A_156 {
      "tpu.region"() ({
        %run_scoped3A = tpu.sem_alloc : memref<!tpu.dma_semaphore, #tpu.memory_space<semaphore_mem>>
        %dma_start3A_162 = arith.constant 0 : i32
        %dma_start3A_163 = tpu.memref_slice %arg7[%mul3A_154, %dma_start3A_162] : memref<10240x16xf32, #tpu.memory_space<hbm>> -> memref<640x16xf32, #tpu.memory_space<hbm>>
        %dma_start3A_164 = arith.constant 0 : i32
        %dma_start3A_165 = tpu.memref_slice %arg21[%mul3A_154, %dma_start3A_164] : memref<10240x16xf32, #tpu.memory_space<vmem_shared>> -> memref<640x16xf32, #tpu.memory_space<vmem_shared>>
        tpu.enqueue_dma source(%dma_start3A_165 : memref<640x16xf32, #tpu.memory_space<vmem_shared>>) target(%dma_start3A_163 : memref<640x16xf32, #tpu.memory_space<hbm>>) target_semaphore(%run_scoped3A : memref<!tpu.dma_semaphore, #tpu.memory_space<semaphore_mem>>)
        %dma_wait3A = arith.constant 0 : i32
        %dma_wait3A_166 = tpu.memref_slice %arg7[%mul3A_154, %dma_wait3A] : memref<10240x16xf32, #tpu.memory_space<hbm>> -> memref<640x16xf32, #tpu.memory_space<hbm>>
        %dma_wait3A_167 = arith.constant 0 : i32
        %dma_wait3A_168 = tpu.memref_slice %arg21[%mul3A_154, %dma_wait3A_167] : memref<10240x16xf32, #tpu.memory_space<vmem_shared>> -> memref<640x16xf32, #tpu.memory_space<vmem_shared>>
        tpu.wait_dma2 semaphore(%run_scoped3A : memref<!tpu.dma_semaphore, #tpu.memory_space<semaphore_mem>>) src(%dma_wait3A_168 : memref<640x16xf32, #tpu.memory_space<vmem_shared>>) dst(%dma_wait3A_166 : memref<640x16xf32, #tpu.memory_space<hbm>>)
        tpu.yield
      }) : () -> ()
    } else {
    }
    %eq3A_157 = arith.constant 1 : i32
    %eq3A_158 = arith.cmpi eq, %arg0, %eq3A_157 : i32
    %convert_element_type3A_159 = arith.extui %eq3A_158 : i1 to i32
    %cond3A_160 = arith.constant 0 : i32
    %cond3A_161 = arith.cmpi ne, %convert_element_type3A_159, %cond3A_160 : i32
    scf.if %cond3A_161 {
      "tpu.region"() ({
        %run_scoped3A = tpu.sem_alloc : memref<!tpu.dma_semaphore, #tpu.memory_space<semaphore_mem>>
        %dma_start3A_162 = arith.constant 0 : i32
        %dma_start3A_163 = tpu.memref_slice %arg8[%mul3A_154, %dma_start3A_162] : memref<10240x16xf32, #tpu.memory_space<hbm>> -> memref<640x16xf32, #tpu.memory_space<hbm>>
        %dma_start3A_164 = arith.constant 0 : i32
        %dma_start3A_165 = tpu.memref_slice %arg21[%mul3A_154, %dma_start3A_164] : memref<10240x16xf32, #tpu.memory_space<vmem_shared>> -> memref<640x16xf32, #tpu.memory_space<vmem_shared>>
        tpu.enqueue_dma source(%dma_start3A_165 : memref<640x16xf32, #tpu.memory_space<vmem_shared>>) target(%dma_start3A_163 : memref<640x16xf32, #tpu.memory_space<hbm>>) target_semaphore(%run_scoped3A : memref<!tpu.dma_semaphore, #tpu.memory_space<semaphore_mem>>)
        %dma_wait3A = arith.constant 0 : i32
        %dma_wait3A_166 = tpu.memref_slice %arg8[%mul3A_154, %dma_wait3A] : memref<10240x16xf32, #tpu.memory_space<hbm>> -> memref<640x16xf32, #tpu.memory_space<hbm>>
        %dma_wait3A_167 = arith.constant 0 : i32
        %dma_wait3A_168 = tpu.memref_slice %arg21[%mul3A_154, %dma_wait3A_167] : memref<10240x16xf32, #tpu.memory_space<vmem_shared>> -> memref<640x16xf32, #tpu.memory_space<vmem_shared>>
        tpu.wait_dma2 semaphore(%run_scoped3A : memref<!tpu.dma_semaphore, #tpu.memory_space<semaphore_mem>>) src(%dma_wait3A_168 : memref<640x16xf32, #tpu.memory_space<vmem_shared>>) dst(%dma_wait3A_166 : memref<640x16xf32, #tpu.memory_space<hbm>>)
        tpu.yield
      }) : () -> ()
    } else {
    }
    return
  }
}

#map = affine_map<(d0, d1) -> (0, 0)>
#map1 = affine_map<(d0, d1) -> (0)>
module attributes {stable_mosaic.version = 14 : i64} {
  func.func @_edge_body(%arg0: i32, %arg1: i32, %arg2: memref<10240x80xf32, #tpu.memory_space<hbm>>, %arg3: memref<10240x16xf32, #tpu.memory_space<hbm>>, %arg4: memref<10240x16xf32, #tpu.memory_space<hbm>>, %arg5: memref<172032xi32, #tpu.memory_space<hbm>>, %arg6: memref<172032xi32, #tpu.memory_space<hbm>>, %arg7: memref<10240x80xf32, #tpu.memory_space<hbm>>, %arg8: memref<10240x80xf32, #tpu.memory_space<hbm>>, %arg9: memref<128xi32, #tpu.memory_space<vmem>>, %arg10: memref<128xi32, #tpu.memory_space<vmem>>, %arg11: memref<128xi32, #tpu.memory_space<vmem>>, %arg12: memref<128xi32, #tpu.memory_space<vmem>>, %arg13: memref<5376xi32, #tpu.memory_space<vmem>>, %arg14: memref<5376xi32, #tpu.memory_space<vmem>>, %arg15: memref<128x80xf32, #tpu.memory_space<vmem>>, %arg16: memref<128x80xf32, #tpu.memory_space<vmem>>, %arg17: memref<128x16xf32, #tpu.memory_space<vmem>>, %arg18: memref<128x16xf32, #tpu.memory_space<vmem>>, %arg19: memref<128x16xf32, #tpu.memory_space<vmem>>, %arg20: memref<128x16xf32, #tpu.memory_space<vmem>>, %arg21: memref<10240x80xf32, #tpu.memory_space<vmem_shared>>, %arg22: memref<!tpu.dma_semaphore, #tpu.memory_space<semaphore_mem>>, %arg23: memref<!tpu.dma_semaphore, #tpu.memory_space<semaphore_mem>>, %arg24: memref<!tpu.dma_semaphore, #tpu.memory_space<semaphore_mem>>, %arg25: memref<!tpu.dma_semaphore, #tpu.memory_space<semaphore_mem>>, %arg26: memref<!tpu.dma_semaphore, #tpu.memory_space<semaphore_mem>>, %arg27: memref<!tpu.dma_semaphore, #tpu.memory_space<semaphore_mem>>) attributes {dimension_semantics = [#tpu.dimension_semantics<core_parallel>, #tpu.dimension_semantics<subcore_parallel>], iteration_bounds = array<i64: 2, 16>, scalar_prefetch = 0 : i64, scratch_operands = 19 : i64, tpu.core_type = #tpu.core_type<sc_vector_subcore>, window_params = [{transform_indices = #map}, {transform_indices = #map}, {transform_indices = #map}, {transform_indices = #map1}, {transform_indices = #map1}, {transform_indices = #map}, {transform_indices = #map}]} {
    %mul3A = arith.constant 2 : i32
    %mul3A_0 = arith.muli %arg1, %mul3A : i32
    %add3A = arith.addi %mul3A_0, %arg0 : i32
    %mul3A_1 = arith.constant 5376 : i32
    %mul3A_2 = arith.muli %add3A, %mul3A_1 : i32
    %scan3A = arith.constant 0 : i32
    %scan3A_3 = arith.constant 0 : i32
    %scan3A_4 = arith.constant 128 : i32
    %scan3A_5 = arith.addi %scan3A_3, %scan3A_4 : i32
    %scan3A_6 = arith.constant 1 : i32
    scf.for %scan3A_162 = %scan3A_3 to %scan3A_5 step %scan3A_6  : i32 {
      %broadcast_in_dim3A = arith.constant 0.000000e+00 : f32
      %broadcast_in_dim3A_163 = vector.broadcast %broadcast_in_dim3A : f32 to vector<16xf32>
      %swap3A_164 = arith.index_cast %scan3A_162 : i32 to index
      %swap3A_165 = arith.constant 0 : index
      %swap3A_166 = tpu.vector_load %arg15[%swap3A_164, %swap3A_165] {strides = array<i32>} : memref<128x80xf32, #tpu.memory_space<vmem>>, vector<1x16xf32>,
      %swap3A_167 = vector.shape_cast %swap3A_166 : vector<1x16xf32> to vector<16xf32>
      %swap3A_168 = vector.shape_cast %broadcast_in_dim3A_163 : vector<16xf32> to vector<1x16xf32>
      tpu.vector_store %arg15[%swap3A_164, %swap3A_165], %swap3A_168 {strides = array<i32>} : memref<128x80xf32, #tpu.memory_space<vmem>>, vector<1x16xf32>,
      %broadcast_in_dim3A_169 = arith.constant 0.000000e+00 : f32
      %broadcast_in_dim3A_170 = vector.broadcast %broadcast_in_dim3A_169 : f32 to vector<16xf32>
      %swap3A_171 = arith.index_cast %scan3A_162 : i32 to index
      %swap3A_172 = arith.constant 16 : index
      %swap3A_173 = tpu.vector_load %arg15[%swap3A_171, %swap3A_172] {strides = array<i32>} : memref<128x80xf32, #tpu.memory_space<vmem>>, vector<1x16xf32>,
      %swap3A_174 = vector.shape_cast %swap3A_173 : vector<1x16xf32> to vector<16xf32>
      %swap3A_175 = vector.shape_cast %broadcast_in_dim3A_170 : vector<16xf32> to vector<1x16xf32>
      tpu.vector_store %arg15[%swap3A_171, %swap3A_172], %swap3A_175 {strides = array<i32>} : memref<128x80xf32, #tpu.memory_space<vmem>>, vector<1x16xf32>,
      %broadcast_in_dim3A_176 = arith.constant 0.000000e+00 : f32
      %broadcast_in_dim3A_177 = vector.broadcast %broadcast_in_dim3A_176 : f32 to vector<16xf32>
      %swap3A_178 = arith.index_cast %scan3A_162 : i32 to index
      %swap3A_179 = arith.constant 32 : index
      %swap3A_180 = tpu.vector_load %arg15[%swap3A_178, %swap3A_179] {strides = array<i32>} : memref<128x80xf32, #tpu.memory_space<vmem>>, vector<1x16xf32>,
      %swap3A_181 = vector.shape_cast %swap3A_180 : vector<1x16xf32> to vector<16xf32>
      %swap3A_182 = vector.shape_cast %broadcast_in_dim3A_177 : vector<16xf32> to vector<1x16xf32>
      tpu.vector_store %arg15[%swap3A_178, %swap3A_179], %swap3A_182 {strides = array<i32>} : memref<128x80xf32, #tpu.memory_space<vmem>>, vector<1x16xf32>,
      %broadcast_in_dim3A_183 = arith.constant 0.000000e+00 : f32
      %broadcast_in_dim3A_184 = vector.broadcast %broadcast_in_dim3A_183 : f32 to vector<16xf32>
      %swap3A_185 = arith.index_cast %scan3A_162 : i32 to index
      %swap3A_186 = arith.constant 48 : index
      %swap3A_187 = tpu.vector_load %arg15[%swap3A_185, %swap3A_186] {strides = array<i32>} : memref<128x80xf32, #tpu.memory_space<vmem>>, vector<1x16xf32>,
      %swap3A_188 = vector.shape_cast %swap3A_187 : vector<1x16xf32> to vector<16xf32>
      %swap3A_189 = vector.shape_cast %broadcast_in_dim3A_184 : vector<16xf32> to vector<1x16xf32>
      tpu.vector_store %arg15[%swap3A_185, %swap3A_186], %swap3A_189 {strides = array<i32>} : memref<128x80xf32, #tpu.memory_space<vmem>>, vector<1x16xf32>,
      %broadcast_in_dim3A_190 = arith.constant 0.000000e+00 : f32
      %broadcast_in_dim3A_191 = vector.broadcast %broadcast_in_dim3A_190 : f32 to vector<16xf32>
      %swap3A_192 = arith.index_cast %scan3A_162 : i32 to index
      %swap3A_193 = arith.constant 64 : index
      %swap3A_194 = tpu.vector_load %arg15[%swap3A_192, %swap3A_193] {strides = array<i32>} : memref<128x80xf32, #tpu.memory_space<vmem>>, vector<1x16xf32>,
      %swap3A_195 = vector.shape_cast %swap3A_194 : vector<1x16xf32> to vector<16xf32>
      %swap3A_196 = vector.shape_cast %broadcast_in_dim3A_191 : vector<16xf32> to vector<1x16xf32>
      tpu.vector_store %arg15[%swap3A_192, %swap3A_193], %swap3A_196 {strides = array<i32>} : memref<128x80xf32, #tpu.memory_space<vmem>>, vector<1x16xf32>,
    }
    %scan3A_7 = arith.constant 128 : i32
    %mul3A_8 = arith.constant 640 : i32
    %mul3A_9 = arith.muli %arg1, %mul3A_8 : i32
    %add3A_10 = arith.constant 0 : i32
    %add3A_11 = arith.addi %mul3A_9, %add3A_10 : i32
    "tpu.region"() ({
      %run_scoped3A = tpu.sem_alloc : memref<!tpu.dma_semaphore, #tpu.memory_space<semaphore_mem>>
      %dma_start3A_162 = arith.constant 0 : i32
      %dma_start3A_163 = tpu.memref_slice %arg21[%add3A_11, %dma_start3A_162] : memref<10240x80xf32, #tpu.memory_space<vmem_shared>> -> memref<128x80xf32, #tpu.memory_space<vmem_shared>>
      %dma_start3A_164 = arith.constant 0 : i32
      %dma_start3A_165 = tpu.memref_slice %arg21[%add3A_11, %dma_start3A_164] : memref<10240x80xf32, #tpu.memory_space<vmem_shared>> -> memref<128x80xf32, #tpu.memory_space<vmem_shared>>
      tpu.enqueue_dma source(%arg15 : memref<128x80xf32, #tpu.memory_space<vmem>>) target(%dma_start3A_165 : memref<128x80xf32, #tpu.memory_space<vmem_shared>>) target_semaphore(%run_scoped3A : memref<!tpu.dma_semaphore, #tpu.memory_space<semaphore_mem>>)
      %dma_wait3A = arith.constant 0 : i32
      %dma_wait3A_166 = tpu.memref_slice %arg21[%add3A_11, %dma_wait3A] : memref<10240x80xf32, #tpu.memory_space<vmem_shared>> -> memref<128x80xf32, #tpu.memory_space<vmem_shared>>
      %dma_wait3A_167 = arith.constant 0 : i32
      %dma_wait3A_168 = tpu.memref_slice %arg21[%add3A_11, %dma_wait3A_167] : memref<10240x80xf32, #tpu.memory_space<vmem_shared>> -> memref<128x80xf32, #tpu.memory_space<vmem_shared>>
      tpu.wait_dma2 semaphore(%run_scoped3A : memref<!tpu.dma_semaphore, #tpu.memory_space<semaphore_mem>>) src(%arg15 : memref<128x80xf32, #tpu.memory_space<vmem>>) dst(%dma_wait3A_168 : memref<128x80xf32, #tpu.memory_space<vmem_shared>>)
      tpu.yield
    }) : () -> ()
    %mul3A_12 = arith.constant 640 : i32
    %mul3A_13 = arith.muli %arg1, %mul3A_12 : i32
    %add3A_14 = arith.constant 128 : i32
    %add3A_15 = arith.addi %mul3A_13, %add3A_14 : i32
    "tpu.region"() ({
      %run_scoped3A = tpu.sem_alloc : memref<!tpu.dma_semaphore, #tpu.memory_space<semaphore_mem>>
      %dma_start3A_162 = arith.constant 0 : i32
      %dma_start3A_163 = tpu.memref_slice %arg21[%add3A_15, %dma_start3A_162] : memref<10240x80xf32, #tpu.memory_space<vmem_shared>> -> memref<128x80xf32, #tpu.memory_space<vmem_shared>>
      %dma_start3A_164 = arith.constant 0 : i32
      %dma_start3A_165 = tpu.memref_slice %arg21[%add3A_15, %dma_start3A_164] : memref<10240x80xf32, #tpu.memory_space<vmem_shared>> -> memref<128x80xf32, #tpu.memory_space<vmem_shared>>
      tpu.enqueue_dma source(%arg15 : memref<128x80xf32, #tpu.memory_space<vmem>>) target(%dma_start3A_165 : memref<128x80xf32, #tpu.memory_space<vmem_shared>>) target_semaphore(%run_scoped3A : memref<!tpu.dma_semaphore, #tpu.memory_space<semaphore_mem>>)
      %dma_wait3A = arith.constant 0 : i32
      %dma_wait3A_166 = tpu.memref_slice %arg21[%add3A_15, %dma_wait3A] : memref<10240x80xf32, #tpu.memory_space<vmem_shared>> -> memref<128x80xf32, #tpu.memory_space<vmem_shared>>
      %dma_wait3A_167 = arith.constant 0 : i32
      %dma_wait3A_168 = tpu.memref_slice %arg21[%add3A_15, %dma_wait3A_167] : memref<10240x80xf32, #tpu.memory_space<vmem_shared>> -> memref<128x80xf32, #tpu.memory_space<vmem_shared>>
      tpu.wait_dma2 semaphore(%run_scoped3A : memref<!tpu.dma_semaphore, #tpu.memory_space<semaphore_mem>>) src(%arg15 : memref<128x80xf32, #tpu.memory_space<vmem>>) dst(%dma_wait3A_168 : memref<128x80xf32, #tpu.memory_space<vmem_shared>>)
      tpu.yield
    }) : () -> ()
    %mul3A_16 = arith.constant 640 : i32
    %mul3A_17 = arith.muli %arg1, %mul3A_16 : i32
    %add3A_18 = arith.constant 256 : i32
    %add3A_19 = arith.addi %mul3A_17, %add3A_18 : i32
    "tpu.region"() ({
      %run_scoped3A = tpu.sem_alloc : memref<!tpu.dma_semaphore, #tpu.memory_space<semaphore_mem>>
      %dma_start3A_162 = arith.constant 0 : i32
      %dma_start3A_163 = tpu.memref_slice %arg21[%add3A_19, %dma_start3A_162] : memref<10240x80xf32, #tpu.memory_space<vmem_shared>> -> memref<128x80xf32, #tpu.memory_space<vmem_shared>>
      %dma_start3A_164 = arith.constant 0 : i32
      %dma_start3A_165 = tpu.memref_slice %arg21[%add3A_19, %dma_start3A_164] : memref<10240x80xf32, #tpu.memory_space<vmem_shared>> -> memref<128x80xf32, #tpu.memory_space<vmem_shared>>
      tpu.enqueue_dma source(%arg15 : memref<128x80xf32, #tpu.memory_space<vmem>>) target(%dma_start3A_165 : memref<128x80xf32, #tpu.memory_space<vmem_shared>>) target_semaphore(%run_scoped3A : memref<!tpu.dma_semaphore, #tpu.memory_space<semaphore_mem>>)
      %dma_wait3A = arith.constant 0 : i32
      %dma_wait3A_166 = tpu.memref_slice %arg21[%add3A_19, %dma_wait3A] : memref<10240x80xf32, #tpu.memory_space<vmem_shared>> -> memref<128x80xf32, #tpu.memory_space<vmem_shared>>
      %dma_wait3A_167 = arith.constant 0 : i32
      %dma_wait3A_168 = tpu.memref_slice %arg21[%add3A_19, %dma_wait3A_167] : memref<10240x80xf32, #tpu.memory_space<vmem_shared>> -> memref<128x80xf32, #tpu.memory_space<vmem_shared>>
      tpu.wait_dma2 semaphore(%run_scoped3A : memref<!tpu.dma_semaphore, #tpu.memory_space<semaphore_mem>>) src(%arg15 : memref<128x80xf32, #tpu.memory_space<vmem>>) dst(%dma_wait3A_168 : memref<128x80xf32, #tpu.memory_space<vmem_shared>>)
      tpu.yield
    }) : () -> ()
    %mul3A_20 = arith.constant 640 : i32
    %mul3A_21 = arith.muli %arg1, %mul3A_20 : i32
    %add3A_22 = arith.constant 384 : i32
    %add3A_23 = arith.addi %mul3A_21, %add3A_22 : i32
    "tpu.region"() ({
      %run_scoped3A = tpu.sem_alloc : memref<!tpu.dma_semaphore, #tpu.memory_space<semaphore_mem>>
      %dma_start3A_162 = arith.constant 0 : i32
      %dma_start3A_163 = tpu.memref_slice %arg21[%add3A_23, %dma_start3A_162] : memref<10240x80xf32, #tpu.memory_space<vmem_shared>> -> memref<128x80xf32, #tpu.memory_space<vmem_shared>>
      %dma_start3A_164 = arith.constant 0 : i32
      %dma_start3A_165 = tpu.memref_slice %arg21[%add3A_23, %dma_start3A_164] : memref<10240x80xf32, #tpu.memory_space<vmem_shared>> -> memref<128x80xf32, #tpu.memory_space<vmem_shared>>
      tpu.enqueue_dma source(%arg15 : memref<128x80xf32, #tpu.memory_space<vmem>>) target(%dma_start3A_165 : memref<128x80xf32, #tpu.memory_space<vmem_shared>>) target_semaphore(%run_scoped3A : memref<!tpu.dma_semaphore, #tpu.memory_space<semaphore_mem>>)
      %dma_wait3A = arith.constant 0 : i32
      %dma_wait3A_166 = tpu.memref_slice %arg21[%add3A_23, %dma_wait3A] : memref<10240x80xf32, #tpu.memory_space<vmem_shared>> -> memref<128x80xf32, #tpu.memory_space<vmem_shared>>
      %dma_wait3A_167 = arith.constant 0 : i32
      %dma_wait3A_168 = tpu.memref_slice %arg21[%add3A_23, %dma_wait3A_167] : memref<10240x80xf32, #tpu.memory_space<vmem_shared>> -> memref<128x80xf32, #tpu.memory_space<vmem_shared>>
      tpu.wait_dma2 semaphore(%run_scoped3A : memref<!tpu.dma_semaphore, #tpu.memory_space<semaphore_mem>>) src(%arg15 : memref<128x80xf32, #tpu.memory_space<vmem>>) dst(%dma_wait3A_168 : memref<128x80xf32, #tpu.memory_space<vmem_shared>>)
      tpu.yield
    }) : () -> ()
    %mul3A_24 = arith.constant 640 : i32
    %mul3A_25 = arith.muli %arg1, %mul3A_24 : i32
    %add3A_26 = arith.constant 512 : i32
    %add3A_27 = arith.addi %mul3A_25, %add3A_26 : i32
    "tpu.region"() ({
      %run_scoped3A = tpu.sem_alloc : memref<!tpu.dma_semaphore, #tpu.memory_space<semaphore_mem>>
      %dma_start3A_162 = arith.constant 0 : i32
      %dma_start3A_163 = tpu.memref_slice %arg21[%add3A_27, %dma_start3A_162] : memref<10240x80xf32, #tpu.memory_space<vmem_shared>> -> memref<128x80xf32, #tpu.memory_space<vmem_shared>>
      %dma_start3A_164 = arith.constant 0 : i32
      %dma_start3A_165 = tpu.memref_slice %arg21[%add3A_27, %dma_start3A_164] : memref<10240x80xf32, #tpu.memory_space<vmem_shared>> -> memref<128x80xf32, #tpu.memory_space<vmem_shared>>
      tpu.enqueue_dma source(%arg15 : memref<128x80xf32, #tpu.memory_space<vmem>>) target(%dma_start3A_165 : memref<128x80xf32, #tpu.memory_space<vmem_shared>>) target_semaphore(%run_scoped3A : memref<!tpu.dma_semaphore, #tpu.memory_space<semaphore_mem>>)
      %dma_wait3A = arith.constant 0 : i32
      %dma_wait3A_166 = tpu.memref_slice %arg21[%add3A_27, %dma_wait3A] : memref<10240x80xf32, #tpu.memory_space<vmem_shared>> -> memref<128x80xf32, #tpu.memory_space<vmem_shared>>
      %dma_wait3A_167 = arith.constant 0 : i32
      %dma_wait3A_168 = tpu.memref_slice %arg21[%add3A_27, %dma_wait3A_167] : memref<10240x80xf32, #tpu.memory_space<vmem_shared>> -> memref<128x80xf32, #tpu.memory_space<vmem_shared>>
      tpu.wait_dma2 semaphore(%run_scoped3A : memref<!tpu.dma_semaphore, #tpu.memory_space<semaphore_mem>>) src(%arg15 : memref<128x80xf32, #tpu.memory_space<vmem>>) dst(%dma_wait3A_168 : memref<128x80xf32, #tpu.memory_space<vmem_shared>>)
      tpu.yield
    }) : () -> ()
    %barrier3A = arith.constant 0 : index
    tpu.barrier barrier_id(%barrier3A)
    "tpu.region"() ({
      %run_scoped3A = tpu.sem_alloc : memref<!tpu.dma_semaphore, #tpu.memory_space<semaphore_mem>>
      %dma_start3A_162 = tpu.memref_slice %arg5[%mul3A_2] : memref<172032xi32, #tpu.memory_space<hbm>> -> memref<5376xi32, #tpu.memory_space<hbm>>
      %dma_start3A_163 = tpu.memref_slice %arg5[%mul3A_2] : memref<172032xi32, #tpu.memory_space<hbm>> -> memref<5376xi32, #tpu.memory_space<hbm>>
      tpu.enqueue_dma source(%dma_start3A_163 : memref<5376xi32, #tpu.memory_space<hbm>>) target(%arg13 : memref<5376xi32, #tpu.memory_space<vmem>>) target_semaphore(%run_scoped3A : memref<!tpu.dma_semaphore, #tpu.memory_space<semaphore_mem>>)
      %dma_wait3A = tpu.memref_slice %arg5[%mul3A_2] : memref<172032xi32, #tpu.memory_space<hbm>> -> memref<5376xi32, #tpu.memory_space<hbm>>
      %dma_wait3A_164 = tpu.memref_slice %arg5[%mul3A_2] : memref<172032xi32, #tpu.memory_space<hbm>> -> memref<5376xi32, #tpu.memory_space<hbm>>
      tpu.wait_dma2 semaphore(%run_scoped3A : memref<!tpu.dma_semaphore, #tpu.memory_space<semaphore_mem>>) src(%dma_wait3A_164 : memref<5376xi32, #tpu.memory_space<hbm>>) dst(%arg13 : memref<5376xi32, #tpu.memory_space<vmem>>)
      tpu.yield
    }) : () -> ()
    "tpu.region"() ({
      %run_scoped3A = tpu.sem_alloc : memref<!tpu.dma_semaphore, #tpu.memory_space<semaphore_mem>>
      %dma_start3A_162 = tpu.memref_slice %arg6[%mul3A_2] : memref<172032xi32, #tpu.memory_space<hbm>> -> memref<5376xi32, #tpu.memory_space<hbm>>
      %dma_start3A_163 = tpu.memref_slice %arg6[%mul3A_2] : memref<172032xi32, #tpu.memory_space<hbm>> -> memref<5376xi32, #tpu.memory_space<hbm>>
      tpu.enqueue_dma source(%dma_start3A_163 : memref<5376xi32, #tpu.memory_space<hbm>>) target(%arg14 : memref<5376xi32, #tpu.memory_space<vmem>>) target_semaphore(%run_scoped3A : memref<!tpu.dma_semaphore, #tpu.memory_space<semaphore_mem>>)
      %dma_wait3A = tpu.memref_slice %arg6[%mul3A_2] : memref<172032xi32, #tpu.memory_space<hbm>> -> memref<5376xi32, #tpu.memory_space<hbm>>
      %dma_wait3A_164 = tpu.memref_slice %arg6[%mul3A_2] : memref<172032xi32, #tpu.memory_space<hbm>> -> memref<5376xi32, #tpu.memory_space<hbm>>
      tpu.wait_dma2 semaphore(%run_scoped3A : memref<!tpu.dma_semaphore, #tpu.memory_space<semaphore_mem>>) src(%dma_wait3A_164 : memref<5376xi32, #tpu.memory_space<hbm>>) dst(%arg14 : memref<5376xi32, #tpu.memory_space<vmem>>)
      tpu.yield
    }) : () -> ()
    %get3A = arith.constant 0 : index
    %get3A_28 = tpu.vector_load %arg13[%get3A] {strides = array<i32>} : memref<5376xi32, #tpu.memory_space<vmem>>, vector<16xi32>,
    %get3A_29 = vector.shape_cast %get3A_28 : vector<16xi32> to vector<16xi32>
    %swap3A = arith.constant 0 : index
    %swap3A_30 = tpu.vector_load %arg9[%swap3A] {strides = array<i32>} : memref<128xi32, #tpu.memory_space<vmem>>, vector<16xi32>,
    %swap3A_31 = vector.shape_cast %swap3A_30 : vector<16xi32> to vector<16xi32>
    %swap3A_32 = vector.shape_cast %get3A_29 : vector<16xi32> to vector<16xi32>
    tpu.vector_store %arg9[%swap3A], %swap3A_32 {strides = array<i32>} : memref<128xi32, #tpu.memory_space<vmem>>, vector<16xi32>,
    %get3A_33 = arith.constant 0 : index
    %get3A_34 = tpu.vector_load %arg14[%get3A_33] {strides = array<i32>} : memref<5376xi32, #tpu.memory_space<vmem>>, vector<16xi32>,
    %get3A_35 = vector.shape_cast %get3A_34 : vector<16xi32> to vector<16xi32>
    %swap3A_36 = arith.constant 0 : index
    %swap3A_37 = tpu.vector_load %arg11[%swap3A_36] {strides = array<i32>} : memref<128xi32, #tpu.memory_space<vmem>>, vector<16xi32>,
    %swap3A_38 = vector.shape_cast %swap3A_37 : vector<16xi32> to vector<16xi32>
    %swap3A_39 = vector.shape_cast %get3A_35 : vector<16xi32> to vector<16xi32>
    tpu.vector_store %arg11[%swap3A_36], %swap3A_39 {strides = array<i32>} : memref<128xi32, #tpu.memory_space<vmem>>, vector<16xi32>,
    %get3A_40 = arith.constant 16 : index
    %get3A_41 = tpu.vector_load %arg13[%get3A_40] {strides = array<i32>} : memref<5376xi32, #tpu.memory_space<vmem>>, vector<16xi32>,
    %get3A_42 = vector.shape_cast %get3A_41 : vector<16xi32> to vector<16xi32>
    %swap3A_43 = arith.constant 16 : index
    %swap3A_44 = tpu.vector_load %arg9[%swap3A_43] {strides = array<i32>} : memref<128xi32, #tpu.memory_space<vmem>>, vector<16xi32>,
    %swap3A_45 = vector.shape_cast %swap3A_44 : vector<16xi32> to vector<16xi32>
    %swap3A_46 = vector.shape_cast %get3A_42 : vector<16xi32> to vector<16xi32>
    tpu.vector_store %arg9[%swap3A_43], %swap3A_46 {strides = array<i32>} : memref<128xi32, #tpu.memory_space<vmem>>, vector<16xi32>,
    %get3A_47 = arith.constant 16 : index
    %get3A_48 = tpu.vector_load %arg14[%get3A_47] {strides = array<i32>} : memref<5376xi32, #tpu.memory_space<vmem>>, vector<16xi32>,
    %get3A_49 = vector.shape_cast %get3A_48 : vector<16xi32> to vector<16xi32>
    %swap3A_50 = arith.constant 16 : index
    %swap3A_51 = tpu.vector_load %arg11[%swap3A_50] {strides = array<i32>} : memref<128xi32, #tpu.memory_space<vmem>>, vector<16xi32>,
    %swap3A_52 = vector.shape_cast %swap3A_51 : vector<16xi32> to vector<16xi32>
    %swap3A_53 = vector.shape_cast %get3A_49 : vector<16xi32> to vector<16xi32>
    tpu.vector_store %arg11[%swap3A_50], %swap3A_53 {strides = array<i32>} : memref<128xi32, #tpu.memory_space<vmem>>, vector<16xi32>,
    %get3A_54 = arith.constant 32 : index
    %get3A_55 = tpu.vector_load %arg13[%get3A_54] {strides = array<i32>} : memref<5376xi32, #tpu.memory_space<vmem>>, vector<16xi32>,
    %get3A_56 = vector.shape_cast %get3A_55 : vector<16xi32> to vector<16xi32>
    %swap3A_57 = arith.constant 32 : index
    %swap3A_58 = tpu.vector_load %arg9[%swap3A_57] {strides = array<i32>} : memref<128xi32, #tpu.memory_space<vmem>>, vector<16xi32>,
    %swap3A_59 = vector.shape_cast %swap3A_58 : vector<16xi32> to vector<16xi32>
    %swap3A_60 = vector.shape_cast %get3A_56 : vector<16xi32> to vector<16xi32>
    tpu.vector_store %arg9[%swap3A_57], %swap3A_60 {strides = array<i32>} : memref<128xi32, #tpu.memory_space<vmem>>, vector<16xi32>,
    %get3A_61 = arith.constant 32 : index
    %get3A_62 = tpu.vector_load %arg14[%get3A_61] {strides = array<i32>} : memref<5376xi32, #tpu.memory_space<vmem>>, vector<16xi32>,
    %get3A_63 = vector.shape_cast %get3A_62 : vector<16xi32> to vector<16xi32>
    %swap3A_64 = arith.constant 32 : index
    %swap3A_65 = tpu.vector_load %arg11[%swap3A_64] {strides = array<i32>} : memref<128xi32, #tpu.memory_space<vmem>>, vector<16xi32>,
    %swap3A_66 = vector.shape_cast %swap3A_65 : vector<16xi32> to vector<16xi32>
    %swap3A_67 = vector.shape_cast %get3A_63 : vector<16xi32> to vector<16xi32>
    tpu.vector_store %arg11[%swap3A_64], %swap3A_67 {strides = array<i32>} : memref<128xi32, #tpu.memory_space<vmem>>, vector<16xi32>,
    %get3A_68 = arith.constant 48 : index
    %get3A_69 = tpu.vector_load %arg13[%get3A_68] {strides = array<i32>} : memref<5376xi32, #tpu.memory_space<vmem>>, vector<16xi32>,
    %get3A_70 = vector.shape_cast %get3A_69 : vector<16xi32> to vector<16xi32>
    %swap3A_71 = arith.constant 48 : index
    %swap3A_72 = tpu.vector_load %arg9[%swap3A_71] {strides = array<i32>} : memref<128xi32, #tpu.memory_space<vmem>>, vector<16xi32>,
    %swap3A_73 = vector.shape_cast %swap3A_72 : vector<16xi32> to vector<16xi32>
    %swap3A_74 = vector.shape_cast %get3A_70 : vector<16xi32> to vector<16xi32>
    tpu.vector_store %arg9[%swap3A_71], %swap3A_74 {strides = array<i32>} : memref<128xi32, #tpu.memory_space<vmem>>, vector<16xi32>,
    %get3A_75 = arith.constant 48 : index
    %get3A_76 = tpu.vector_load %arg14[%get3A_75] {strides = array<i32>} : memref<5376xi32, #tpu.memory_space<vmem>>, vector<16xi32>,
    %get3A_77 = vector.shape_cast %get3A_76 : vector<16xi32> to vector<16xi32>
    %swap3A_78 = arith.constant 48 : index
    %swap3A_79 = tpu.vector_load %arg11[%swap3A_78] {strides = array<i32>} : memref<128xi32, #tpu.memory_space<vmem>>, vector<16xi32>,
    %swap3A_80 = vector.shape_cast %swap3A_79 : vector<16xi32> to vector<16xi32>
    %swap3A_81 = vector.shape_cast %get3A_77 : vector<16xi32> to vector<16xi32>
    tpu.vector_store %arg11[%swap3A_78], %swap3A_81 {strides = array<i32>} : memref<128xi32, #tpu.memory_space<vmem>>, vector<16xi32>,
    %get3A_82 = arith.constant 64 : index
    %get3A_83 = tpu.vector_load %arg13[%get3A_82] {strides = array<i32>} : memref<5376xi32, #tpu.memory_space<vmem>>, vector<16xi32>,
    %get3A_84 = vector.shape_cast %get3A_83 : vector<16xi32> to vector<16xi32>
    %swap3A_85 = arith.constant 64 : index
    %swap3A_86 = tpu.vector_load %arg9[%swap3A_85] {strides = array<i32>} : memref<128xi32, #tpu.memory_space<vmem>>, vector<16xi32>,
    %swap3A_87 = vector.shape_cast %swap3A_86 : vector<16xi32> to vector<16xi32>
    %swap3A_88 = vector.shape_cast %get3A_84 : vector<16xi32> to vector<16xi32>
    tpu.vector_store %arg9[%swap3A_85], %swap3A_88 {strides = array<i32>} : memref<128xi32, #tpu.memory_space<vmem>>, vector<16xi32>,
    %get3A_89 = arith.constant 64 : index
    %get3A_90 = tpu.vector_load %arg14[%get3A_89] {strides = array<i32>} : memref<5376xi32, #tpu.memory_space<vmem>>, vector<16xi32>,
    %get3A_91 = vector.shape_cast %get3A_90 : vector<16xi32> to vector<16xi32>
    %swap3A_92 = arith.constant 64 : index
    %swap3A_93 = tpu.vector_load %arg11[%swap3A_92] {strides = array<i32>} : memref<128xi32, #tpu.memory_space<vmem>>, vector<16xi32>,
    %swap3A_94 = vector.shape_cast %swap3A_93 : vector<16xi32> to vector<16xi32>
    %swap3A_95 = vector.shape_cast %get3A_91 : vector<16xi32> to vector<16xi32>
    tpu.vector_store %arg11[%swap3A_92], %swap3A_95 {strides = array<i32>} : memref<128xi32, #tpu.memory_space<vmem>>, vector<16xi32>,
    %get3A_96 = arith.constant 80 : index
    %get3A_97 = tpu.vector_load %arg13[%get3A_96] {strides = array<i32>} : memref<5376xi32, #tpu.memory_space<vmem>>, vector<16xi32>,
    %get3A_98 = vector.shape_cast %get3A_97 : vector<16xi32> to vector<16xi32>
    %swap3A_99 = arith.constant 80 : index
    %swap3A_100 = tpu.vector_load %arg9[%swap3A_99] {strides = array<i32>} : memref<128xi32, #tpu.memory_space<vmem>>, vector<16xi32>,
    %swap3A_101 = vector.shape_cast %swap3A_100 : vector<16xi32> to vector<16xi32>
    %swap3A_102 = vector.shape_cast %get3A_98 : vector<16xi32> to vector<16xi32>
    tpu.vector_store %arg9[%swap3A_99], %swap3A_102 {strides = array<i32>} : memref<128xi32, #tpu.memory_space<vmem>>, vector<16xi32>,
    %get3A_103 = arith.constant 80 : index
    %get3A_104 = tpu.vector_load %arg14[%get3A_103] {strides = array<i32>} : memref<5376xi32, #tpu.memory_space<vmem>>, vector<16xi32>,
    %get3A_105 = vector.shape_cast %get3A_104 : vector<16xi32> to vector<16xi32>
    %swap3A_106 = arith.constant 80 : index
    %swap3A_107 = tpu.vector_load %arg11[%swap3A_106] {strides = array<i32>} : memref<128xi32, #tpu.memory_space<vmem>>, vector<16xi32>,
    %swap3A_108 = vector.shape_cast %swap3A_107 : vector<16xi32> to vector<16xi32>
    %swap3A_109 = vector.shape_cast %get3A_105 : vector<16xi32> to vector<16xi32>
    tpu.vector_store %arg11[%swap3A_106], %swap3A_109 {strides = array<i32>} : memref<128xi32, #tpu.memory_space<vmem>>, vector<16xi32>,
    %get3A_110 = arith.constant 96 : index
    %get3A_111 = tpu.vector_load %arg13[%get3A_110] {strides = array<i32>} : memref<5376xi32, #tpu.memory_space<vmem>>, vector<16xi32>,
    %get3A_112 = vector.shape_cast %get3A_111 : vector<16xi32> to vector<16xi32>
    %swap3A_113 = arith.constant 96 : index
    %swap3A_114 = tpu.vector_load %arg9[%swap3A_113] {strides = array<i32>} : memref<128xi32, #tpu.memory_space<vmem>>, vector<16xi32>,
    %swap3A_115 = vector.shape_cast %swap3A_114 : vector<16xi32> to vector<16xi32>
    %swap3A_116 = vector.shape_cast %get3A_112 : vector<16xi32> to vector<16xi32>
    tpu.vector_store %arg9[%swap3A_113], %swap3A_116 {strides = array<i32>} : memref<128xi32, #tpu.memory_space<vmem>>, vector<16xi32>,
    %get3A_117 = arith.constant 96 : index
    %get3A_118 = tpu.vector_load %arg14[%get3A_117] {strides = array<i32>} : memref<5376xi32, #tpu.memory_space<vmem>>, vector<16xi32>,
    %get3A_119 = vector.shape_cast %get3A_118 : vector<16xi32> to vector<16xi32>
    %swap3A_120 = arith.constant 96 : index
    %swap3A_121 = tpu.vector_load %arg11[%swap3A_120] {strides = array<i32>} : memref<128xi32, #tpu.memory_space<vmem>>, vector<16xi32>,
    %swap3A_122 = vector.shape_cast %swap3A_121 : vector<16xi32> to vector<16xi32>
    %swap3A_123 = vector.shape_cast %get3A_119 : vector<16xi32> to vector<16xi32>
    tpu.vector_store %arg11[%swap3A_120], %swap3A_123 {strides = array<i32>} : memref<128xi32, #tpu.memory_space<vmem>>, vector<16xi32>,
    %get3A_124 = arith.constant 112 : index
    %get3A_125 = tpu.vector_load %arg13[%get3A_124] {strides = array<i32>} : memref<5376xi32, #tpu.memory_space<vmem>>, vector<16xi32>,
    %get3A_126 = vector.shape_cast %get3A_125 : vector<16xi32> to vector<16xi32>
    %swap3A_127 = arith.constant 112 : index
    %swap3A_128 = tpu.vector_load %arg9[%swap3A_127] {strides = array<i32>} : memref<128xi32, #tpu.memory_space<vmem>>, vector<16xi32>,
    %swap3A_129 = vector.shape_cast %swap3A_128 : vector<16xi32> to vector<16xi32>
    %swap3A_130 = vector.shape_cast %get3A_126 : vector<16xi32> to vector<16xi32>
    tpu.vector_store %arg9[%swap3A_127], %swap3A_130 {strides = array<i32>} : memref<128xi32, #tpu.memory_space<vmem>>, vector<16xi32>,
    %get3A_131 = arith.constant 112 : index
    %get3A_132 = tpu.vector_load %arg14[%get3A_131] {strides = array<i32>} : memref<5376xi32, #tpu.memory_space<vmem>>, vector<16xi32>,
    %get3A_133 = vector.shape_cast %get3A_132 : vector<16xi32> to vector<16xi32>
    %swap3A_134 = arith.constant 112 : index
    %swap3A_135 = tpu.vector_load %arg11[%swap3A_134] {strides = array<i32>} : memref<128xi32, #tpu.memory_space<vmem>>, vector<16xi32>,
    %swap3A_136 = vector.shape_cast %swap3A_135 : vector<16xi32> to vector<16xi32>
    %swap3A_137 = vector.shape_cast %get3A_133 : vector<16xi32> to vector<16xi32>
    tpu.vector_store %arg11[%swap3A_134], %swap3A_137 {strides = array<i32>} : memref<128xi32, #tpu.memory_space<vmem>>, vector<16xi32>,
    %dma_start3A = arith.constant 0 : i32
    %dma_start3A_138 = arith.constant 0 : i32
    %dma_start3A_139 = tpu.memref_slice %arg2[%dma_start3A, %dma_start3A_138] : memref<10240x80xf32, #tpu.memory_space<hbm>> -> memref<10240x80xf32, #tpu.memory_space<hbm>>
    tpu.enqueue_indirect_dma source(%dma_start3A_139 : memref<10240x80xf32, #tpu.memory_space<hbm>>) target(%arg15 : memref<128x80xf32, #tpu.memory_space<vmem>>) offsets(%arg9 : memref<128xi32, #tpu.memory_space<vmem>>) semaphore(%arg22 : memref<!tpu.dma_semaphore, #tpu.memory_space<semaphore_mem>>)
    %dma_start3A_140 = arith.constant 0 : i32
    %dma_start3A_141 = arith.constant 0 : i32
    %dma_start3A_142 = tpu.memref_slice %arg3[%dma_start3A_140, %dma_start3A_141] : memref<10240x16xf32, #tpu.memory_space<hbm>> -> memref<10240x16xf32, #tpu.memory_space<hbm>>
    tpu.enqueue_indirect_dma source(%dma_start3A_142 : memref<10240x16xf32, #tpu.memory_space<hbm>>) target(%arg17 : memref<128x16xf32, #tpu.memory_space<vmem>>) offsets(%arg9 : memref<128xi32, #tpu.memory_space<vmem>>) semaphore(%arg24 : memref<!tpu.dma_semaphore, #tpu.memory_space<semaphore_mem>>)
    %dma_start3A_143 = arith.constant 0 : i32
    %dma_start3A_144 = arith.constant 0 : i32
    %dma_start3A_145 = tpu.memref_slice %arg4[%dma_start3A_143, %dma_start3A_144] : memref<10240x16xf32, #tpu.memory_space<hbm>> -> memref<10240x16xf32, #tpu.memory_space<hbm>>
    tpu.enqueue_indirect_dma source(%dma_start3A_145 : memref<10240x16xf32, #tpu.memory_space<hbm>>) target(%arg19 : memref<128x16xf32, #tpu.memory_space<vmem>>) offsets(%arg11 : memref<128xi32, #tpu.memory_space<vmem>>) semaphore(%arg26 : memref<!tpu.dma_semaphore, #tpu.memory_space<semaphore_mem>>)
    %scan3A_146 = arith.constant 0 : i32
    %scan3A_147 = arith.constant 0 : i32
    %scan3A_148 = arith.constant 21 : i32
    %scan3A_149 = arith.addi %scan3A_147, %scan3A_148 : i32
    %scan3A_150 = arith.constant 1 : i32
    scf.for %scan3A_162 = %scan3A_147 to %scan3A_149 step %scan3A_150  : i32 {
      %mul3A_163 = arith.constant 2 : i32
      %mul3A_164 = arith.muli %mul3A_163, %scan3A_162 : i32
      %add3A_165 = arith.constant 0 : i32
      %add3A_166 = arith.addi %mul3A_164, %add3A_165 : i32
      %add3A_167 = arith.constant 1 : i32
      %add3A_168 = arith.addi %add3A_166, %add3A_167 : i32
      %lt3A = arith.constant 42 : i32
      %lt3A_169 = arith.cmpi slt, %add3A_168, %lt3A : i32
      %convert_element_type3A_170 = arith.extui %lt3A_169 : i1 to i32
      %cond3A_171 = arith.constant 0 : i32
      %cond3A_172 = arith.cmpi ne, %convert_element_type3A_170, %cond3A_171 : i32
      scf.if %cond3A_172 {
        %mul3A_279 = arith.constant 128 : i32
        %mul3A_280 = arith.muli %add3A_168, %mul3A_279 : i32
        %add3A_281 = arith.constant 0 : i32
        %add3A_282 = arith.addi %mul3A_280, %add3A_281 : i32
        %get3A_283 = arith.index_cast %add3A_282 : i32 to index
        %get3A_284 = tpu.vector_load %arg13[%get3A_283] {strides = array<i32>} : memref<5376xi32, #tpu.memory_space<vmem>>, vector<16xi32>,
        %get3A_285 = vector.shape_cast %get3A_284 : vector<16xi32> to vector<16xi32>
        %swap3A_286 = arith.constant 0 : index
        %swap3A_287 = tpu.vector_load %arg10[%swap3A_286] {strides = array<i32>} : memref<128xi32, #tpu.memory_space<vmem>>, vector<16xi32>,
        %swap3A_288 = vector.shape_cast %swap3A_287 : vector<16xi32> to vector<16xi32>
        %swap3A_289 = vector.shape_cast %get3A_285 : vector<16xi32> to vector<16xi32>
        tpu.vector_store %arg10[%swap3A_286], %swap3A_289 {strides = array<i32>} : memref<128xi32, #tpu.memory_space<vmem>>, vector<16xi32>,
        %mul3A_290 = arith.constant 128 : i32
        %mul3A_291 = arith.muli %add3A_168, %mul3A_290 : i32
        %add3A_292 = arith.constant 0 : i32
        %add3A_293 = arith.addi %mul3A_291, %add3A_292 : i32
        %get3A_294 = arith.index_cast %add3A_293 : i32 to index
        %get3A_295 = tpu.vector_load %arg14[%get3A_294] {strides = array<i32>} : memref<5376xi32, #tpu.memory_space<vmem>>, vector<16xi32>,
        %get3A_296 = vector.shape_cast %get3A_295 : vector<16xi32> to vector<16xi32>
        %swap3A_297 = arith.constant 0 : index
        %swap3A_298 = tpu.vector_load %arg12[%swap3A_297] {strides = array<i32>} : memref<128xi32, #tpu.memory_space<vmem>>, vector<16xi32>,
        %swap3A_299 = vector.shape_cast %swap3A_298 : vector<16xi32> to vector<16xi32>
        %swap3A_300 = vector.shape_cast %get3A_296 : vector<16xi32> to vector<16xi32>
        tpu.vector_store %arg12[%swap3A_297], %swap3A_300 {strides = array<i32>} : memref<128xi32, #tpu.memory_space<vmem>>, vector<16xi32>,
        %mul3A_301 = arith.constant 128 : i32
        %mul3A_302 = arith.muli %add3A_168, %mul3A_301 : i32
        %add3A_303 = arith.constant 16 : i32
        %add3A_304 = arith.addi %mul3A_302, %add3A_303 : i32
        %get3A_305 = arith.index_cast %add3A_304 : i32 to index
        %get3A_306 = tpu.vector_load %arg13[%get3A_305] {strides = array<i32>} : memref<5376xi32, #tpu.memory_space<vmem>>, vector<16xi32>,
        %get3A_307 = vector.shape_cast %get3A_306 : vector<16xi32> to vector<16xi32>
        %swap3A_308 = arith.constant 16 : index
        %swap3A_309 = tpu.vector_load %arg10[%swap3A_308] {strides = array<i32>} : memref<128xi32, #tpu.memory_space<vmem>>, vector<16xi32>,
        %swap3A_310 = vector.shape_cast %swap3A_309 : vector<16xi32> to vector<16xi32>
        %swap3A_311 = vector.shape_cast %get3A_307 : vector<16xi32> to vector<16xi32>
        tpu.vector_store %arg10[%swap3A_308], %swap3A_311 {strides = array<i32>} : memref<128xi32, #tpu.memory_space<vmem>>, vector<16xi32>,
        %mul3A_312 = arith.constant 128 : i32
        %mul3A_313 = arith.muli %add3A_168, %mul3A_312 : i32
        %add3A_314 = arith.constant 16 : i32
        %add3A_315 = arith.addi %mul3A_313, %add3A_314 : i32
        %get3A_316 = arith.index_cast %add3A_315 : i32 to index
        %get3A_317 = tpu.vector_load %arg14[%get3A_316] {strides = array<i32>} : memref<5376xi32, #tpu.memory_space<vmem>>, vector<16xi32>,
        %get3A_318 = vector.shape_cast %get3A_317 : vector<16xi32> to vector<16xi32>
        %swap3A_319 = arith.constant 16 : index
        %swap3A_320 = tpu.vector_load %arg12[%swap3A_319] {strides = array<i32>} : memref<128xi32, #tpu.memory_space<vmem>>, vector<16xi32>,
        %swap3A_321 = vector.shape_cast %swap3A_320 : vector<16xi32> to vector<16xi32>
        %swap3A_322 = vector.shape_cast %get3A_318 : vector<16xi32> to vector<16xi32>
        tpu.vector_store %arg12[%swap3A_319], %swap3A_322 {strides = array<i32>} : memref<128xi32, #tpu.memory_space<vmem>>, vector<16xi32>,
        %mul3A_323 = arith.constant 128 : i32
        %mul3A_324 = arith.muli %add3A_168, %mul3A_323 : i32
        %add3A_325 = arith.constant 32 : i32
        %add3A_326 = arith.addi %mul3A_324, %add3A_325 : i32
        %get3A_327 = arith.index_cast %add3A_326 : i32 to index
        %get3A_328 = tpu.vector_load %arg13[%get3A_327] {strides = array<i32>} : memref<5376xi32, #tpu.memory_space<vmem>>, vector<16xi32>,
        %get3A_329 = vector.shape_cast %get3A_328 : vector<16xi32> to vector<16xi32>
        %swap3A_330 = arith.constant 32 : index
        %swap3A_331 = tpu.vector_load %arg10[%swap3A_330] {strides = array<i32>} : memref<128xi32, #tpu.memory_space<vmem>>, vector<16xi32>,
        %swap3A_332 = vector.shape_cast %swap3A_331 : vector<16xi32> to vector<16xi32>
        %swap3A_333 = vector.shape_cast %get3A_329 : vector<16xi32> to vector<16xi32>
        tpu.vector_store %arg10[%swap3A_330], %swap3A_333 {strides = array<i32>} : memref<128xi32, #tpu.memory_space<vmem>>, vector<16xi32>,
        %mul3A_334 = arith.constant 128 : i32
        %mul3A_335 = arith.muli %add3A_168, %mul3A_334 : i32
        %add3A_336 = arith.constant 32 : i32
        %add3A_337 = arith.addi %mul3A_335, %add3A_336 : i32
        %get3A_338 = arith.index_cast %add3A_337 : i32 to index
        %get3A_339 = tpu.vector_load %arg14[%get3A_338] {strides = array<i32>} : memref<5376xi32, #tpu.memory_space<vmem>>, vector<16xi32>,
        %get3A_340 = vector.shape_cast %get3A_339 : vector<16xi32> to vector<16xi32>
        %swap3A_341 = arith.constant 32 : index
        %swap3A_342 = tpu.vector_load %arg12[%swap3A_341] {strides = array<i32>} : memref<128xi32, #tpu.memory_space<vmem>>, vector<16xi32>,
        %swap3A_343 = vector.shape_cast %swap3A_342 : vector<16xi32> to vector<16xi32>
        %swap3A_344 = vector.shape_cast %get3A_340 : vector<16xi32> to vector<16xi32>
        tpu.vector_store %arg12[%swap3A_341], %swap3A_344 {strides = array<i32>} : memref<128xi32, #tpu.memory_space<vmem>>, vector<16xi32>,
        %mul3A_345 = arith.constant 128 : i32
        %mul3A_346 = arith.muli %add3A_168, %mul3A_345 : i32
        %add3A_347 = arith.constant 48 : i32
        %add3A_348 = arith.addi %mul3A_346, %add3A_347 : i32
        %get3A_349 = arith.index_cast %add3A_348 : i32 to index
        %get3A_350 = tpu.vector_load %arg13[%get3A_349] {strides = array<i32>} : memref<5376xi32, #tpu.memory_space<vmem>>, vector<16xi32>,
        %get3A_351 = vector.shape_cast %get3A_350 : vector<16xi32> to vector<16xi32>
        %swap3A_352 = arith.constant 48 : index
        %swap3A_353 = tpu.vector_load %arg10[%swap3A_352] {strides = array<i32>} : memref<128xi32, #tpu.memory_space<vmem>>, vector<16xi32>,
        %swap3A_354 = vector.shape_cast %swap3A_353 : vector<16xi32> to vector<16xi32>
        %swap3A_355 = vector.shape_cast %get3A_351 : vector<16xi32> to vector<16xi32>
        tpu.vector_store %arg10[%swap3A_352], %swap3A_355 {strides = array<i32>} : memref<128xi32, #tpu.memory_space<vmem>>, vector<16xi32>,
        %mul3A_356 = arith.constant 128 : i32
        %mul3A_357 = arith.muli %add3A_168, %mul3A_356 : i32
        %add3A_358 = arith.constant 48 : i32
        %add3A_359 = arith.addi %mul3A_357, %add3A_358 : i32
        %get3A_360 = arith.index_cast %add3A_359 : i32 to index
        %get3A_361 = tpu.vector_load %arg14[%get3A_360] {strides = array<i32>} : memref<5376xi32, #tpu.memory_space<vmem>>, vector<16xi32>,
        %get3A_362 = vector.shape_cast %get3A_361 : vector<16xi32> to vector<16xi32>
        %swap3A_363 = arith.constant 48 : index
        %swap3A_364 = tpu.vector_load %arg12[%swap3A_363] {strides = array<i32>} : memref<128xi32, #tpu.memory_space<vmem>>, vector<16xi32>,
        %swap3A_365 = vector.shape_cast %swap3A_364 : vector<16xi32> to vector<16xi32>
        %swap3A_366 = vector.shape_cast %get3A_362 : vector<16xi32> to vector<16xi32>
        tpu.vector_store %arg12[%swap3A_363], %swap3A_366 {strides = array<i32>} : memref<128xi32, #tpu.memory_space<vmem>>, vector<16xi32>,
        %mul3A_367 = arith.constant 128 : i32
        %mul3A_368 = arith.muli %add3A_168, %mul3A_367 : i32
        %add3A_369 = arith.constant 64 : i32
        %add3A_370 = arith.addi %mul3A_368, %add3A_369 : i32
        %get3A_371 = arith.index_cast %add3A_370 : i32 to index
        %get3A_372 = tpu.vector_load %arg13[%get3A_371] {strides = array<i32>} : memref<5376xi32, #tpu.memory_space<vmem>>, vector<16xi32>,
        %get3A_373 = vector.shape_cast %get3A_372 : vector<16xi32> to vector<16xi32>
        %swap3A_374 = arith.constant 64 : index
        %swap3A_375 = tpu.vector_load %arg10[%swap3A_374] {strides = array<i32>} : memref<128xi32, #tpu.memory_space<vmem>>, vector<16xi32>,
        %swap3A_376 = vector.shape_cast %swap3A_375 : vector<16xi32> to vector<16xi32>
        %swap3A_377 = vector.shape_cast %get3A_373 : vector<16xi32> to vector<16xi32>
        tpu.vector_store %arg10[%swap3A_374], %swap3A_377 {strides = array<i32>} : memref<128xi32, #tpu.memory_space<vmem>>, vector<16xi32>,
        %mul3A_378 = arith.constant 128 : i32
        %mul3A_379 = arith.muli %add3A_168, %mul3A_378 : i32
        %add3A_380 = arith.constant 64 : i32
        %add3A_381 = arith.addi %mul3A_379, %add3A_380 : i32
        %get3A_382 = arith.index_cast %add3A_381 : i32 to index
        %get3A_383 = tpu.vector_load %arg14[%get3A_382] {strides = array<i32>} : memref<5376xi32, #tpu.memory_space<vmem>>, vector<16xi32>,
        %get3A_384 = vector.shape_cast %get3A_383 : vector<16xi32> to vector<16xi32>
        %swap3A_385 = arith.constant 64 : index
        %swap3A_386 = tpu.vector_load %arg12[%swap3A_385] {strides = array<i32>} : memref<128xi32, #tpu.memory_space<vmem>>, vector<16xi32>,
        %swap3A_387 = vector.shape_cast %swap3A_386 : vector<16xi32> to vector<16xi32>
        %swap3A_388 = vector.shape_cast %get3A_384 : vector<16xi32> to vector<16xi32>
        tpu.vector_store %arg12[%swap3A_385], %swap3A_388 {strides = array<i32>} : memref<128xi32, #tpu.memory_space<vmem>>, vector<16xi32>,
        %mul3A_389 = arith.constant 128 : i32
        %mul3A_390 = arith.muli %add3A_168, %mul3A_389 : i32
        %add3A_391 = arith.constant 80 : i32
        %add3A_392 = arith.addi %mul3A_390, %add3A_391 : i32
        %get3A_393 = arith.index_cast %add3A_392 : i32 to index
        %get3A_394 = tpu.vector_load %arg13[%get3A_393] {strides = array<i32>} : memref<5376xi32, #tpu.memory_space<vmem>>, vector<16xi32>,
        %get3A_395 = vector.shape_cast %get3A_394 : vector<16xi32> to vector<16xi32>
        %swap3A_396 = arith.constant 80 : index
        %swap3A_397 = tpu.vector_load %arg10[%swap3A_396] {strides = array<i32>} : memref<128xi32, #tpu.memory_space<vmem>>, vector<16xi32>,
        %swap3A_398 = vector.shape_cast %swap3A_397 : vector<16xi32> to vector<16xi32>
        %swap3A_399 = vector.shape_cast %get3A_395 : vector<16xi32> to vector<16xi32>
        tpu.vector_store %arg10[%swap3A_396], %swap3A_399 {strides = array<i32>} : memref<128xi32, #tpu.memory_space<vmem>>, vector<16xi32>,
        %mul3A_400 = arith.constant 128 : i32
        %mul3A_401 = arith.muli %add3A_168, %mul3A_400 : i32
        %add3A_402 = arith.constant 80 : i32
        %add3A_403 = arith.addi %mul3A_401, %add3A_402 : i32
        %get3A_404 = arith.index_cast %add3A_403 : i32 to index
        %get3A_405 = tpu.vector_load %arg14[%get3A_404] {strides = array<i32>} : memref<5376xi32, #tpu.memory_space<vmem>>, vector<16xi32>,
        %get3A_406 = vector.shape_cast %get3A_405 : vector<16xi32> to vector<16xi32>
        %swap3A_407 = arith.constant 80 : index
        %swap3A_408 = tpu.vector_load %arg12[%swap3A_407] {strides = array<i32>} : memref<128xi32, #tpu.memory_space<vmem>>, vector<16xi32>,
        %swap3A_409 = vector.shape_cast %swap3A_408 : vector<16xi32> to vector<16xi32>
        %swap3A_410 = vector.shape_cast %get3A_406 : vector<16xi32> to vector<16xi32>
        tpu.vector_store %arg12[%swap3A_407], %swap3A_410 {strides = array<i32>} : memref<128xi32, #tpu.memory_space<vmem>>, vector<16xi32>,
        %mul3A_411 = arith.constant 128 : i32
        %mul3A_412 = arith.muli %add3A_168, %mul3A_411 : i32
        %add3A_413 = arith.constant 96 : i32
        %add3A_414 = arith.addi %mul3A_412, %add3A_413 : i32
        %get3A_415 = arith.index_cast %add3A_414 : i32 to index
        %get3A_416 = tpu.vector_load %arg13[%get3A_415] {strides = array<i32>} : memref<5376xi32, #tpu.memory_space<vmem>>, vector<16xi32>,
        %get3A_417 = vector.shape_cast %get3A_416 : vector<16xi32> to vector<16xi32>
        %swap3A_418 = arith.constant 96 : index
        %swap3A_419 = tpu.vector_load %arg10[%swap3A_418] {strides = array<i32>} : memref<128xi32, #tpu.memory_space<vmem>>, vector<16xi32>,
        %swap3A_420 = vector.shape_cast %swap3A_419 : vector<16xi32> to vector<16xi32>
        %swap3A_421 = vector.shape_cast %get3A_417 : vector<16xi32> to vector<16xi32>
        tpu.vector_store %arg10[%swap3A_418], %swap3A_421 {strides = array<i32>} : memref<128xi32, #tpu.memory_space<vmem>>, vector<16xi32>,
        %mul3A_422 = arith.constant 128 : i32
        %mul3A_423 = arith.muli %add3A_168, %mul3A_422 : i32
        %add3A_424 = arith.constant 96 : i32
        %add3A_425 = arith.addi %mul3A_423, %add3A_424 : i32
        %get3A_426 = arith.index_cast %add3A_425 : i32 to index
        %get3A_427 = tpu.vector_load %arg14[%get3A_426] {strides = array<i32>} : memref<5376xi32, #tpu.memory_space<vmem>>, vector<16xi32>,
        %get3A_428 = vector.shape_cast %get3A_427 : vector<16xi32> to vector<16xi32>
        %swap3A_429 = arith.constant 96 : index
        %swap3A_430 = tpu.vector_load %arg12[%swap3A_429] {strides = array<i32>} : memref<128xi32, #tpu.memory_space<vmem>>, vector<16xi32>,
        %swap3A_431 = vector.shape_cast %swap3A_430 : vector<16xi32> to vector<16xi32>
        %swap3A_432 = vector.shape_cast %get3A_428 : vector<16xi32> to vector<16xi32>
        tpu.vector_store %arg12[%swap3A_429], %swap3A_432 {strides = array<i32>} : memref<128xi32, #tpu.memory_space<vmem>>, vector<16xi32>,
        %mul3A_433 = arith.constant 128 : i32
        %mul3A_434 = arith.muli %add3A_168, %mul3A_433 : i32
        %add3A_435 = arith.constant 112 : i32
        %add3A_436 = arith.addi %mul3A_434, %add3A_435 : i32
        %get3A_437 = arith.index_cast %add3A_436 : i32 to index
        %get3A_438 = tpu.vector_load %arg13[%get3A_437] {strides = array<i32>} : memref<5376xi32, #tpu.memory_space<vmem>>, vector<16xi32>,
        %get3A_439 = vector.shape_cast %get3A_438 : vector<16xi32> to vector<16xi32>
        %swap3A_440 = arith.constant 112 : index
        %swap3A_441 = tpu.vector_load %arg10[%swap3A_440] {strides = array<i32>} : memref<128xi32, #tpu.memory_space<vmem>>, vector<16xi32>,
        %swap3A_442 = vector.shape_cast %swap3A_441 : vector<16xi32> to vector<16xi32>
        %swap3A_443 = vector.shape_cast %get3A_439 : vector<16xi32> to vector<16xi32>
        tpu.vector_store %arg10[%swap3A_440], %swap3A_443 {strides = array<i32>} : memref<128xi32, #tpu.memory_space<vmem>>, vector<16xi32>,
        %mul3A_444 = arith.constant 128 : i32
        %mul3A_445 = arith.muli %add3A_168, %mul3A_444 : i32
        %add3A_446 = arith.constant 112 : i32
        %add3A_447 = arith.addi %mul3A_445, %add3A_446 : i32
        %get3A_448 = arith.index_cast %add3A_447 : i32 to index
        %get3A_449 = tpu.vector_load %arg14[%get3A_448] {strides = array<i32>} : memref<5376xi32, #tpu.memory_space<vmem>>, vector<16xi32>,
        %get3A_450 = vector.shape_cast %get3A_449 : vector<16xi32> to vector<16xi32>
        %swap3A_451 = arith.constant 112 : index
        %swap3A_452 = tpu.vector_load %arg12[%swap3A_451] {strides = array<i32>} : memref<128xi32, #tpu.memory_space<vmem>>, vector<16xi32>,
        %swap3A_453 = vector.shape_cast %swap3A_452 : vector<16xi32> to vector<16xi32>
        %swap3A_454 = vector.shape_cast %get3A_450 : vector<16xi32> to vector<16xi32>
        tpu.vector_store %arg12[%swap3A_451], %swap3A_454 {strides = array<i32>} : memref<128xi32, #tpu.memory_space<vmem>>, vector<16xi32>,
        %dma_start3A_455 = arith.constant 0 : i32
        %dma_start3A_456 = arith.constant 0 : i32
        %dma_start3A_457 = tpu.memref_slice %arg2[%dma_start3A_455, %dma_start3A_456] : memref<10240x80xf32, #tpu.memory_space<hbm>> -> memref<10240x80xf32, #tpu.memory_space<hbm>>
        tpu.enqueue_indirect_dma source(%dma_start3A_457 : memref<10240x80xf32, #tpu.memory_space<hbm>>) target(%arg16 : memref<128x80xf32, #tpu.memory_space<vmem>>) offsets(%arg10 : memref<128xi32, #tpu.memory_space<vmem>>) semaphore(%arg23 : memref<!tpu.dma_semaphore, #tpu.memory_space<semaphore_mem>>)
        %dma_start3A_458 = arith.constant 0 : i32
        %dma_start3A_459 = arith.constant 0 : i32
        %dma_start3A_460 = tpu.memref_slice %arg3[%dma_start3A_458, %dma_start3A_459] : memref<10240x16xf32, #tpu.memory_space<hbm>> -> memref<10240x16xf32, #tpu.memory_space<hbm>>
        tpu.enqueue_indirect_dma source(%dma_start3A_460 : memref<10240x16xf32, #tpu.memory_space<hbm>>) target(%arg18 : memref<128x16xf32, #tpu.memory_space<vmem>>) offsets(%arg10 : memref<128xi32, #tpu.memory_space<vmem>>) semaphore(%arg25 : memref<!tpu.dma_semaphore, #tpu.memory_space<semaphore_mem>>)
        %dma_start3A_461 = arith.constant 0 : i32
        %dma_start3A_462 = arith.constant 0 : i32
        %dma_start3A_463 = tpu.memref_slice %arg4[%dma_start3A_461, %dma_start3A_462] : memref<10240x16xf32, #tpu.memory_space<hbm>> -> memref<10240x16xf32, #tpu.memory_space<hbm>>
        tpu.enqueue_indirect_dma source(%dma_start3A_463 : memref<10240x16xf32, #tpu.memory_space<hbm>>) target(%arg20 : memref<128x16xf32, #tpu.memory_space<vmem>>) offsets(%arg12 : memref<128xi32, #tpu.memory_space<vmem>>) semaphore(%arg27 : memref<!tpu.dma_semaphore, #tpu.memory_space<semaphore_mem>>)
      } else {
      }
      %dma_wait3A = arith.constant 0 : i32
      %dma_wait3A_173 = arith.constant 0 : i32
      %dma_wait3A_174 = tpu.memref_slice %arg2[%dma_wait3A, %dma_wait3A_173] : memref<10240x80xf32, #tpu.memory_space<hbm>> -> memref<10240x80xf32, #tpu.memory_space<hbm>>
      tpu.wait_indirect_dma semaphore(%arg22 : memref<!tpu.dma_semaphore, #tpu.memory_space<semaphore_mem>>) src(%dma_wait3A_174 : memref<10240x80xf32, #tpu.memory_space<hbm>>) dst(%arg15 : memref<128x80xf32, #tpu.memory_space<vmem>>)
      %dma_wait3A_175 = arith.constant 0 : i32
      %dma_wait3A_176 = arith.constant 0 : i32
      %dma_wait3A_177 = tpu.memref_slice %arg3[%dma_wait3A_175, %dma_wait3A_176] : memref<10240x16xf32, #tpu.memory_space<hbm>> -> memref<10240x16xf32, #tpu.memory_space<hbm>>
      tpu.wait_indirect_dma semaphore(%arg24 : memref<!tpu.dma_semaphore, #tpu.memory_space<semaphore_mem>>) src(%dma_wait3A_177 : memref<10240x16xf32, #tpu.memory_space<hbm>>) dst(%arg17 : memref<128x16xf32, #tpu.memory_space<vmem>>)
      %dma_wait3A_178 = arith.constant 0 : i32
      %dma_wait3A_179 = arith.constant 0 : i32
      %dma_wait3A_180 = tpu.memref_slice %arg4[%dma_wait3A_178, %dma_wait3A_179] : memref<10240x16xf32, #tpu.memory_space<hbm>> -> memref<10240x16xf32, #tpu.memory_space<hbm>>
      tpu.wait_indirect_dma semaphore(%arg26 : memref<!tpu.dma_semaphore, #tpu.memory_space<semaphore_mem>>) src(%dma_wait3A_180 : memref<10240x16xf32, #tpu.memory_space<hbm>>) dst(%arg19 : memref<128x16xf32, #tpu.memory_space<vmem>>)
      %iota3A = tpu.iota {dimensions = array<i32: 0>} : vector<16xi32>
      %and3A = arith.constant 7 : i32
      %and3A_181 = vector.broadcast %and3A : i32 to vector<16xi32>
      %and3A_182 = arith.andi %iota3A, %and3A_181 : vector<16xi32>
      %add3A_183 = arith.constant 8 : i32
      %add3A_184 = vector.broadcast %add3A_183 : i32 to vector<16xi32>
      %add3A_185 = arith.addi %and3A_182, %add3A_184 : vector<16xi32>
      %lt3A_186 = arith.constant 8 : i32
      %lt3A_187 = vector.broadcast %lt3A_186 : i32 to vector<16xi32>
      %lt3A_188 = arith.cmpi slt, %iota3A, %lt3A_187 : vector<16xi32>
      %jit3A = arith.constant 0 : i32
      %jit3A_189 = arith.constant 1 : i32
      %broadcast_in_dim3A = vector.broadcast %jit3A : i32 to vector<16xi32>
      %broadcast_in_dim3A_190 = vector.broadcast %jit3A_189 : i32 to vector<16xi32>
      %select_n3A = arith.select %lt3A_188, %broadcast_in_dim3A, %broadcast_in_dim3A_190 : vector<16xi1>, vector<16xi32>
      %lt3A_191 = arith.constant 8 : i32
      %lt3A_192 = vector.broadcast %lt3A_191 : i32 to vector<16xi32>
      %lt3A_193 = arith.cmpi slt, %iota3A, %lt3A_192 : vector<16xi32>
      %jit3A_194 = arith.constant 2 : i32
      %jit3A_195 = arith.constant 3 : i32
      %broadcast_in_dim3A_196 = vector.broadcast %jit3A_194 : i32 to vector<16xi32>
      %broadcast_in_dim3A_197 = vector.broadcast %jit3A_195 : i32 to vector<16xi32>
      %select_n3A_198 = arith.select %lt3A_193, %broadcast_in_dim3A_196, %broadcast_in_dim3A_197 : vector<16xi1>, vector<16xi32>
      %lt3A_199 = arith.constant 8 : i32
      %lt3A_200 = vector.broadcast %lt3A_199 : i32 to vector<16xi32>
      %lt3A_201 = arith.cmpi slt, %iota3A, %lt3A_200 : vector<16xi32>
      %jit3A_202 = arith.constant 4 : i32
      %jit3A_203 = arith.constant 5 : i32
      %broadcast_in_dim3A_204 = vector.broadcast %jit3A_202 : i32 to vector<16xi32>
      %broadcast_in_dim3A_205 = vector.broadcast %jit3A_203 : i32 to vector<16xi32>
      %select_n3A_206 = arith.select %lt3A_201, %broadcast_in_dim3A_204, %broadcast_in_dim3A_205 : vector<16xi1>, vector<16xi32>
      %lt3A_207 = arith.constant 8 : i32
      %lt3A_208 = vector.broadcast %lt3A_207 : i32 to vector<16xi32>
      %lt3A_209 = arith.cmpi slt, %iota3A, %lt3A_208 : vector<16xi32>
      %jit3A_210 = arith.constant 6 : i32
      %jit3A_211 = arith.constant 7 : i32
      %broadcast_in_dim3A_212 = vector.broadcast %jit3A_210 : i32 to vector<16xi32>
      %broadcast_in_dim3A_213 = vector.broadcast %jit3A_211 : i32 to vector<16xi32>
      %select_n3A_214 = arith.select %lt3A_209, %broadcast_in_dim3A_212, %broadcast_in_dim3A_213 : vector<16xi1>, vector<16xi32>
      %parallel_loop3A = arith.constant 0 : i32
      %parallel_loop3A_215 = arith.constant 128 : i32
      %parallel_loop3A_216 = arith.constant 1 : i32
      scf.for %parallel_loop3A_279 = %parallel_loop3A to %parallel_loop3A_215 step %parallel_loop3A_216  : i32 {
        %parallel_loop3A_280 = arith.index_cast %parallel_loop3A_279 : i32 to index
        %parallel_loop3A_281 = arith.constant 0 : index
        %parallel_loop3A_282 = tpu.vector_load %arg17[%parallel_loop3A_280, %parallel_loop3A_281] {strides = array<i32>} : memref<128x16xf32, #tpu.memory_space<vmem>>, vector<1x16xf32>,
        %parallel_loop3A_283 = vector.shape_cast %parallel_loop3A_282 : vector<1x16xf32> to vector<16xf32>
        %parallel_loop3A_284 = arith.index_cast %parallel_loop3A_279 : i32 to index
        %parallel_loop3A_285 = arith.constant 0 : index
        %parallel_loop3A_286 = tpu.vector_load %arg19[%parallel_loop3A_284, %parallel_loop3A_285] {strides = array<i32>} : memref<128x16xf32, #tpu.memory_space<vmem>>, vector<1x16xf32>,
        %parallel_loop3A_287 = vector.shape_cast %parallel_loop3A_286 : vector<1x16xf32> to vector<16xf32>
        %parallel_loop3A_288 = vector.shape_cast %add3A_185 : vector<16xi32> to vector<16x1xi32>
        %parallel_loop3A_289 = vector.shape_cast %parallel_loop3A_288 : vector<16x1xi32> to vector<16xi32>
        %parallel_loop3A_290 = tpu.dynamic_gather %parallel_loop3A_287[%parallel_loop3A_289] in [0] : vector<16xf32>, vector<16xi32> -> vector<16xf32>
        %parallel_loop3A_291 = arith.addf %parallel_loop3A_283, %parallel_loop3A_290 : vector<16xf32>
        %parallel_loop3A_292 = arith.constant 0.000000e+00 : f32
        %parallel_loop3A_293 = vector.broadcast %parallel_loop3A_292 : f32 to vector<16xf32>
        %parallel_loop3A_294 = arith.cmpf oge, %parallel_loop3A_291, %parallel_loop3A_293 : vector<16xf32>
        %parallel_loop3A_295 = arith.constant 2.000000e-01 : f32
        %parallel_loop3A_296 = vector.broadcast %parallel_loop3A_295 : f32 to vector<16xf32>
        %parallel_loop3A_297 = arith.mulf %parallel_loop3A_296, %parallel_loop3A_291 : vector<16xf32>
        %parallel_loop3A_298 = arith.select %parallel_loop3A_294, %parallel_loop3A_291, %parallel_loop3A_297 : vector<16xi1>, vector<16xf32>
        %parallel_loop3A_299 = math.exp %parallel_loop3A_298 : vector<16xf32>
        %parallel_loop3A_300 = arith.index_cast %parallel_loop3A_279 : i32 to index
        %parallel_loop3A_301 = arith.constant 0 : index
        %parallel_loop3A_302 = tpu.vector_load %arg15[%parallel_loop3A_300, %parallel_loop3A_301] {strides = array<i32>} : memref<128x80xf32, #tpu.memory_space<vmem>>, vector<1x16xf32>,
        %parallel_loop3A_303 = vector.shape_cast %parallel_loop3A_302 : vector<1x16xf32> to vector<16xf32>
        %parallel_loop3A_304 = vector.shape_cast %select_n3A : vector<16xi32> to vector<16x1xi32>
        %parallel_loop3A_305 = vector.shape_cast %parallel_loop3A_304 : vector<16x1xi32> to vector<16xi32>
        %parallel_loop3A_306 = tpu.dynamic_gather %parallel_loop3A_299[%parallel_loop3A_305] in [0] : vector<16xf32>, vector<16xi32> -> vector<16xf32>
        %parallel_loop3A_307 = arith.mulf %parallel_loop3A_303, %parallel_loop3A_306 : vector<16xf32>
        %parallel_loop3A_308 = arith.index_cast %parallel_loop3A_279 : i32 to index
        %parallel_loop3A_309 = arith.constant 0 : index
        %parallel_loop3A_310 = tpu.vector_load %arg15[%parallel_loop3A_308, %parallel_loop3A_309] {strides = array<i32>} : memref<128x80xf32, #tpu.memory_space<vmem>>, vector<1x16xf32>,
        %parallel_loop3A_311 = vector.shape_cast %parallel_loop3A_310 : vector<1x16xf32> to vector<16xf32>
        %parallel_loop3A_312 = vector.shape_cast %parallel_loop3A_307 : vector<16xf32> to vector<1x16xf32>
        tpu.vector_store %arg15[%parallel_loop3A_308, %parallel_loop3A_309], %parallel_loop3A_312 {strides = array<i32>} : memref<128x80xf32, #tpu.memory_space<vmem>>, vector<1x16xf32>,
        %parallel_loop3A_313 = arith.index_cast %parallel_loop3A_279 : i32 to index
        %parallel_loop3A_314 = arith.constant 16 : index
        %parallel_loop3A_315 = tpu.vector_load %arg15[%parallel_loop3A_313, %parallel_loop3A_314] {strides = array<i32>} : memref<128x80xf32, #tpu.memory_space<vmem>>, vector<1x16xf32>,
        %parallel_loop3A_316 = vector.shape_cast %parallel_loop3A_315 : vector<1x16xf32> to vector<16xf32>
        %parallel_loop3A_317 = vector.shape_cast %select_n3A_198 : vector<16xi32> to vector<16x1xi32>
        %parallel_loop3A_318 = vector.shape_cast %parallel_loop3A_317 : vector<16x1xi32> to vector<16xi32>
        %parallel_loop3A_319 = tpu.dynamic_gather %parallel_loop3A_299[%parallel_loop3A_318] in [0] : vector<16xf32>, vector<16xi32> -> vector<16xf32>
        %parallel_loop3A_320 = arith.mulf %parallel_loop3A_316, %parallel_loop3A_319 : vector<16xf32>
        %parallel_loop3A_321 = arith.index_cast %parallel_loop3A_279 : i32 to index
        %parallel_loop3A_322 = arith.constant 16 : index
        %parallel_loop3A_323 = tpu.vector_load %arg15[%parallel_loop3A_321, %parallel_loop3A_322] {strides = array<i32>} : memref<128x80xf32, #tpu.memory_space<vmem>>, vector<1x16xf32>,
        %parallel_loop3A_324 = vector.shape_cast %parallel_loop3A_323 : vector<1x16xf32> to vector<16xf32>
        %parallel_loop3A_325 = vector.shape_cast %parallel_loop3A_320 : vector<16xf32> to vector<1x16xf32>
        tpu.vector_store %arg15[%parallel_loop3A_321, %parallel_loop3A_322], %parallel_loop3A_325 {strides = array<i32>} : memref<128x80xf32, #tpu.memory_space<vmem>>, vector<1x16xf32>,
        %parallel_loop3A_326 = arith.index_cast %parallel_loop3A_279 : i32 to index
        %parallel_loop3A_327 = arith.constant 32 : index
        %parallel_loop3A_328 = tpu.vector_load %arg15[%parallel_loop3A_326, %parallel_loop3A_327] {strides = array<i32>} : memref<128x80xf32, #tpu.memory_space<vmem>>, vector<1x16xf32>,
        %parallel_loop3A_329 = vector.shape_cast %parallel_loop3A_328 : vector<1x16xf32> to vector<16xf32>
        %parallel_loop3A_330 = vector.shape_cast %select_n3A_206 : vector<16xi32> to vector<16x1xi32>
        %parallel_loop3A_331 = vector.shape_cast %parallel_loop3A_330 : vector<16x1xi32> to vector<16xi32>
        %parallel_loop3A_332 = tpu.dynamic_gather %parallel_loop3A_299[%parallel_loop3A_331] in [0] : vector<16xf32>, vector<16xi32> -> vector<16xf32>
        %parallel_loop3A_333 = arith.mulf %parallel_loop3A_329, %parallel_loop3A_332 : vector<16xf32>
        %parallel_loop3A_334 = arith.index_cast %parallel_loop3A_279 : i32 to index
        %parallel_loop3A_335 = arith.constant 32 : index
        %parallel_loop3A_336 = tpu.vector_load %arg15[%parallel_loop3A_334, %parallel_loop3A_335] {strides = array<i32>} : memref<128x80xf32, #tpu.memory_space<vmem>>, vector<1x16xf32>,
        %parallel_loop3A_337 = vector.shape_cast %parallel_loop3A_336 : vector<1x16xf32> to vector<16xf32>
        %parallel_loop3A_338 = vector.shape_cast %parallel_loop3A_333 : vector<16xf32> to vector<1x16xf32>
        tpu.vector_store %arg15[%parallel_loop3A_334, %parallel_loop3A_335], %parallel_loop3A_338 {strides = array<i32>} : memref<128x80xf32, #tpu.memory_space<vmem>>, vector<1x16xf32>,
        %parallel_loop3A_339 = arith.index_cast %parallel_loop3A_279 : i32 to index
        %parallel_loop3A_340 = arith.constant 48 : index
        %parallel_loop3A_341 = tpu.vector_load %arg15[%parallel_loop3A_339, %parallel_loop3A_340] {strides = array<i32>} : memref<128x80xf32, #tpu.memory_space<vmem>>, vector<1x16xf32>,
        %parallel_loop3A_342 = vector.shape_cast %parallel_loop3A_341 : vector<1x16xf32> to vector<16xf32>
        %parallel_loop3A_343 = vector.shape_cast %select_n3A_214 : vector<16xi32> to vector<16x1xi32>
        %parallel_loop3A_344 = vector.shape_cast %parallel_loop3A_343 : vector<16x1xi32> to vector<16xi32>
        %parallel_loop3A_345 = tpu.dynamic_gather %parallel_loop3A_299[%parallel_loop3A_344] in [0] : vector<16xf32>, vector<16xi32> -> vector<16xf32>
        %parallel_loop3A_346 = arith.mulf %parallel_loop3A_342, %parallel_loop3A_345 : vector<16xf32>
        %parallel_loop3A_347 = arith.index_cast %parallel_loop3A_279 : i32 to index
        %parallel_loop3A_348 = arith.constant 48 : index
        %parallel_loop3A_349 = tpu.vector_load %arg15[%parallel_loop3A_347, %parallel_loop3A_348] {strides = array<i32>} : memref<128x80xf32, #tpu.memory_space<vmem>>, vector<1x16xf32>,
        %parallel_loop3A_350 = vector.shape_cast %parallel_loop3A_349 : vector<1x16xf32> to vector<16xf32>
        %parallel_loop3A_351 = vector.shape_cast %parallel_loop3A_346 : vector<16xf32> to vector<1x16xf32>
        tpu.vector_store %arg15[%parallel_loop3A_347, %parallel_loop3A_348], %parallel_loop3A_351 {strides = array<i32>} : memref<128x80xf32, #tpu.memory_space<vmem>>, vector<1x16xf32>,
        %parallel_loop3A_352 = arith.index_cast %parallel_loop3A_279 : i32 to index
        %parallel_loop3A_353 = arith.constant 64 : index
        %parallel_loop3A_354 = tpu.vector_load %arg15[%parallel_loop3A_352, %parallel_loop3A_353] {strides = array<i32>} : memref<128x80xf32, #tpu.memory_space<vmem>>, vector<1x16xf32>,
        %parallel_loop3A_355 = vector.shape_cast %parallel_loop3A_354 : vector<1x16xf32> to vector<16xf32>
        %parallel_loop3A_356 = arith.mulf %parallel_loop3A_355, %parallel_loop3A_299 : vector<16xf32>
        %parallel_loop3A_357 = arith.index_cast %parallel_loop3A_279 : i32 to index
        %parallel_loop3A_358 = arith.constant 64 : index
        %parallel_loop3A_359 = tpu.vector_load %arg15[%parallel_loop3A_357, %parallel_loop3A_358] {strides = array<i32>} : memref<128x80xf32, #tpu.memory_space<vmem>>, vector<1x16xf32>,
        %parallel_loop3A_360 = vector.shape_cast %parallel_loop3A_359 : vector<1x16xf32> to vector<16xf32>
        %parallel_loop3A_361 = vector.shape_cast %parallel_loop3A_356 : vector<16xf32> to vector<1x16xf32>
        tpu.vector_store %arg15[%parallel_loop3A_357, %parallel_loop3A_358], %parallel_loop3A_361 {strides = array<i32>} : memref<128x80xf32, #tpu.memory_space<vmem>>, vector<1x16xf32>,
      } {sc.loop_unroll_factor = 2 : i64, sc.parallel_access}
      "tpu.region"() ({
        %run_scoped3A = tpu.sem_alloc : memref<!tpu.dma_semaphore, #tpu.memory_space<semaphore_mem>>
        %dma_start3A_279 = arith.constant 0 : i32
        %dma_start3A_280 = arith.constant 0 : i32
        %dma_start3A_281 = tpu.memref_slice %arg21[%dma_start3A_279, %dma_start3A_280] : memref<10240x80xf32, #tpu.memory_space<vmem_shared>> -> memref<10240x80xf32, #tpu.memory_space<vmem_shared>>
        tpu.enqueue_indirect_dma source(%arg15 : memref<128x80xf32, #tpu.memory_space<vmem>>) target(%dma_start3A_281 : memref<10240x80xf32, #tpu.memory_space<vmem_shared>>) offsets(%arg11 : memref<128xi32, #tpu.memory_space<vmem>>) semaphore(%run_scoped3A : memref<!tpu.dma_semaphore, #tpu.memory_space<semaphore_mem>>) {add = true}
        %dma_wait3A_282 = arith.constant 0 : i32
        %dma_wait3A_283 = arith.constant 0 : i32
        %dma_wait3A_284 = tpu.memref_slice %arg21[%dma_wait3A_282, %dma_wait3A_283] : memref<10240x80xf32, #tpu.memory_space<vmem_shared>> -> memref<10240x80xf32, #tpu.memory_space<vmem_shared>>
        tpu.wait_indirect_dma semaphore(%run_scoped3A : memref<!tpu.dma_semaphore, #tpu.memory_space<semaphore_mem>>) src(%arg15 : memref<128x80xf32, #tpu.memory_space<vmem>>) dst(%dma_wait3A_284 : memref<10240x80xf32, #tpu.memory_space<vmem_shared>>)
        tpu.yield
      }) : () -> ()
      %mul3A_217 = arith.constant 2 : i32
      %mul3A_218 = arith.muli %mul3A_217, %scan3A_162 : i32
      %add3A_219 = arith.constant 1 : i32
      %add3A_220 = arith.addi %mul3A_218, %add3A_219 : i32
      %add3A_221 = arith.constant 1 : i32
      %add3A_222 = arith.addi %add3A_220, %add3A_221 : i32
      %lt3A_223 = arith.constant 42 : i32
      %lt3A_224 = arith.cmpi slt, %add3A_222, %lt3A_223 : i32
      %convert_element_type3A_225 = arith.extui %lt3A_224 : i1 to i32
      %cond3A_226 = arith.constant 0 : i32
      %cond3A_227 = arith.cmpi ne, %convert_element_type3A_225, %cond3A_226 : i32
      scf.if %cond3A_227 {
        %mul3A_279 = arith.constant 128 : i32
        %mul3A_280 = arith.muli %add3A_222, %mul3A_279 : i32
        %add3A_281 = arith.constant 0 : i32
        %add3A_282 = arith.addi %mul3A_280, %add3A_281 : i32
        %get3A_283 = arith.index_cast %add3A_282 : i32 to index
        %get3A_284 = tpu.vector_load %arg13[%get3A_283] {strides = array<i32>} : memref<5376xi32, #tpu.memory_space<vmem>>, vector<16xi32>,
        %get3A_285 = vector.shape_cast %get3A_284 : vector<16xi32> to vector<16xi32>
        %swap3A_286 = arith.constant 0 : index
        %swap3A_287 = tpu.vector_load %arg9[%swap3A_286] {strides = array<i32>} : memref<128xi32, #tpu.memory_space<vmem>>, vector<16xi32>,
        %swap3A_288 = vector.shape_cast %swap3A_287 : vector<16xi32> to vector<16xi32>
        %swap3A_289 = vector.shape_cast %get3A_285 : vector<16xi32> to vector<16xi32>
        tpu.vector_store %arg9[%swap3A_286], %swap3A_289 {strides = array<i32>} : memref<128xi32, #tpu.memory_space<vmem>>, vector<16xi32>,
        %mul3A_290 = arith.constant 128 : i32
        %mul3A_291 = arith.muli %add3A_222, %mul3A_290 : i32
        %add3A_292 = arith.constant 0 : i32
        %add3A_293 = arith.addi %mul3A_291, %add3A_292 : i32
        %get3A_294 = arith.index_cast %add3A_293 : i32 to index
        %get3A_295 = tpu.vector_load %arg14[%get3A_294] {strides = array<i32>} : memref<5376xi32, #tpu.memory_space<vmem>>, vector<16xi32>,
        %get3A_296 = vector.shape_cast %get3A_295 : vector<16xi32> to vector<16xi32>
        %swap3A_297 = arith.constant 0 : index
        %swap3A_298 = tpu.vector_load %arg11[%swap3A_297] {strides = array<i32>} : memref<128xi32, #tpu.memory_space<vmem>>, vector<16xi32>,
        %swap3A_299 = vector.shape_cast %swap3A_298 : vector<16xi32> to vector<16xi32>
        %swap3A_300 = vector.shape_cast %get3A_296 : vector<16xi32> to vector<16xi32>
        tpu.vector_store %arg11[%swap3A_297], %swap3A_300 {strides = array<i32>} : memref<128xi32, #tpu.memory_space<vmem>>, vector<16xi32>,
        %mul3A_301 = arith.constant 128 : i32
        %mul3A_302 = arith.muli %add3A_222, %mul3A_301 : i32
        %add3A_303 = arith.constant 16 : i32
        %add3A_304 = arith.addi %mul3A_302, %add3A_303 : i32
        %get3A_305 = arith.index_cast %add3A_304 : i32 to index
        %get3A_306 = tpu.vector_load %arg13[%get3A_305] {strides = array<i32>} : memref<5376xi32, #tpu.memory_space<vmem>>, vector<16xi32>,
        %get3A_307 = vector.shape_cast %get3A_306 : vector<16xi32> to vector<16xi32>
        %swap3A_308 = arith.constant 16 : index
        %swap3A_309 = tpu.vector_load %arg9[%swap3A_308] {strides = array<i32>} : memref<128xi32, #tpu.memory_space<vmem>>, vector<16xi32>,
        %swap3A_310 = vector.shape_cast %swap3A_309 : vector<16xi32> to vector<16xi32>
        %swap3A_311 = vector.shape_cast %get3A_307 : vector<16xi32> to vector<16xi32>
        tpu.vector_store %arg9[%swap3A_308], %swap3A_311 {strides = array<i32>} : memref<128xi32, #tpu.memory_space<vmem>>, vector<16xi32>,
        %mul3A_312 = arith.constant 128 : i32
        %mul3A_313 = arith.muli %add3A_222, %mul3A_312 : i32
        %add3A_314 = arith.constant 16 : i32
        %add3A_315 = arith.addi %mul3A_313, %add3A_314 : i32
        %get3A_316 = arith.index_cast %add3A_315 : i32 to index
        %get3A_317 = tpu.vector_load %arg14[%get3A_316] {strides = array<i32>} : memref<5376xi32, #tpu.memory_space<vmem>>, vector<16xi32>,
        %get3A_318 = vector.shape_cast %get3A_317 : vector<16xi32> to vector<16xi32>
        %swap3A_319 = arith.constant 16 : index
        %swap3A_320 = tpu.vector_load %arg11[%swap3A_319] {strides = array<i32>} : memref<128xi32, #tpu.memory_space<vmem>>, vector<16xi32>,
        %swap3A_321 = vector.shape_cast %swap3A_320 : vector<16xi32> to vector<16xi32>
        %swap3A_322 = vector.shape_cast %get3A_318 : vector<16xi32> to vector<16xi32>
        tpu.vector_store %arg11[%swap3A_319], %swap3A_322 {strides = array<i32>} : memref<128xi32, #tpu.memory_space<vmem>>, vector<16xi32>,
        %mul3A_323 = arith.constant 128 : i32
        %mul3A_324 = arith.muli %add3A_222, %mul3A_323 : i32
        %add3A_325 = arith.constant 32 : i32
        %add3A_326 = arith.addi %mul3A_324, %add3A_325 : i32
        %get3A_327 = arith.index_cast %add3A_326 : i32 to index
        %get3A_328 = tpu.vector_load %arg13[%get3A_327] {strides = array<i32>} : memref<5376xi32, #tpu.memory_space<vmem>>, vector<16xi32>,
        %get3A_329 = vector.shape_cast %get3A_328 : vector<16xi32> to vector<16xi32>
        %swap3A_330 = arith.constant 32 : index
        %swap3A_331 = tpu.vector_load %arg9[%swap3A_330] {strides = array<i32>} : memref<128xi32, #tpu.memory_space<vmem>>, vector<16xi32>,
        %swap3A_332 = vector.shape_cast %swap3A_331 : vector<16xi32> to vector<16xi32>
        %swap3A_333 = vector.shape_cast %get3A_329 : vector<16xi32> to vector<16xi32>
        tpu.vector_store %arg9[%swap3A_330], %swap3A_333 {strides = array<i32>} : memref<128xi32, #tpu.memory_space<vmem>>, vector<16xi32>,
        %mul3A_334 = arith.constant 128 : i32
        %mul3A_335 = arith.muli %add3A_222, %mul3A_334 : i32
        %add3A_336 = arith.constant 32 : i32
        %add3A_337 = arith.addi %mul3A_335, %add3A_336 : i32
        %get3A_338 = arith.index_cast %add3A_337 : i32 to index
        %get3A_339 = tpu.vector_load %arg14[%get3A_338] {strides = array<i32>} : memref<5376xi32, #tpu.memory_space<vmem>>, vector<16xi32>,
        %get3A_340 = vector.shape_cast %get3A_339 : vector<16xi32> to vector<16xi32>
        %swap3A_341 = arith.constant 32 : index
        %swap3A_342 = tpu.vector_load %arg11[%swap3A_341] {strides = array<i32>} : memref<128xi32, #tpu.memory_space<vmem>>, vector<16xi32>,
        %swap3A_343 = vector.shape_cast %swap3A_342 : vector<16xi32> to vector<16xi32>
        %swap3A_344 = vector.shape_cast %get3A_340 : vector<16xi32> to vector<16xi32>
        tpu.vector_store %arg11[%swap3A_341], %swap3A_344 {strides = array<i32>} : memref<128xi32, #tpu.memory_space<vmem>>, vector<16xi32>,
        %mul3A_345 = arith.constant 128 : i32
        %mul3A_346 = arith.muli %add3A_222, %mul3A_345 : i32
        %add3A_347 = arith.constant 48 : i32
        %add3A_348 = arith.addi %mul3A_346, %add3A_347 : i32
        %get3A_349 = arith.index_cast %add3A_348 : i32 to index
        %get3A_350 = tpu.vector_load %arg13[%get3A_349] {strides = array<i32>} : memref<5376xi32, #tpu.memory_space<vmem>>, vector<16xi32>,
        %get3A_351 = vector.shape_cast %get3A_350 : vector<16xi32> to vector<16xi32>
        %swap3A_352 = arith.constant 48 : index
        %swap3A_353 = tpu.vector_load %arg9[%swap3A_352] {strides = array<i32>} : memref<128xi32, #tpu.memory_space<vmem>>, vector<16xi32>,
        %swap3A_354 = vector.shape_cast %swap3A_353 : vector<16xi32> to vector<16xi32>
        %swap3A_355 = vector.shape_cast %get3A_351 : vector<16xi32> to vector<16xi32>
        tpu.vector_store %arg9[%swap3A_352], %swap3A_355 {strides = array<i32>} : memref<128xi32, #tpu.memory_space<vmem>>, vector<16xi32>,
        %mul3A_356 = arith.constant 128 : i32
        %mul3A_357 = arith.muli %add3A_222, %mul3A_356 : i32
        %add3A_358 = arith.constant 48 : i32
        %add3A_359 = arith.addi %mul3A_357, %add3A_358 : i32
        %get3A_360 = arith.index_cast %add3A_359 : i32 to index
        %get3A_361 = tpu.vector_load %arg14[%get3A_360] {strides = array<i32>} : memref<5376xi32, #tpu.memory_space<vmem>>, vector<16xi32>,
        %get3A_362 = vector.shape_cast %get3A_361 : vector<16xi32> to vector<16xi32>
        %swap3A_363 = arith.constant 48 : index
        %swap3A_364 = tpu.vector_load %arg11[%swap3A_363] {strides = array<i32>} : memref<128xi32, #tpu.memory_space<vmem>>, vector<16xi32>,
        %swap3A_365 = vector.shape_cast %swap3A_364 : vector<16xi32> to vector<16xi32>
        %swap3A_366 = vector.shape_cast %get3A_362 : vector<16xi32> to vector<16xi32>
        tpu.vector_store %arg11[%swap3A_363], %swap3A_366 {strides = array<i32>} : memref<128xi32, #tpu.memory_space<vmem>>, vector<16xi32>,
        %mul3A_367 = arith.constant 128 : i32
        %mul3A_368 = arith.muli %add3A_222, %mul3A_367 : i32
        %add3A_369 = arith.constant 64 : i32
        %add3A_370 = arith.addi %mul3A_368, %add3A_369 : i32
        %get3A_371 = arith.index_cast %add3A_370 : i32 to index
        %get3A_372 = tpu.vector_load %arg13[%get3A_371] {strides = array<i32>} : memref<5376xi32, #tpu.memory_space<vmem>>, vector<16xi32>,
        %get3A_373 = vector.shape_cast %get3A_372 : vector<16xi32> to vector<16xi32>
        %swap3A_374 = arith.constant 64 : index
        %swap3A_375 = tpu.vector_load %arg9[%swap3A_374] {strides = array<i32>} : memref<128xi32, #tpu.memory_space<vmem>>, vector<16xi32>,
        %swap3A_376 = vector.shape_cast %swap3A_375 : vector<16xi32> to vector<16xi32>
        %swap3A_377 = vector.shape_cast %get3A_373 : vector<16xi32> to vector<16xi32>
        tpu.vector_store %arg9[%swap3A_374], %swap3A_377 {strides = array<i32>} : memref<128xi32, #tpu.memory_space<vmem>>, vector<16xi32>,
        %mul3A_378 = arith.constant 128 : i32
        %mul3A_379 = arith.muli %add3A_222, %mul3A_378 : i32
        %add3A_380 = arith.constant 64 : i32
        %add3A_381 = arith.addi %mul3A_379, %add3A_380 : i32
        %get3A_382 = arith.index_cast %add3A_381 : i32 to index
        %get3A_383 = tpu.vector_load %arg14[%get3A_382] {strides = array<i32>} : memref<5376xi32, #tpu.memory_space<vmem>>, vector<16xi32>,
        %get3A_384 = vector.shape_cast %get3A_383 : vector<16xi32> to vector<16xi32>
        %swap3A_385 = arith.constant 64 : index
        %swap3A_386 = tpu.vector_load %arg11[%swap3A_385] {strides = array<i32>} : memref<128xi32, #tpu.memory_space<vmem>>, vector<16xi32>,
        %swap3A_387 = vector.shape_cast %swap3A_386 : vector<16xi32> to vector<16xi32>
        %swap3A_388 = vector.shape_cast %get3A_384 : vector<16xi32> to vector<16xi32>
        tpu.vector_store %arg11[%swap3A_385], %swap3A_388 {strides = array<i32>} : memref<128xi32, #tpu.memory_space<vmem>>, vector<16xi32>,
        %mul3A_389 = arith.constant 128 : i32
        %mul3A_390 = arith.muli %add3A_222, %mul3A_389 : i32
        %add3A_391 = arith.constant 80 : i32
        %add3A_392 = arith.addi %mul3A_390, %add3A_391 : i32
        %get3A_393 = arith.index_cast %add3A_392 : i32 to index
        %get3A_394 = tpu.vector_load %arg13[%get3A_393] {strides = array<i32>} : memref<5376xi32, #tpu.memory_space<vmem>>, vector<16xi32>,
        %get3A_395 = vector.shape_cast %get3A_394 : vector<16xi32> to vector<16xi32>
        %swap3A_396 = arith.constant 80 : index
        %swap3A_397 = tpu.vector_load %arg9[%swap3A_396] {strides = array<i32>} : memref<128xi32, #tpu.memory_space<vmem>>, vector<16xi32>,
        %swap3A_398 = vector.shape_cast %swap3A_397 : vector<16xi32> to vector<16xi32>
        %swap3A_399 = vector.shape_cast %get3A_395 : vector<16xi32> to vector<16xi32>
        tpu.vector_store %arg9[%swap3A_396], %swap3A_399 {strides = array<i32>} : memref<128xi32, #tpu.memory_space<vmem>>, vector<16xi32>,
        %mul3A_400 = arith.constant 128 : i32
        %mul3A_401 = arith.muli %add3A_222, %mul3A_400 : i32
        %add3A_402 = arith.constant 80 : i32
        %add3A_403 = arith.addi %mul3A_401, %add3A_402 : i32
        %get3A_404 = arith.index_cast %add3A_403 : i32 to index
        %get3A_405 = tpu.vector_load %arg14[%get3A_404] {strides = array<i32>} : memref<5376xi32, #tpu.memory_space<vmem>>, vector<16xi32>,
        %get3A_406 = vector.shape_cast %get3A_405 : vector<16xi32> to vector<16xi32>
        %swap3A_407 = arith.constant 80 : index
        %swap3A_408 = tpu.vector_load %arg11[%swap3A_407] {strides = array<i32>} : memref<128xi32, #tpu.memory_space<vmem>>, vector<16xi32>,
        %swap3A_409 = vector.shape_cast %swap3A_408 : vector<16xi32> to vector<16xi32>
        %swap3A_410 = vector.shape_cast %get3A_406 : vector<16xi32> to vector<16xi32>
        tpu.vector_store %arg11[%swap3A_407], %swap3A_410 {strides = array<i32>} : memref<128xi32, #tpu.memory_space<vmem>>, vector<16xi32>,
        %mul3A_411 = arith.constant 128 : i32
        %mul3A_412 = arith.muli %add3A_222, %mul3A_411 : i32
        %add3A_413 = arith.constant 96 : i32
        %add3A_414 = arith.addi %mul3A_412, %add3A_413 : i32
        %get3A_415 = arith.index_cast %add3A_414 : i32 to index
        %get3A_416 = tpu.vector_load %arg13[%get3A_415] {strides = array<i32>} : memref<5376xi32, #tpu.memory_space<vmem>>, vector<16xi32>,
        %get3A_417 = vector.shape_cast %get3A_416 : vector<16xi32> to vector<16xi32>
        %swap3A_418 = arith.constant 96 : index
        %swap3A_419 = tpu.vector_load %arg9[%swap3A_418] {strides = array<i32>} : memref<128xi32, #tpu.memory_space<vmem>>, vector<16xi32>,
        %swap3A_420 = vector.shape_cast %swap3A_419 : vector<16xi32> to vector<16xi32>
        %swap3A_421 = vector.shape_cast %get3A_417 : vector<16xi32> to vector<16xi32>
        tpu.vector_store %arg9[%swap3A_418], %swap3A_421 {strides = array<i32>} : memref<128xi32, #tpu.memory_space<vmem>>, vector<16xi32>,
        %mul3A_422 = arith.constant 128 : i32
        %mul3A_423 = arith.muli %add3A_222, %mul3A_422 : i32
        %add3A_424 = arith.constant 96 : i32
        %add3A_425 = arith.addi %mul3A_423, %add3A_424 : i32
        %get3A_426 = arith.index_cast %add3A_425 : i32 to index
        %get3A_427 = tpu.vector_load %arg14[%get3A_426] {strides = array<i32>} : memref<5376xi32, #tpu.memory_space<vmem>>, vector<16xi32>,
        %get3A_428 = vector.shape_cast %get3A_427 : vector<16xi32> to vector<16xi32>
        %swap3A_429 = arith.constant 96 : index
        %swap3A_430 = tpu.vector_load %arg11[%swap3A_429] {strides = array<i32>} : memref<128xi32, #tpu.memory_space<vmem>>, vector<16xi32>,
        %swap3A_431 = vector.shape_cast %swap3A_430 : vector<16xi32> to vector<16xi32>
        %swap3A_432 = vector.shape_cast %get3A_428 : vector<16xi32> to vector<16xi32>
        tpu.vector_store %arg11[%swap3A_429], %swap3A_432 {strides = array<i32>} : memref<128xi32, #tpu.memory_space<vmem>>, vector<16xi32>,
        %mul3A_433 = arith.constant 128 : i32
        %mul3A_434 = arith.muli %add3A_222, %mul3A_433 : i32
        %add3A_435 = arith.constant 112 : i32
        %add3A_436 = arith.addi %mul3A_434, %add3A_435 : i32
        %get3A_437 = arith.index_cast %add3A_436 : i32 to index
        %get3A_438 = tpu.vector_load %arg13[%get3A_437] {strides = array<i32>} : memref<5376xi32, #tpu.memory_space<vmem>>, vector<16xi32>,
        %get3A_439 = vector.shape_cast %get3A_438 : vector<16xi32> to vector<16xi32>
        %swap3A_440 = arith.constant 112 : index
        %swap3A_441 = tpu.vector_load %arg9[%swap3A_440] {strides = array<i32>} : memref<128xi32, #tpu.memory_space<vmem>>, vector<16xi32>,
        %swap3A_442 = vector.shape_cast %swap3A_441 : vector<16xi32> to vector<16xi32>
        %swap3A_443 = vector.shape_cast %get3A_439 : vector<16xi32> to vector<16xi32>
        tpu.vector_store %arg9[%swap3A_440], %swap3A_443 {strides = array<i32>} : memref<128xi32, #tpu.memory_space<vmem>>, vector<16xi32>,
        %mul3A_444 = arith.constant 128 : i32
        %mul3A_445 = arith.muli %add3A_222, %mul3A_444 : i32
        %add3A_446 = arith.constant 112 : i32
        %add3A_447 = arith.addi %mul3A_445, %add3A_446 : i32
        %get3A_448 = arith.index_cast %add3A_447 : i32 to index
        %get3A_449 = tpu.vector_load %arg14[%get3A_448] {strides = array<i32>} : memref<5376xi32, #tpu.memory_space<vmem>>, vector<16xi32>,
        %get3A_450 = vector.shape_cast %get3A_449 : vector<16xi32> to vector<16xi32>
        %swap3A_451 = arith.constant 112 : index
        %swap3A_452 = tpu.vector_load %arg11[%swap3A_451] {strides = array<i32>} : memref<128xi32, #tpu.memory_space<vmem>>, vector<16xi32>,
        %swap3A_453 = vector.shape_cast %swap3A_452 : vector<16xi32> to vector<16xi32>
        %swap3A_454 = vector.shape_cast %get3A_450 : vector<16xi32> to vector<16xi32>
        tpu.vector_store %arg11[%swap3A_451], %swap3A_454 {strides = array<i32>} : memref<128xi32, #tpu.memory_space<vmem>>, vector<16xi32>,
        %dma_start3A_455 = arith.constant 0 : i32
        %dma_start3A_456 = arith.constant 0 : i32
        %dma_start3A_457 = tpu.memref_slice %arg2[%dma_start3A_455, %dma_start3A_456] : memref<10240x80xf32, #tpu.memory_space<hbm>> -> memref<10240x80xf32, #tpu.memory_space<hbm>>
        tpu.enqueue_indirect_dma source(%dma_start3A_457 : memref<10240x80xf32, #tpu.memory_space<hbm>>) target(%arg15 : memref<128x80xf32, #tpu.memory_space<vmem>>) offsets(%arg9 : memref<128xi32, #tpu.memory_space<vmem>>) semaphore(%arg22 : memref<!tpu.dma_semaphore, #tpu.memory_space<semaphore_mem>>)
        %dma_start3A_458 = arith.constant 0 : i32
        %dma_start3A_459 = arith.constant 0 : i32
        %dma_start3A_460 = tpu.memref_slice %arg3[%dma_start3A_458, %dma_start3A_459] : memref<10240x16xf32, #tpu.memory_space<hbm>> -> memref<10240x16xf32, #tpu.memory_space<hbm>>
        tpu.enqueue_indirect_dma source(%dma_start3A_460 : memref<10240x16xf32, #tpu.memory_space<hbm>>) target(%arg17 : memref<128x16xf32, #tpu.memory_space<vmem>>) offsets(%arg9 : memref<128xi32, #tpu.memory_space<vmem>>) semaphore(%arg24 : memref<!tpu.dma_semaphore, #tpu.memory_space<semaphore_mem>>)
        %dma_start3A_461 = arith.constant 0 : i32
        %dma_start3A_462 = arith.constant 0 : i32
        %dma_start3A_463 = tpu.memref_slice %arg4[%dma_start3A_461, %dma_start3A_462] : memref<10240x16xf32, #tpu.memory_space<hbm>> -> memref<10240x16xf32, #tpu.memory_space<hbm>>
        tpu.enqueue_indirect_dma source(%dma_start3A_463 : memref<10240x16xf32, #tpu.memory_space<hbm>>) target(%arg19 : memref<128x16xf32, #tpu.memory_space<vmem>>) offsets(%arg11 : memref<128xi32, #tpu.memory_space<vmem>>) semaphore(%arg26 : memref<!tpu.dma_semaphore, #tpu.memory_space<semaphore_mem>>)
      } else {
      }
      %dma_wait3A_228 = arith.constant 0 : i32
      %dma_wait3A_229 = arith.constant 0 : i32
      %dma_wait3A_230 = tpu.memref_slice %arg2[%dma_wait3A_228, %dma_wait3A_229] : memref<10240x80xf32, #tpu.memory_space<hbm>> -> memref<10240x80xf32, #tpu.memory_space<hbm>>
      tpu.wait_indirect_dma semaphore(%arg23 : memref<!tpu.dma_semaphore, #tpu.memory_space<semaphore_mem>>) src(%dma_wait3A_230 : memref<10240x80xf32, #tpu.memory_space<hbm>>) dst(%arg16 : memref<128x80xf32, #tpu.memory_space<vmem>>)
      %dma_wait3A_231 = arith.constant 0 : i32
      %dma_wait3A_232 = arith.constant 0 : i32
      %dma_wait3A_233 = tpu.memref_slice %arg3[%dma_wait3A_231, %dma_wait3A_232] : memref<10240x16xf32, #tpu.memory_space<hbm>> -> memref<10240x16xf32, #tpu.memory_space<hbm>>
      tpu.wait_indirect_dma semaphore(%arg25 : memref<!tpu.dma_semaphore, #tpu.memory_space<semaphore_mem>>) src(%dma_wait3A_233 : memref<10240x16xf32, #tpu.memory_space<hbm>>) dst(%arg18 : memref<128x16xf32, #tpu.memory_space<vmem>>)
      %dma_wait3A_234 = arith.constant 0 : i32
      %dma_wait3A_235 = arith.constant 0 : i32
      %dma_wait3A_236 = tpu.memref_slice %arg4[%dma_wait3A_234, %dma_wait3A_235] : memref<10240x16xf32, #tpu.memory_space<hbm>> -> memref<10240x16xf32, #tpu.memory_space<hbm>>
      tpu.wait_indirect_dma semaphore(%arg27 : memref<!tpu.dma_semaphore, #tpu.memory_space<semaphore_mem>>) src(%dma_wait3A_236 : memref<10240x16xf32, #tpu.memory_space<hbm>>) dst(%arg20 : memref<128x16xf32, #tpu.memory_space<vmem>>)
      %iota3A_237 = tpu.iota {dimensions = array<i32: 0>} : vector<16xi32>
      %and3A_238 = arith.constant 7 : i32
      %and3A_239 = vector.broadcast %and3A_238 : i32 to vector<16xi32>
      %and3A_240 = arith.andi %iota3A_237, %and3A_239 : vector<16xi32>
      %add3A_241 = arith.constant 8 : i32
      %add3A_242 = vector.broadcast %add3A_241 : i32 to vector<16xi32>
      %add3A_243 = arith.addi %and3A_240, %add3A_242 : vector<16xi32>
      %lt3A_244 = arith.constant 8 : i32
      %lt3A_245 = vector.broadcast %lt3A_244 : i32 to vector<16xi32>
      %lt3A_246 = arith.cmpi slt, %iota3A_237, %lt3A_245 : vector<16xi32>
      %jit3A_247 = arith.constant 0 : i32
      %jit3A_248 = arith.constant 1 : i32
      %broadcast_in_dim3A_249 = vector.broadcast %jit3A_247 : i32 to vector<16xi32>
      %broadcast_in_dim3A_250 = vector.broadcast %jit3A_248 : i32 to vector<16xi32>
      %select_n3A_251 = arith.select %lt3A_246, %broadcast_in_dim3A_249, %broadcast_in_dim3A_250 : vector<16xi1>, vector<16xi32>
      %lt3A_252 = arith.constant 8 : i32
      %lt3A_253 = vector.broadcast %lt3A_252 : i32 to vector<16xi32>
      %lt3A_254 = arith.cmpi slt, %iota3A_237, %lt3A_253 : vector<16xi32>
      %jit3A_255 = arith.constant 2 : i32
      %jit3A_256 = arith.constant 3 : i32
      %broadcast_in_dim3A_257 = vector.broadcast %jit3A_255 : i32 to vector<16xi32>
      %broadcast_in_dim3A_258 = vector.broadcast %jit3A_256 : i32 to vector<16xi32>
      %select_n3A_259 = arith.select %lt3A_254, %broadcast_in_dim3A_257, %broadcast_in_dim3A_258 : vector<16xi1>, vector<16xi32>
      %lt3A_260 = arith.constant 8 : i32
      %lt3A_261 = vector.broadcast %lt3A_260 : i32 to vector<16xi32>
      %lt3A_262 = arith.cmpi slt, %iota3A_237, %lt3A_261 : vector<16xi32>
      %jit3A_263 = arith.constant 4 : i32
      %jit3A_264 = arith.constant 5 : i32
      %broadcast_in_dim3A_265 = vector.broadcast %jit3A_263 : i32 to vector<16xi32>
      %broadcast_in_dim3A_266 = vector.broadcast %jit3A_264 : i32 to vector<16xi32>
      %select_n3A_267 = arith.select %lt3A_262, %broadcast_in_dim3A_265, %broadcast_in_dim3A_266 : vector<16xi1>, vector<16xi32>
      %lt3A_268 = arith.constant 8 : i32
      %lt3A_269 = vector.broadcast %lt3A_268 : i32 to vector<16xi32>
      %lt3A_270 = arith.cmpi slt, %iota3A_237, %lt3A_269 : vector<16xi32>
      %jit3A_271 = arith.constant 6 : i32
      %jit3A_272 = arith.constant 7 : i32
      %broadcast_in_dim3A_273 = vector.broadcast %jit3A_271 : i32 to vector<16xi32>
      %broadcast_in_dim3A_274 = vector.broadcast %jit3A_272 : i32 to vector<16xi32>
      %select_n3A_275 = arith.select %lt3A_270, %broadcast_in_dim3A_273, %broadcast_in_dim3A_274 : vector<16xi1>, vector<16xi32>
      %parallel_loop3A_276 = arith.constant 0 : i32
      %parallel_loop3A_277 = arith.constant 128 : i32
      %parallel_loop3A_278 = arith.constant 1 : i32
      scf.for %parallel_loop3A_279 = %parallel_loop3A_276 to %parallel_loop3A_277 step %parallel_loop3A_278  : i32 {
        %parallel_loop3A_280 = arith.index_cast %parallel_loop3A_279 : i32 to index
        %parallel_loop3A_281 = arith.constant 0 : index
        %parallel_loop3A_282 = tpu.vector_load %arg18[%parallel_loop3A_280, %parallel_loop3A_281] {strides = array<i32>} : memref<128x16xf32, #tpu.memory_space<vmem>>, vector<1x16xf32>,
        %parallel_loop3A_283 = vector.shape_cast %parallel_loop3A_282 : vector<1x16xf32> to vector<16xf32>
        %parallel_loop3A_284 = arith.index_cast %parallel_loop3A_279 : i32 to index
        %parallel_loop3A_285 = arith.constant 0 : index
        %parallel_loop3A_286 = tpu.vector_load %arg20[%parallel_loop3A_284, %parallel_loop3A_285] {strides = array<i32>} : memref<128x16xf32, #tpu.memory_space<vmem>>, vector<1x16xf32>,
        %parallel_loop3A_287 = vector.shape_cast %parallel_loop3A_286 : vector<1x16xf32> to vector<16xf32>
        %parallel_loop3A_288 = vector.shape_cast %add3A_243 : vector<16xi32> to vector<16x1xi32>
        %parallel_loop3A_289 = vector.shape_cast %parallel_loop3A_288 : vector<16x1xi32> to vector<16xi32>
        %parallel_loop3A_290 = tpu.dynamic_gather %parallel_loop3A_287[%parallel_loop3A_289] in [0] : vector<16xf32>, vector<16xi32> -> vector<16xf32>
        %parallel_loop3A_291 = arith.addf %parallel_loop3A_283, %parallel_loop3A_290 : vector<16xf32>
        %parallel_loop3A_292 = arith.constant 0.000000e+00 : f32
        %parallel_loop3A_293 = vector.broadcast %parallel_loop3A_292 : f32 to vector<16xf32>
        %parallel_loop3A_294 = arith.cmpf oge, %parallel_loop3A_291, %parallel_loop3A_293 : vector<16xf32>
        %parallel_loop3A_295 = arith.constant 2.000000e-01 : f32
        %parallel_loop3A_296 = vector.broadcast %parallel_loop3A_295 : f32 to vector<16xf32>
        %parallel_loop3A_297 = arith.mulf %parallel_loop3A_296, %parallel_loop3A_291 : vector<16xf32>
        %parallel_loop3A_298 = arith.select %parallel_loop3A_294, %parallel_loop3A_291, %parallel_loop3A_297 : vector<16xi1>, vector<16xf32>
        %parallel_loop3A_299 = math.exp %parallel_loop3A_298 : vector<16xf32>
        %parallel_loop3A_300 = arith.index_cast %parallel_loop3A_279 : i32 to index
        %parallel_loop3A_301 = arith.constant 0 : index
        %parallel_loop3A_302 = tpu.vector_load %arg16[%parallel_loop3A_300, %parallel_loop3A_301] {strides = array<i32>} : memref<128x80xf32, #tpu.memory_space<vmem>>, vector<1x16xf32>,
        %parallel_loop3A_303 = vector.shape_cast %parallel_loop3A_302 : vector<1x16xf32> to vector<16xf32>
        %parallel_loop3A_304 = vector.shape_cast %select_n3A_251 : vector<16xi32> to vector<16x1xi32>
        %parallel_loop3A_305 = vector.shape_cast %parallel_loop3A_304 : vector<16x1xi32> to vector<16xi32>
        %parallel_loop3A_306 = tpu.dynamic_gather %parallel_loop3A_299[%parallel_loop3A_305] in [0] : vector<16xf32>, vector<16xi32> -> vector<16xf32>
        %parallel_loop3A_307 = arith.mulf %parallel_loop3A_303, %parallel_loop3A_306 : vector<16xf32>
        %parallel_loop3A_308 = arith.index_cast %parallel_loop3A_279 : i32 to index
        %parallel_loop3A_309 = arith.constant 0 : index
        %parallel_loop3A_310 = tpu.vector_load %arg16[%parallel_loop3A_308, %parallel_loop3A_309] {strides = array<i32>} : memref<128x80xf32, #tpu.memory_space<vmem>>, vector<1x16xf32>,
        %parallel_loop3A_311 = vector.shape_cast %parallel_loop3A_310 : vector<1x16xf32> to vector<16xf32>
        %parallel_loop3A_312 = vector.shape_cast %parallel_loop3A_307 : vector<16xf32> to vector<1x16xf32>
        tpu.vector_store %arg16[%parallel_loop3A_308, %parallel_loop3A_309], %parallel_loop3A_312 {strides = array<i32>} : memref<128x80xf32, #tpu.memory_space<vmem>>, vector<1x16xf32>,
        %parallel_loop3A_313 = arith.index_cast %parallel_loop3A_279 : i32 to index
        %parallel_loop3A_314 = arith.constant 16 : index
        %parallel_loop3A_315 = tpu.vector_load %arg16[%parallel_loop3A_313, %parallel_loop3A_314] {strides = array<i32>} : memref<128x80xf32, #tpu.memory_space<vmem>>, vector<1x16xf32>,
        %parallel_loop3A_316 = vector.shape_cast %parallel_loop3A_315 : vector<1x16xf32> to vector<16xf32>
        %parallel_loop3A_317 = vector.shape_cast %select_n3A_259 : vector<16xi32> to vector<16x1xi32>
        %parallel_loop3A_318 = vector.shape_cast %parallel_loop3A_317 : vector<16x1xi32> to vector<16xi32>
        %parallel_loop3A_319 = tpu.dynamic_gather %parallel_loop3A_299[%parallel_loop3A_318] in [0] : vector<16xf32>, vector<16xi32> -> vector<16xf32>
        %parallel_loop3A_320 = arith.mulf %parallel_loop3A_316, %parallel_loop3A_319 : vector<16xf32>
        %parallel_loop3A_321 = arith.index_cast %parallel_loop3A_279 : i32 to index
        %parallel_loop3A_322 = arith.constant 16 : index
        %parallel_loop3A_323 = tpu.vector_load %arg16[%parallel_loop3A_321, %parallel_loop3A_322] {strides = array<i32>} : memref<128x80xf32, #tpu.memory_space<vmem>>, vector<1x16xf32>,
        %parallel_loop3A_324 = vector.shape_cast %parallel_loop3A_323 : vector<1x16xf32> to vector<16xf32>
        %parallel_loop3A_325 = vector.shape_cast %parallel_loop3A_320 : vector<16xf32> to vector<1x16xf32>
        tpu.vector_store %arg16[%parallel_loop3A_321, %parallel_loop3A_322], %parallel_loop3A_325 {strides = array<i32>} : memref<128x80xf32, #tpu.memory_space<vmem>>, vector<1x16xf32>,
        %parallel_loop3A_326 = arith.index_cast %parallel_loop3A_279 : i32 to index
        %parallel_loop3A_327 = arith.constant 32 : index
        %parallel_loop3A_328 = tpu.vector_load %arg16[%parallel_loop3A_326, %parallel_loop3A_327] {strides = array<i32>} : memref<128x80xf32, #tpu.memory_space<vmem>>, vector<1x16xf32>,
        %parallel_loop3A_329 = vector.shape_cast %parallel_loop3A_328 : vector<1x16xf32> to vector<16xf32>
        %parallel_loop3A_330 = vector.shape_cast %select_n3A_267 : vector<16xi32> to vector<16x1xi32>
        %parallel_loop3A_331 = vector.shape_cast %parallel_loop3A_330 : vector<16x1xi32> to vector<16xi32>
        %parallel_loop3A_332 = tpu.dynamic_gather %parallel_loop3A_299[%parallel_loop3A_331] in [0] : vector<16xf32>, vector<16xi32> -> vector<16xf32>
        %parallel_loop3A_333 = arith.mulf %parallel_loop3A_329, %parallel_loop3A_332 : vector<16xf32>
        %parallel_loop3A_334 = arith.index_cast %parallel_loop3A_279 : i32 to index
        %parallel_loop3A_335 = arith.constant 32 : index
        %parallel_loop3A_336 = tpu.vector_load %arg16[%parallel_loop3A_334, %parallel_loop3A_335] {strides = array<i32>} : memref<128x80xf32, #tpu.memory_space<vmem>>, vector<1x16xf32>,
        %parallel_loop3A_337 = vector.shape_cast %parallel_loop3A_336 : vector<1x16xf32> to vector<16xf32>
        %parallel_loop3A_338 = vector.shape_cast %parallel_loop3A_333 : vector<16xf32> to vector<1x16xf32>
        tpu.vector_store %arg16[%parallel_loop3A_334, %parallel_loop3A_335], %parallel_loop3A_338 {strides = array<i32>} : memref<128x80xf32, #tpu.memory_space<vmem>>, vector<1x16xf32>,
        %parallel_loop3A_339 = arith.index_cast %parallel_loop3A_279 : i32 to index
        %parallel_loop3A_340 = arith.constant 48 : index
        %parallel_loop3A_341 = tpu.vector_load %arg16[%parallel_loop3A_339, %parallel_loop3A_340] {strides = array<i32>} : memref<128x80xf32, #tpu.memory_space<vmem>>, vector<1x16xf32>,
        %parallel_loop3A_342 = vector.shape_cast %parallel_loop3A_341 : vector<1x16xf32> to vector<16xf32>
        %parallel_loop3A_343 = vector.shape_cast %select_n3A_275 : vector<16xi32> to vector<16x1xi32>
        %parallel_loop3A_344 = vector.shape_cast %parallel_loop3A_343 : vector<16x1xi32> to vector<16xi32>
        %parallel_loop3A_345 = tpu.dynamic_gather %parallel_loop3A_299[%parallel_loop3A_344] in [0] : vector<16xf32>, vector<16xi32> -> vector<16xf32>
        %parallel_loop3A_346 = arith.mulf %parallel_loop3A_342, %parallel_loop3A_345 : vector<16xf32>
        %parallel_loop3A_347 = arith.index_cast %parallel_loop3A_279 : i32 to index
        %parallel_loop3A_348 = arith.constant 48 : index
        %parallel_loop3A_349 = tpu.vector_load %arg16[%parallel_loop3A_347, %parallel_loop3A_348] {strides = array<i32>} : memref<128x80xf32, #tpu.memory_space<vmem>>, vector<1x16xf32>,
        %parallel_loop3A_350 = vector.shape_cast %parallel_loop3A_349 : vector<1x16xf32> to vector<16xf32>
        %parallel_loop3A_351 = vector.shape_cast %parallel_loop3A_346 : vector<16xf32> to vector<1x16xf32>
        tpu.vector_store %arg16[%parallel_loop3A_347, %parallel_loop3A_348], %parallel_loop3A_351 {strides = array<i32>} : memref<128x80xf32, #tpu.memory_space<vmem>>, vector<1x16xf32>,
        %parallel_loop3A_352 = arith.index_cast %parallel_loop3A_279 : i32 to index
        %parallel_loop3A_353 = arith.constant 64 : index
        %parallel_loop3A_354 = tpu.vector_load %arg16[%parallel_loop3A_352, %parallel_loop3A_353] {strides = array<i32>} : memref<128x80xf32, #tpu.memory_space<vmem>>, vector<1x16xf32>,
        %parallel_loop3A_355 = vector.shape_cast %parallel_loop3A_354 : vector<1x16xf32> to vector<16xf32>
        %parallel_loop3A_356 = arith.mulf %parallel_loop3A_355, %parallel_loop3A_299 : vector<16xf32>
        %parallel_loop3A_357 = arith.index_cast %parallel_loop3A_279 : i32 to index
        %parallel_loop3A_358 = arith.constant 64 : index
        %parallel_loop3A_359 = tpu.vector_load %arg16[%parallel_loop3A_357, %parallel_loop3A_358] {strides = array<i32>} : memref<128x80xf32, #tpu.memory_space<vmem>>, vector<1x16xf32>,
        %parallel_loop3A_360 = vector.shape_cast %parallel_loop3A_359 : vector<1x16xf32> to vector<16xf32>
        %parallel_loop3A_361 = vector.shape_cast %parallel_loop3A_356 : vector<16xf32> to vector<1x16xf32>
        tpu.vector_store %arg16[%parallel_loop3A_357, %parallel_loop3A_358], %parallel_loop3A_361 {strides = array<i32>} : memref<128x80xf32, #tpu.memory_space<vmem>>, vector<1x16xf32>,
      } {sc.loop_unroll_factor = 2 : i64, sc.parallel_access}
      "tpu.region"() ({
        %run_scoped3A = tpu.sem_alloc : memref<!tpu.dma_semaphore, #tpu.memory_space<semaphore_mem>>
        %dma_start3A_279 = arith.constant 0 : i32
        %dma_start3A_280 = arith.constant 0 : i32
        %dma_start3A_281 = tpu.memref_slice %arg21[%dma_start3A_279, %dma_start3A_280] : memref<10240x80xf32, #tpu.memory_space<vmem_shared>> -> memref<10240x80xf32, #tpu.memory_space<vmem_shared>>
        tpu.enqueue_indirect_dma source(%arg16 : memref<128x80xf32, #tpu.memory_space<vmem>>) target(%dma_start3A_281 : memref<10240x80xf32, #tpu.memory_space<vmem_shared>>) offsets(%arg12 : memref<128xi32, #tpu.memory_space<vmem>>) semaphore(%run_scoped3A : memref<!tpu.dma_semaphore, #tpu.memory_space<semaphore_mem>>) {add = true}
        %dma_wait3A_282 = arith.constant 0 : i32
        %dma_wait3A_283 = arith.constant 0 : i32
        %dma_wait3A_284 = tpu.memref_slice %arg21[%dma_wait3A_282, %dma_wait3A_283] : memref<10240x80xf32, #tpu.memory_space<vmem_shared>> -> memref<10240x80xf32, #tpu.memory_space<vmem_shared>>
        tpu.wait_indirect_dma semaphore(%run_scoped3A : memref<!tpu.dma_semaphore, #tpu.memory_space<semaphore_mem>>) src(%arg16 : memref<128x80xf32, #tpu.memory_space<vmem>>) dst(%dma_wait3A_284 : memref<10240x80xf32, #tpu.memory_space<vmem_shared>>)
        tpu.yield
      }) : () -> ()
    }
    %scan3A_151 = arith.constant 21 : i32
    %barrier3A_152 = arith.constant 0 : index
    tpu.barrier barrier_id(%barrier3A_152)
    %mul3A_153 = arith.constant 640 : i32
    %mul3A_154 = arith.muli %arg1, %mul3A_153 : i32
    %eq3A = arith.constant 0 : i32
    %eq3A_155 = arith.cmpi eq, %arg0, %eq3A : i32
    %convert_element_type3A = arith.extui %eq3A_155 : i1 to i32
    %cond3A = arith.constant 0 : i32
    %cond3A_156 = arith.cmpi ne, %convert_element_type3A, %cond3A : i32
    scf.if %cond3A_156 {
      "tpu.region"() ({
        %run_scoped3A = tpu.sem_alloc : memref<!tpu.dma_semaphore, #tpu.memory_space<semaphore_mem>>
        %dma_start3A_162 = arith.constant 0 : i32
        %dma_start3A_163 = tpu.memref_slice %arg7[%mul3A_154, %dma_start3A_162] : memref<10240x80xf32, #tpu.memory_space<hbm>> -> memref<640x80xf32, #tpu.memory_space<hbm>>
        %dma_start3A_164 = arith.constant 0 : i32
        %dma_start3A_165 = tpu.memref_slice %arg21[%mul3A_154, %dma_start3A_164] : memref<10240x80xf32, #tpu.memory_space<vmem_shared>> -> memref<640x80xf32, #tpu.memory_space<vmem_shared>>
        tpu.enqueue_dma source(%dma_start3A_165 : memref<640x80xf32, #tpu.memory_space<vmem_shared>>) target(%dma_start3A_163 : memref<640x80xf32, #tpu.memory_space<hbm>>) target_semaphore(%run_scoped3A : memref<!tpu.dma_semaphore, #tpu.memory_space<semaphore_mem>>)
        %dma_wait3A = arith.constant 0 : i32
        %dma_wait3A_166 = tpu.memref_slice %arg7[%mul3A_154, %dma_wait3A] : memref<10240x80xf32, #tpu.memory_space<hbm>> -> memref<640x80xf32, #tpu.memory_space<hbm>>
        %dma_wait3A_167 = arith.constant 0 : i32
        %dma_wait3A_168 = tpu.memref_slice %arg21[%mul3A_154, %dma_wait3A_167] : memref<10240x80xf32, #tpu.memory_space<vmem_shared>> -> memref<640x80xf32, #tpu.memory_space<vmem_shared>>
        tpu.wait_dma2 semaphore(%run_scoped3A : memref<!tpu.dma_semaphore, #tpu.memory_space<semaphore_mem>>) src(%dma_wait3A_168 : memref<640x80xf32, #tpu.memory_space<vmem_shared>>) dst(%dma_wait3A_166 : memref<640x80xf32, #tpu.memory_space<hbm>>)
        tpu.yield
      }) : () -> ()
    } else {
    }
    %eq3A_157 = arith.constant 1 : i32
    %eq3A_158 = arith.cmpi eq, %arg0, %eq3A_157 : i32
    %convert_element_type3A_159 = arith.extui %eq3A_158 : i1 to i32
    %cond3A_160 = arith.constant 0 : i32
    %cond3A_161 = arith.cmpi ne, %convert_element_type3A_159, %cond3A_160 : i32
    scf.if %cond3A_161 {
      "tpu.region"() ({
        %run_scoped3A = tpu.sem_alloc : memref<!tpu.dma_semaphore, #tpu.memory_space<semaphore_mem>>
        %dma_start3A_162 = arith.constant 0 : i32
        %dma_start3A_163 = tpu.memref_slice %arg8[%mul3A_154, %dma_start3A_162] : memref<10240x80xf32, #tpu.memory_space<hbm>> -> memref<640x80xf32, #tpu.memory_space<hbm>>
        %dma_start3A_164 = arith.constant 0 : i32
        %dma_start3A_165 = tpu.memref_slice %arg21[%mul3A_154, %dma_start3A_164] : memref<10240x80xf32, #tpu.memory_space<vmem_shared>> -> memref<640x80xf32, #tpu.memory_space<vmem_shared>>
        tpu.enqueue_dma source(%dma_start3A_165 : memref<640x80xf32, #tpu.memory_space<vmem_shared>>) target(%dma_start3A_163 : memref<640x80xf32, #tpu.memory_space<hbm>>) target_semaphore(%run_scoped3A : memref<!tpu.dma_semaphore, #tpu.memory_space<semaphore_mem>>)
        %dma_wait3A = arith.constant 0 : i32
        %dma_wait3A_166 = tpu.memref_slice %arg8[%mul3A_154, %dma_wait3A] : memref<10240x80xf32, #tpu.memory_space<hbm>> -> memref<640x80xf32, #tpu.memory_space<hbm>>
        %dma_wait3A_167 = arith.constant 0 : i32
        %dma_wait3A_168 = tpu.memref_slice %arg21[%mul3A_154, %dma_wait3A_167] : memref<10240x80xf32, #tpu.memory_space<vmem_shared>> -> memref<640x80xf32, #tpu.memory_space<vmem_shared>>
        tpu.wait_dma2 semaphore(%run_scoped3A : memref<!tpu.dma_semaphore, #tpu.memory_space<semaphore_mem>>) src(%dma_wait3A_168 : memref<640x80xf32, #tpu.memory_space<vmem_shared>>) dst(%dma_wait3A_166 : memref<640x80xf32, #tpu.memory_space<hbm>>)
        tpu.yield
      }) : () -> ()
    } else {
    }
    return
  }
}

module attributes {stable_mosaic.version = 14 : i64} {
  func.func @_stage1_body(%arg0: i32, %arg1: memref<256x500xf32, #tpu.memory_space<vmem>>, %arg2: memref<500x64xf32, #tpu.memory_space<vmem>>, %arg3: memref<64x16xf32, #tpu.memory_space<vmem>>, %arg4: memref<256x80xf32, #tpu.memory_space<vmem>>, %arg5: memref<256x16xf32, #tpu.memory_space<vmem>>) attributes {dimension_semantics = [#tpu.dimension_semantics<arbitrary>], iteration_bounds = array<i64: 40>, scalar_prefetch = 0 : i64, scratch_operands = 0 : i64, tpu.core_type = #tpu.core_type<tc>, window_params = [{transform_indices = @transform_0, window_bounds = array<i64: 256, 500>}, {pipeline_mode = #tpu.pipeline_mode<synchronous>, transform_indices = @transform_1, window_bounds = array<i64: 500, 64>}, {pipeline_mode = #tpu.pipeline_mode<synchronous>, transform_indices = @transform_2, window_bounds = array<i64: 64, 16>}, {transform_indices = @transform_3, window_bounds = array<i64: 256, 80>}, {transform_indices = @transform_4, window_bounds = array<i64: 256, 16>}]} {
    %get3A = arith.constant 0 : index
    %get3A_0 = arith.constant 0 : index
    %get3A_1 = vector.load %arg1[%get3A, %get3A_0] : memref<256x500xf32, #tpu.memory_space<vmem>>, vector<256x500xf32>
    %get3A_2 = arith.constant 0 : index
    %get3A_3 = arith.constant 0 : index
    %get3A_4 = vector.load %arg2[%get3A_2, %get3A_3] : memref<500x64xf32, #tpu.memory_space<vmem>>, vector<500x64xf32>
    %dot_general3A = arith.constant dense<0.000000e+00> : vector<256x64xf32>
    %dot_general3A_5 = tpu.matmul %get3A_1, %get3A_4, %dot_general3A {dimension_numbers = #tpu.dot_dimension_numbers<[1], [0], [0], [1], [0, 0, 1, 1], [], []>, transpose_lhs_hint = false} : vector<256x500xf32>, vector<500x64xf32>, vector<256x64xf32> -> vector<256x64xf32>
    %iota3A = tpu.iota {dimensions = array<i32: 1>} : vector<1x80xi32>
    %ge3A = arith.constant 64 : i32
    %ge3A_6 = vector.broadcast %ge3A : i32 to vector<1x80xi32>
    %ge3A_7 = arith.cmpi sge, %iota3A, %ge3A_6 : vector<1x80xi32>
    %lt3A = arith.constant 72 : i32
    %lt3A_8 = vector.broadcast %lt3A : i32 to vector<1x80xi32>
    %lt3A_9 = arith.cmpi slt, %iota3A, %lt3A_8 : vector<1x80xi32>
    %and3A = arith.andi %ge3A_7, %lt3A_9 : vector<1x80xi1>
    %jit3A = arith.constant 1.000000e+00 : f32
    %jit3A_10 = arith.constant 0.000000e+00 : f32
    %broadcast_in_dim3A = vector.broadcast %jit3A : f32 to vector<1x80xf32>
    %broadcast_in_dim3A_11 = vector.broadcast %jit3A_10 : f32 to vector<1x80xf32>
    %select_n3A = arith.select %and3A, %broadcast_in_dim3A, %broadcast_in_dim3A_11 : vector<1x80xi1>, vector<1x80xf32>
    %jit3A_12 = arith.constant 0 : i32
    %convert_element_type3A = arith.sitofp %jit3A_12 : i32 to f32
    %pad3A = vector.broadcast %convert_element_type3A : f32 to vector<256x16xf32>
    %pad3A_13 = tpu.concatenate %dot_general3A_5, %pad3A in 1 : vector<256x64xf32>, vector<256x16xf32> -> vector<256x80xf32>
    %add3A = vector.broadcast %select_n3A : vector<1x80xf32> to vector<256x80xf32>
    %add3A_14 = arith.addf %pad3A_13, %add3A : vector<256x80xf32>
    %swap3A = arith.constant 0 : index
    %swap3A_15 = arith.constant 0 : index
    %swap3A_16 = vector.load %arg4[%swap3A, %swap3A_15] : memref<256x80xf32, #tpu.memory_space<vmem>>, vector<256x80xf32>
    tpu.vector_store %arg4[%swap3A, %swap3A_15], %add3A_14 {strides = array<i32>} : memref<256x80xf32, #tpu.memory_space<vmem>>, vector<256x80xf32>,
    %get3A_17 = arith.constant 0 : index
    %get3A_18 = arith.constant 0 : index
    %get3A_19 = vector.load %arg3[%get3A_17, %get3A_18] : memref<64x16xf32, #tpu.memory_space<vmem>>, vector<64x16xf32>
    %dot_general3A_20 = arith.constant dense<0.000000e+00> : vector<256x16xf32>
    %dot_general3A_21 = tpu.matmul %dot_general3A_5, %get3A_19, %dot_general3A_20 {dimension_numbers = #tpu.dot_dimension_numbers<[1], [0], [0], [1], [0, 0, 1, 1], [], []>, transpose_lhs_hint = false} : vector<256x64xf32>, vector<64x16xf32>, vector<256x16xf32> -> vector<256x16xf32>
    %swap3A_22 = arith.constant 0 : index
    %swap3A_23 = arith.constant 0 : index
    %swap3A_24 = vector.load %arg5[%swap3A_22, %swap3A_23] : memref<256x16xf32, #tpu.memory_space<vmem>>, vector<256x16xf32>
    tpu.vector_store %arg5[%swap3A_22, %swap3A_23], %dot_general3A_21 {strides = array<i32>} : memref<256x16xf32, #tpu.memory_space<vmem>>, vector<256x16xf32>,
    return
  }
  func.func @transform_0(%arg0: i32) -> (i32, i32) {
    %c0_i32 = arith.constant 0 : i32
    %c0_i32_0 = arith.constant 0 : i32
    return %arg0, %c0_i32 : i32, i32
  }
  func.func @transform_1(%arg0: i32) -> (i32, i32) {
    %c0_i32 = arith.constant 0 : i32
    %c0_i32_0 = arith.constant 0 : i32
    %c0_i32_1 = arith.constant 0 : i32
    return %c0_i32, %c0_i32_0 : i32, i32
  }
  func.func @transform_2(%arg0: i32) -> (i32, i32) {
    %c0_i32 = arith.constant 0 : i32
    %c0_i32_0 = arith.constant 0 : i32
    %c0_i32_1 = arith.constant 0 : i32
    return %c0_i32, %c0_i32_0 : i32, i32
  }
  func.func @transform_3(%arg0: i32) -> (i32, i32) {
    %c0_i32 = arith.constant 0 : i32
    %c0_i32_0 = arith.constant 0 : i32
    return %arg0, %c0_i32 : i32, i32
  }
  func.func @transform_4(%arg0: i32) -> (i32, i32) {
    %c0_i32 = arith.constant 0 : i32
    %c0_i32_0 = arith.constant 0 : i32
    return %arg0, %c0_i32 : i32, i32
  }
}

module attributes {stable_mosaic.version = 14 : i64} {
  func.func @_stage2_body(%arg0: i32, %arg1: memref<256x80xf32, #tpu.memory_space<vmem>>, %arg2: memref<256x80xf32, #tpu.memory_space<vmem>>, %arg3: memref<8x64xf32, #tpu.memory_space<vmem>>, %arg4: memref<1x64xf32, #tpu.memory_space<vmem>>, %arg5: memref<64x48xf32, #tpu.memory_space<vmem>>, %arg6: memref<256x16xf32, #tpu.memory_space<vmem>>, %arg7: memref<256x16xf32, #tpu.memory_space<vmem>>, %arg8: memref<256x16xf32, #tpu.memory_space<vmem>>) attributes {dimension_semantics = [#tpu.dimension_semantics<arbitrary>], iteration_bounds = array<i64: 40>, scalar_prefetch = 0 : i64, scratch_operands = 0 : i64, tpu.core_type = #tpu.core_type<tc>, window_params = [{transform_indices = @transform_0, window_bounds = array<i64: 256, 80>}, {transform_indices = @transform_1, window_bounds = array<i64: 256, 80>}, {pipeline_mode = #tpu.pipeline_mode<synchronous>, transform_indices = @transform_2, window_bounds = array<i64: 8, 64>}, {pipeline_mode = #tpu.pipeline_mode<synchronous>, transform_indices = @transform_3, window_bounds = array<i64: 1, 64>}, {pipeline_mode = #tpu.pipeline_mode<synchronous>, transform_indices = @transform_4, window_bounds = array<i64: 64, 48>}, {transform_indices = @transform_5, window_bounds = array<i64: 256, 16>}, {transform_indices = @transform_6, window_bounds = array<i64: 256, 16>}, {transform_indices = @transform_7, window_bounds = array<i64: 256, 16>}]} {
    %get3A = arith.constant 0 : index
    %get3A_0 = arith.constant 0 : index
    %get3A_1 = vector.load %arg1[%get3A, %get3A_0] : memref<256x80xf32, #tpu.memory_space<vmem>>, vector<256x80xf32>
    %get3A_2 = arith.constant 0 : index
    %get3A_3 = arith.constant 0 : index
    %get3A_4 = vector.load %arg2[%get3A_2, %get3A_3] : memref<256x80xf32, #tpu.memory_space<vmem>>, vector<256x80xf32>
    %add3A = arith.addf %get3A_1, %get3A_4 : vector<256x80xf32>
    %slice3A = vector.extract_strided_slice %add3A {offsets = [0, 0], sizes = [256, 64], strides = [1, 1]} : vector<256x80xf32> to vector<256x64xf32>
    %slice3A_5 = vector.extract_strided_slice %add3A {offsets = [0, 64], sizes = [256, 8], strides = [1, 1]} : vector<256x80xf32> to vector<256x8xf32>
    %get3A_6 = arith.constant 0 : index
    %get3A_7 = arith.constant 0 : index
    %get3A_8 = vector.load %arg3[%get3A_6, %get3A_7] : memref<8x64xf32, #tpu.memory_space<vmem>>, vector<8x64xf32>
    %dot_general3A = arith.constant dense<0.000000e+00> : vector<256x64xf32>
    %dot_general3A_9 = tpu.matmul %slice3A_5, %get3A_8, %dot_general3A {dimension_numbers = #tpu.dot_dimension_numbers<[1], [0], [0], [1], [0, 0, 1, 1], [], []>, transpose_lhs_hint = false} : vector<256x8xf32>, vector<8x64xf32>, vector<256x64xf32> -> vector<256x64xf32>
    %add3A_10 = arith.constant 1.000000e-16 : f32
    %add3A_11 = vector.broadcast %add3A_10 : f32 to vector<256x64xf32>
    %add3A_12 = arith.addf %dot_general3A_9, %add3A_11 : vector<256x64xf32>
    %div3A = arith.divf %slice3A, %add3A_12 : vector<256x64xf32>
    %get3A_13 = arith.constant 0 : index
    %get3A_14 = arith.constant 0 : index
    %get3A_15 = vector.load %arg4[%get3A_13, %get3A_14] : memref<1x64xf32, #tpu.memory_space<vmem>>, vector<1x64xf32>
    %add3A_16 = vector.broadcast %get3A_15 : vector<1x64xf32> to vector<256x64xf32>
    %add3A_17 = arith.addf %div3A, %add3A_16 : vector<256x64xf32>
    %gt3A = arith.constant 0.000000e+00 : f32
    %gt3A_18 = vector.broadcast %gt3A : f32 to vector<256x64xf32>
    %gt3A_19 = arith.cmpf ogt, %add3A_17, %gt3A_18 : vector<256x64xf32>
    %exp3A = math.exp %add3A_17 : vector<256x64xf32>
    %sub3A = arith.constant 1.000000e+00 : f32
    %sub3A_20 = vector.broadcast %sub3A : f32 to vector<256x64xf32>
    %sub3A_21 = arith.subf %exp3A, %sub3A_20 : vector<256x64xf32>
    %select_n3A = arith.select %gt3A_19, %add3A_17, %sub3A_21 : vector<256x64xi1>, vector<256x64xf32>
    %get3A_22 = arith.constant 0 : index
    %get3A_23 = arith.constant 0 : index
    %get3A_24 = vector.load %arg5[%get3A_22, %get3A_23] : memref<64x48xf32, #tpu.memory_space<vmem>>, vector<64x48xf32>
    %dot_general3A_25 = arith.constant dense<0.000000e+00> : vector<256x48xf32>
    %dot_general3A_26 = tpu.matmul %select_n3A, %get3A_24, %dot_general3A_25 {dimension_numbers = #tpu.dot_dimension_numbers<[1], [0], [0], [1], [0, 0, 1, 1], [], []>, transpose_lhs_hint = false} : vector<256x64xf32>, vector<64x48xf32>, vector<256x48xf32> -> vector<256x48xf32>
    %iota3A = tpu.iota {dimensions = array<i32: 1>} : vector<1x16xi32>
    %slice3A_27 = vector.extract_strided_slice %dot_general3A_26 {offsets = [0, 0], sizes = [256, 16], strides = [1, 1]} : vector<256x48xf32> to vector<256x16xf32>
    %eq3A = arith.constant 3 : i32
    %eq3A_28 = vector.broadcast %eq3A : i32 to vector<1x16xi32>
    %eq3A_29 = arith.cmpi eq, %iota3A, %eq3A_28 : vector<1x16xi32>
    %jit3A = arith.constant 1.000000e+00 : f32
    %jit3A_30 = arith.constant 0.000000e+00 : f32
    %broadcast_in_dim3A = vector.broadcast %jit3A : f32 to vector<1x16xf32>
    %broadcast_in_dim3A_31 = vector.broadcast %jit3A_30 : f32 to vector<1x16xf32>
    %select_n3A_32 = arith.select %eq3A_29, %broadcast_in_dim3A, %broadcast_in_dim3A_31 : vector<1x16xi1>, vector<1x16xf32>
    %add3A_33 = vector.broadcast %select_n3A_32 : vector<1x16xf32> to vector<256x16xf32>
    %add3A_34 = arith.addf %slice3A_27, %add3A_33 : vector<256x16xf32>
    %swap3A = arith.constant 0 : index
    %swap3A_35 = arith.constant 0 : index
    %swap3A_36 = vector.load %arg6[%swap3A, %swap3A_35] : memref<256x16xf32, #tpu.memory_space<vmem>>, vector<256x16xf32>
    tpu.vector_store %arg6[%swap3A, %swap3A_35], %add3A_34 {strides = array<i32>} : memref<256x16xf32, #tpu.memory_space<vmem>>, vector<256x16xf32>,
    %slice3A_37 = vector.extract_strided_slice %dot_general3A_26 {offsets = [0, 16], sizes = [256, 16], strides = [1, 1]} : vector<256x48xf32> to vector<256x16xf32>
    %swap3A_38 = arith.constant 0 : index
    %swap3A_39 = arith.constant 0 : index
    %swap3A_40 = vector.load %arg7[%swap3A_38, %swap3A_39] : memref<256x16xf32, #tpu.memory_space<vmem>>, vector<256x16xf32>
    tpu.vector_store %arg7[%swap3A_38, %swap3A_39], %slice3A_37 {strides = array<i32>} : memref<256x16xf32, #tpu.memory_space<vmem>>, vector<256x16xf32>,
    %slice3A_41 = vector.extract_strided_slice %dot_general3A_26 {offsets = [0, 32], sizes = [256, 16], strides = [1, 1]} : vector<256x48xf32> to vector<256x16xf32>
    %swap3A_42 = arith.constant 0 : index
    %swap3A_43 = arith.constant 0 : index
    %swap3A_44 = vector.load %arg8[%swap3A_42, %swap3A_43] : memref<256x16xf32, #tpu.memory_space<vmem>>, vector<256x16xf32>
    tpu.vector_store %arg8[%swap3A_42, %swap3A_43], %slice3A_41 {strides = array<i32>} : memref<256x16xf32, #tpu.memory_space<vmem>>, vector<256x16xf32>,
    return
  }
  func.func @transform_0(%arg0: i32) -> (i32, i32) {
    %c0_i32 = arith.constant 0 : i32
    %c0_i32_0 = arith.constant 0 : i32
    return %arg0, %c0_i32 : i32, i32
  }
  func.func @transform_1(%arg0: i32) -> (i32, i32) {
    %c0_i32 = arith.constant 0 : i32
    %c0_i32_0 = arith.constant 0 : i32
    return %arg0, %c0_i32 : i32, i32
  }
  func.func @transform_2(%arg0: i32) -> (i32, i32) {
    %c0_i32 = arith.constant 0 : i32
    %c0_i32_0 = arith.constant 0 : i32
    %c0_i32_1 = arith.constant 0 : i32
    return %c0_i32, %c0_i32_0 : i32, i32
  }
  func.func @transform_3(%arg0: i32) -> (i32, i32) {
    %c0_i32 = arith.constant 0 : i32
    %c0_i32_0 = arith.constant 0 : i32
    %c0_i32_1 = arith.constant 0 : i32
    return %c0_i32, %c0_i32_0 : i32, i32
  }
  func.func @transform_4(%arg0: i32) -> (i32, i32) {
    %c0_i32 = arith.constant 0 : i32
    %c0_i32_0 = arith.constant 0 : i32
    %c0_i32_1 = arith.constant 0 : i32
    return %c0_i32, %c0_i32_0 : i32, i32
  }
  func.func @transform_5(%arg0: i32) -> (i32, i32) {
    %c0_i32 = arith.constant 0 : i32
    %c0_i32_0 = arith.constant 0 : i32
    return %arg0, %c0_i32 : i32, i32
  }
  func.func @transform_6(%arg0: i32) -> (i32, i32) {
    %c0_i32 = arith.constant 0 : i32
    %c0_i32_0 = arith.constant 0 : i32
    return %arg0, %c0_i32 : i32, i32
  }
  func.func @transform_7(%arg0: i32) -> (i32, i32) {
    %c0_i32 = arith.constant 0 : i32
    %c0_i32_0 = arith.constant 0 : i32
    return %arg0, %c0_i32 : i32, i32
  }
}

module attributes {stable_mosaic.version = 14 : i64} {
  func.func @_stage3_body(%arg0: i32, %arg1: memref<256x16xf32, #tpu.memory_space<vmem>>, %arg2: memref<256x16xf32, #tpu.memory_space<vmem>>, %arg3: memref<16x16xf32, #tpu.memory_space<vmem>>, %arg4: memref<1x16xf32, #tpu.memory_space<vmem>>, %arg5: memref<256x16xf32, #tpu.memory_space<vmem>>, %arg6: memref<256x16xf32, #tpu.memory_space<vmem>>) attributes {dimension_semantics = [#tpu.dimension_semantics<arbitrary>], iteration_bounds = array<i64: 40>, scalar_prefetch = 0 : i64, scratch_operands = 0 : i64, tpu.core_type = #tpu.core_type<tc>, window_params = [{transform_indices = @transform_0, window_bounds = array<i64: 256, 16>}, {transform_indices = @transform_1, window_bounds = array<i64: 256, 16>}, {pipeline_mode = #tpu.pipeline_mode<synchronous>, transform_indices = @transform_2, window_bounds = array<i64: 16, 16>}, {pipeline_mode = #tpu.pipeline_mode<synchronous>, transform_indices = @transform_3, window_bounds = array<i64: 1, 16>}, {transform_indices = @transform_4, window_bounds = array<i64: 256, 16>}, {transform_indices = @transform_5, window_bounds = array<i64: 256, 16>}]} {
    %get3A = arith.constant 0 : index
    %get3A_0 = arith.constant 0 : index
    %get3A_1 = vector.load %arg1[%get3A, %get3A_0] : memref<256x16xf32, #tpu.memory_space<vmem>>, vector<256x16xf32>
    %get3A_2 = arith.constant 0 : index
    %get3A_3 = arith.constant 0 : index
    %get3A_4 = vector.load %arg2[%get3A_2, %get3A_3] : memref<256x16xf32, #tpu.memory_space<vmem>>, vector<256x16xf32>
    %add3A = arith.addf %get3A_1, %get3A_4 : vector<256x16xf32>
    %get3A_5 = arith.constant 0 : index
    %get3A_6 = arith.constant 0 : index
    %get3A_7 = vector.load %arg3[%get3A_5, %get3A_6] : memref<16x16xf32, #tpu.memory_space<vmem>>, vector<16x16xf32>
    %dot_general3A = arith.constant dense<0.000000e+00> : vector<256x16xf32>
    %dot_general3A_8 = tpu.matmul %add3A, %get3A_7, %dot_general3A {dimension_numbers = #tpu.dot_dimension_numbers<[1], [0], [0], [1], [0, 0, 1, 1], [], []>, transpose_lhs_hint = false} : vector<256x16xf32>, vector<16x16xf32>, vector<256x16xf32> -> vector<256x16xf32>
    %add3A_9 = arith.constant 1.000000e-16 : f32
    %add3A_10 = vector.broadcast %add3A_9 : f32 to vector<256x16xf32>
    %add3A_11 = arith.addf %dot_general3A_8, %add3A_10 : vector<256x16xf32>
    %div3A = arith.divf %add3A, %add3A_11 : vector<256x16xf32>
    %get3A_12 = arith.constant 0 : index
    %get3A_13 = arith.constant 0 : index
    %get3A_14 = vector.load %arg4[%get3A_12, %get3A_13] : memref<1x16xf32, #tpu.memory_space<vmem>>, vector<1x16xf32>
    %add3A_15 = vector.broadcast %get3A_14 : vector<1x16xf32> to vector<256x16xf32>
    %add3A_16 = arith.addf %div3A, %add3A_15 : vector<256x16xf32>
    %iota3A = tpu.iota {dimensions = array<i32: 1>} : vector<1x16xi32>
    %lt3A = arith.constant 3 : i32
    %lt3A_17 = vector.broadcast %lt3A : i32 to vector<1x16xi32>
    %lt3A_18 = arith.cmpi slt, %iota3A, %lt3A_17 : vector<1x16xi32>
    %jit3A = arith.constant -1.000000e+30 : f32
    %broadcast_in_dim3A = vector.shape_cast %lt3A_18 : vector<1x16xi1> to vector<1x16xi1>
    %broadcast_in_dim3A_19 = vector.broadcast %broadcast_in_dim3A : vector<1x16xi1> to vector<256x16xi1>
    %broadcast_in_dim3A_20 = vector.broadcast %jit3A : f32 to vector<256x16xf32>
    %select_n3A = arith.select %broadcast_in_dim3A_19, %add3A_16, %broadcast_in_dim3A_20 : vector<256x16xi1>, vector<256x16xf32>
    %reduce_max3A = arith.constant dense<0xFF800000> : vector<256xf32>
    %reduce_max3A_21 = vector.multi_reduction <maximumf>, %select_n3A, %reduce_max3A [1] : vector<256x16xf32> to vector<256xf32>
    %broadcast_in_dim3A_22 = vector.shape_cast %reduce_max3A_21 : vector<256xf32> to vector<256x1xf32>
    %sub3A = vector.broadcast %broadcast_in_dim3A_22 : vector<256x1xf32> to vector<256x16xf32>
    %sub3A_23 = arith.subf %select_n3A, %sub3A : vector<256x16xf32>
    %exp3A = math.exp %sub3A_23 : vector<256x16xf32>
    %reduce_sum3A = arith.constant dense<0.000000e+00> : vector<256xf32>
    %reduce_sum3A_24 = vector.multi_reduction <add>, %exp3A, %reduce_sum3A [1] : vector<256x16xf32> to vector<256xf32>
    %broadcast_in_dim3A_25 = vector.shape_cast %reduce_sum3A_24 : vector<256xf32> to vector<256x1xf32>
    %log3A = math.log %broadcast_in_dim3A_25 : vector<256x1xf32>
    %add3A_26 = arith.addf %broadcast_in_dim3A_22, %log3A : vector<256x1xf32>
    %sub3A_27 = vector.broadcast %add3A_26 : vector<256x1xf32> to vector<256x16xf32>
    %sub3A_28 = arith.subf %select_n3A, %sub3A_27 : vector<256x16xf32>
    %swap3A = arith.constant 0 : index
    %swap3A_29 = arith.constant 0 : index
    %swap3A_30 = vector.load %arg6[%swap3A, %swap3A_29] : memref<256x16xf32, #tpu.memory_space<vmem>>, vector<256x16xf32>
    tpu.vector_store %arg6[%swap3A, %swap3A_29], %sub3A_28 {strides = array<i32>} : memref<256x16xf32, #tpu.memory_space<vmem>>, vector<256x16xf32>,
    %swap3A_31 = arith.constant 0 : index
    %swap3A_32 = arith.constant 0 : index
    %swap3A_33 = vector.load %arg5[%swap3A_31, %swap3A_32] : memref<256x16xf32, #tpu.memory_space<vmem>>, vector<256x16xf32>
    tpu.vector_store %arg5[%swap3A_31, %swap3A_32], %add3A_16 {strides = array<i32>} : memref<256x16xf32, #tpu.memory_space<vmem>>, vector<256x16xf32>,
    return
  }
  func.func @transform_0(%arg0: i32) -> (i32, i32) {
    %c0_i32 = arith.constant 0 : i32
    %c0_i32_0 = arith.constant 0 : i32
    return %arg0, %c0_i32 : i32, i32
  }
  func.func @transform_1(%arg0: i32) -> (i32, i32) {
    %c0_i32 = arith.constant 0 : i32
    %c0_i32_0 = arith.constant 0 : i32
    return %arg0, %c0_i32 : i32, i32
  }
  func.func @transform_2(%arg0: i32) -> (i32, i32) {
    %c0_i32 = arith.constant 0 : i32
    %c0_i32_0 = arith.constant 0 : i32
    %c0_i32_1 = arith.constant 0 : i32
    return %c0_i32, %c0_i32_0 : i32, i32
  }
  func.func @transform_3(%arg0: i32) -> (i32, i32) {
    %c0_i32 = arith.constant 0 : i32
    %c0_i32_0 = arith.constant 0 : i32
    %c0_i32_1 = arith.constant 0 : i32
    return %c0_i32, %c0_i32_0 : i32, i32
  }
  func.func @transform_4(%arg0: i32) -> (i32, i32) {
    %c0_i32 = arith.constant 0 : i32
    %c0_i32_0 = arith.constant 0 : i32
    return %arg0, %c0_i32 : i32, i32
  }
  func.func @transform_5(%arg0: i32) -> (i32, i32) {
    %c0_i32 = arith.constant 0 : i32
    %c0_i32_0 = arith.constant 0 : i32
    return %arg0, %c0_i32 : i32, i32
  }
}

</mosaic_0001>

<sc_bundles>
// kernel: kernel.10.cloned.1.call-start
scs
__scs_entry_jumppad:
0x0: {  	(pc) =	sbr.rel $0x88, $3  }
0x1: {  	(tag) =	ssettag $0x0;
	lr =	simm.s32 $0x1  }
0x2: {  	[smem:$0x3F97] =	sst lr;
	_ =	strace $0xD0000000  }
0x3: {  	_ = 	snop  }
0x4: {  	_ = 	snop  }
0x5: {  	_ = 	snop  }
0x6: {  	_ = 	snop  }
0x7: {  	_ = 	snop  }
__scs_overlays_trampoline_lowered:
0x8: {  	[smem:$0x3FA6] =	sst s0  }
0x9: {  	[smem:$0x3FA7] =	sst s1  }
0xa: {  	[smem:$0x3FA8] =	sst s2  }
0xb: {  	[smem:$0x3FA9] =	sst s3  }
0xc: {  	[smem:$0x3FAA] =	sst s4  }
0xd: {  	[smem:$0x3FAB] =	sst s5  }
0xe: {  	[smem:$0x3FAC] =	sst s6  }
0xf: {  	[smem:$0x3FAD] =	sst s7  }
0x10: {  	[smem:$0x3FAE] =	sst s8  }
0x11: {  	[smem:$0x3FAF] =	sst s9;
	s0 =	simm.s32 @!p0 $0x0  }
0x12: {  	s1 =	sld [smem:$0x3F95];
	s0 =	simm.s32 @p0 $0x1  }
0x13: {  	[smem:$0x3FB0] =	sst s0;
	s0 =	simm.s32 @!p1 $0x0  }
0x14: {  	s2 =	sld [smem:$0x3F94];
	s0 =	simm.s32 @p1 $0x1  }
0x15: {  	[smem:$0x3FB1] =	sst s0;
	s0 =	simm.s32 @!p2 $0x0  }
0x16: {  	s3 =	sld [smem:$0x3FDB];
	s0 =	simm.s32 @p2 $0x1  }
0x17: {  	s4 =	simm.s32 $0x1BF5;
	[smem:$0x3FB3] =	sst s0  }
0x18: {  	s0 =	sld [smem:$0x3F96];
	_ =	swait.ge [sflag:s4], $0x0  }
0x19: {  	s7 =	sld [smem:$0x3F97]  }
0x1a: {  	s8 =	sadd.s32 $0xFFFFE003, lr  }
0x1b: {  	s9 =	sadd.s32 $0xFFFFFEF7, lr;
	s5 =	simm.s32 $0xFFFFFFFF;
	p2 =	slt.u32 s8, $0xFFFFF086  }
0x1c: {  	p1 =	slt.u32 s9, $0xF7A;
	s5 =	simm.s32 @!p2 $0x0  }
0x1d: {  	s5 =	simm.s32 @p1 $0x1;
	p0 =	seq.s32 s7, s2  }
0x1e: {  	s7 =	smul.u32 @!p0 $0xF7A, s2;
	p2 =	seq.s32 @!p0 s5, $0x0  }
0x1f: {  	s9 =	smul.u32 $0xF7A, s1;
	s8 =	simm.s32 @!p0 $0x1BF5;
	p2 =	por !p2, p0  }
0x20: {  	[sflag:s8] =	ssyncset.s32 @!p0 $0xFFFFF086;
	s6 =	sadd.s32 @!p0 s3, s7;
	s7 =	simm.s32 @!p0 $0x108  }
0x21: {  	s3 =	sadd.s32 s3, s9;
	s6 =	sadd.s32 @!p0 $0x88, s6;
	s7 =	simm.s32 @p2 $0x1082  }
0x22: {  	[simem:s7], [sflag:s8] =	dma.local @!p0 [hbm:s6], $0xF7A  }
0x23: {  	s9 =	sor.u32 $0xD0000000, s2;
	s6 =	simm.s32 $0x108;
	_ =	swait.ge @!p0 [sflag:s8], $0x0  }
0x24: {  	s3 =	sadd.s32 $0x88, s3;
	s6 =	simm.s32 @!p1 $0x1082;
	[sflag:s4] =	ssyncset.s32 $0xFFFFF086  }
0x25: {  	[simem:s6], [sflag:s4] =	dma.local [hbm:s3], $0xF7A  }
0x26: {  	[smem:$0x3F97] =	sst s1;
	(tag) =	ssettag s2;
	_ =	strace s9  }
0x27: {  	s1 =	sld [smem:$0x3FA7]  }
0x28: {  	s2 =	sld [smem:$0x3FA8]  }
0x29: {  	s4 =	sld [smem:$0x3FAA]  }
0x2a: {  	p0 =	seq.s32 s5, $0x0;
	s5 =	sld [smem:$0x3FAB]  }
0x2b: {  	s6 =	sld [smem:$0x3FAC]  }
0x2c: {  	s7 =	sld [smem:$0x3FAD]  }
0x2d: {  	s3 =	simm.s32 $0x108;
	s8 =	sld [smem:$0x3FAE]  }
0x2e: {  	s3 =	simm.s32 @!p0 $0x1082;
	s9 =	sld [smem:$0x3FAF]  }
0x2f: {  	lr =	sadd.s32 s0, s3;
	s0 =	sld [smem:$0x3FA6]  }
0x30: {  	s3 =	sld [smem:$0x3FA9]  }
0x31: {  	[smem:$0x3FB2] =	sst s10  }
0x32: {  	s10 =	sld [smem:$0x3FB0];
	_ =	sdelay $0x3  }
0x33: {  	p0 =	seq.s32 s10, $0x1;
	s10 =	sld [smem:$0x3FB2];
	_ =	sdelay $0x3  }
0x34: {  	[smem:$0x3FB2] =	sst s10  }
0x35: {  	s10 =	sld [smem:$0x3FB1];
	_ =	sdelay $0x3  }
0x36: {  	p1 =	seq.s32 s10, $0x1;
	s10 =	sld [smem:$0x3FB2];
	_ =	sdelay $0x3  }
0x37: {  	[smem:$0x3FB2] =	sst s10  }
0x38: {  	s10 =	sld [smem:$0x3FB3]  }
0x39: {  	_ = 	snop;
	(pc) =	sbr.ind lr, $3  }
0x3a: {  	_ = 	snop  }
0x3b: {  	_ = 	snop  }
0x3c: {  	p2 =	seq.s32 s10, $0x1;
	s10 =	sld [smem:$0x3FB2]  }
0x3d: {  	_ =	shalt  }
0x3e: {  	_ =	shalt  }
0x3f: {  	_ =	shalt  }
0x40: {  	_ =	shalt  }
0x41: {  	_ =	shalt  }
0x42: {  	_ =	shalt  }
0x43: {  	_ =	shalt  }
0x44: {  	_ =	shalt  }
0x45: {  	_ =	shalt  }
0x46: {  	_ =	shalt  }
0x47: {  	_ =	shalt  }
0x48: {  	_ =	shalt  }
0x49: {  	_ =	shalt  }
0x4a: {  	_ =	shalt  }
0x4b: {  	_ =	shalt  }
0x4c: {  	_ =	shalt  }
0x4d: {  	_ =	shalt  }
0x4e: {  	_ =	shalt  }
0x4f: {  	_ =	shalt  }
0x50: {  	_ =	shalt  }
0x51: {  	_ =	shalt  }
0x52: {  	_ =	shalt  }
0x53: {  	_ =	shalt  }
0x54: {  	_ =	shalt  }
0x55: {  	_ =	shalt  }
0x56: {  	_ =	shalt  }
0x57: {  	_ =	shalt  }
0x58: {  	_ =	shalt  }
0x59: {  	_ =	shalt  }
0x5a: {  	_ =	shalt  }
0x5b: {  	_ =	shalt  }
0x5c: {  	_ =	shalt  }
0x5d: {  	_ =	shalt  }
0x5e: {  	_ =	shalt  }
0x5f: {  	_ =	shalt  }
0x60: {  	_ =	shalt  }
0x61: {  	_ =	shalt  }
0x62: {  	_ =	shalt  }
0x63: {  	_ =	shalt  }
0x64: {  	_ =	shalt  }
0x65: {  	_ =	shalt  }
0x66: {  	_ =	shalt  }
0x67: {  	_ =	shalt  }
0x68: {  	_ =	shalt  }
0x69: {  	_ =	shalt  }
0x6a: {  	_ =	shalt  }
0x6b: {  	_ =	shalt  }
0x6c: {  	_ =	shalt  }
0x6d: {  	_ =	shalt  }
0x6e: {  	_ =	shalt  }
0x6f: {  	_ =	shalt  }
0x70: {  	_ =	shalt  }
0x71: {  	_ =	shalt  }
0x72: {  	_ =	shalt  }
0x73: {  	_ =	shalt  }
0x74: {  	_ =	shalt  }
0x75: {  	_ =	shalt  }
0x76: {  	_ =	shalt  }
0x77: {  	_ =	shalt  }
0x78: {  	_ =	shalt  }
0x79: {  	_ =	shalt  }
0x7a: {  	_ =	shalt  }
0x7b: {  	_ =	shalt  }
0x7c: {  	_ =	shalt  }
0x7d: {  	_ =	shalt  }
0x7e: {  	_ =	shalt  }
0x7f: {  	_ =	shalt  }
0x80: {  	_ =	shalt  }
0x81: {  	_ =	shalt  }
0x82: {  	_ =	shalt  }
0x83: {  	_ =	shalt  }
0x84: {  	_ =	shalt  }
0x85: {  	_ =	shalt  }
0x86: {  	_ =	shalt  }
0x87: {  	_ =	shalt  }
.Lfunc_end0:
.L_simem_size_0:
called_computation.1_lowered:
.L_overlay_start_0:
0x88: {  	s2 =	sld [smem:$0x3FD9]  }
0x89: {  	s3 =	sld [smem:$0x3FFE];
	_ =	sdelay $0x1  }
0x8a: {  	s1 =	srdreg.scid  }
0x8b: {  	s0 =	sand.u32 $0x1, s1  }
0x8c: {  	s16 =	sshll.u32 s0, $0xA;
	s2 =	sadd.s32 s3, s2  }
0x8d: {  	s2 =	sadd.s32 s2, s16  }
0x8e: {  	[smem:$0x3FBE] =	sst s2  }
0x8f: {  	_ = 	snop  }
0x90: {  	(tm) =	ssettm $0x1  }
0x91: {  	s17 =	sld [smem:$0x3FFB];
	_ =	sdelay $0x3  }
0x92: {  	_ =	strace s17  }
0x93: {  	s2 =	sld [smem:$0x3FFC];
	_ =	sdelay $0x3  }
0x94: {  	_ =	strace s2  }
0x95: {  	s2 =	sld [smem:$0x3FFD];
	_ =	sdelay $0x3  }
0x96: {  	_ =	strace s2  }
0x97: {  	_ =	strace $0x8FFFFFFF  }
0x98: {  	s18 =	sld [smem:$0x3FDB];
	_ =	sdelay $0x1  }
0x99: {  	s19 =	simm.s32 $_scs_section_size  }
0x9a: {  	s4 =	simm.s32 $_size__tile_overlayer_lowered;
	s5 =	simm.s32 $_tile_overlayer_lowered  }
0x9b: {  	s22 =	simm.s32 $0x1BFF;
	s21 =	sshll.u32 s5, $0x1;
	s2 =	sadd.s32 s19, s18  }
0x9c: {  	s6 =	simm.s32 $0x0;
	s20 =	sshll.u32 s4, $0x1;
	s4 =	sadd.s32 s21, s2  }
0x9d: {  	[timem:s6], [sflag:s22] =	dma.local [hbm:s4], s20  }
0x9e: {  	_ =	swait.ge [sflag:s22], s20  }
0x9f: {  	s3 =	ssub.s32 $0x0, s20;
	[sflag:s22] =	ssyncset.done $0x0  }
0xa0: {  	[sflag:s22] =	ssyncadd.s32 s3;
	_ =	sdelay $0x1  }
0xa1: {  	s23 =	simm.s32 $0x1B8B  }
0xa2: {  	_ =	swait.ge [sflag:s23], $0x1  }
0xa3: {  	[sflag:s23] =	ssyncset.done $0x0  }
0xa4: {  	s25 =	simm.s32 $0x1B8E;
	s24 =	sld [smem:$0x3FFE];
	[sflag:s23] =	ssyncadd.s32 $0xFFFFFFFF  }
0xa5: {  	s26 =	simm.s32 $execute0_lowered;
	[smem:$0x3FD2] =	sst s25  }
0xa6: {  	s4 =	sshll.u32 s26, $0x1;
	_ =	strace $0x80000049;
	[dreg:$0x1] =	wrdreg $0xFFFFFFFF  }
0xa7: {  	s28 =	simm.s32 $_size_execute0_lowered;
	s2 =	sadd.s32 s2, s4;
	[dreg:$0x0] =	wrdreg $0x0  }
0xa8: {  	s4 =	sshll.u32 s28, $0x1;
	[dreg:$0x2] =	wrdreg s2  }
0xa9: {  	[dreg:$0x3] =	wrdreg s4  }
0xaa: {  	[dreg:$0x4] =	wrdreg $0xC0  }
0xab: {  	_ =	task [dreg:s6], $0x5FFFF  }
0xac: {  	[dreg:$0x1] =	wrdreg $0xFFFFFFFF  }
0xad: {  	[dreg:$0x0] =	wrdreg $0x60  }
0xae: {  	[dreg:$0x2] =	wrdreg s24  }
0xaf: {  	[dreg:$0x3] =	wrdreg $0x5C000  }
0xb0: {  	[dreg:$0x4] =	wrdreg $0x9  }
0xb1: {  	_ =	task.clear_ibuf [dreg:s6], $0x5FFFF;
	_ =	strace $0x90000049  }
0xb2: {  	s29 =	simm.s32 $0x9;
	_ =	strace $0x8000004B  }
0xb3: {  	_ =	swait.ge [sflag:s29], $0x1  }
0xb4: {  	[sflag:s29] =	ssyncadd.s32 $0xFFFFFFFF  }
0xb5: {  	_ =	strace $0x9000004B  }
0xb6: {  	_ =	sfence  }
0xb7: {  	s30 =	sld [smem:$0x0];
	_ =	sdelay $0x2  }
0xb8: {  	s31 =	sshll.u32 s1, $0xD;
	s1 =	sshrl.u32 s1, $0x2  }
0xb9: {  	s3 =	sand.u32 $0x4000, s31;
	s1 =	sadd.s32 s1, s30  }
0xba: {  	s0 =	sor.u32 s3, s0;
	s1 =	sshll.u32 s1, $0x11  }
0xbb: {  	s0 =	sor.u32 s1, s0  }
0xbc: {  	s0 =	sadd.s32 $0x8F2B, s0  }
0xbd: {  	[sflag:s0] =	ssyncadd.remote.s32 $0x1  }
0xbe: {  	_ =	sfence.sel $0xFFFF  }
0xbf: {  	[dreg:$0x0] =	wrdreg $0xFFFFFFFF;
	(pc) =	sbr.abs _section_cstart, $3  }
0xc0: {  	[dreg:$0x1] =	wrdreg $0xFFFFFFFF  }
0xc1: {  	_ =	task.clear_ibuf [dreg:s6], $0x2FFFF;
	_ =	strace $0x9FFFFFFF  }
0xc2: {  	(tm) =	ssettm $0x7FFFFFFF  }
0xc3: {  	_ =	shalt  }
tec
execute0_lowered:
.L_overlay_start_1:
0x0: {  	(tag) =	ssettag $0x1  }
0x1: {  	s0 =	rddreg [dreg:$0x0]  }
0x2: {  	s1 =	rddreg [dreg:$0x1];
	s3 =	simm.s32 $0x0  }
0x3: {  	s2 =	srdreg.scid;
	s10 =	stileid.u32;
	s16 =	simm.s32 $0x2C00  }
0x4: {  	s17 =	simm.s32 $0x7;
	s20 =	simm.s32 $0x80;
	s22 =	simm.s32 $0x100  }
0x5: {  	s28 =	simm.s32 $0x5400;
	s29 =	simm.s32 $0x1;
	s30 =	simm.s32 $0x3  }
0x6: {  	s31 =	simm.s32 $0x5;
	s18 =	simm.s32 $0x4;
	s19 =	simm.s32 $0x6  }
0x7: {  	[smem:$0x7FF] =	sst s3;
	s2 =	sand.u32 $0x1, s2;
	s5 =	sshll.u32 s10, $0x1  }
0x8: {  	s4 =	sadd.s32 $0xC400, s0;
	s8 =	smul.u32 $0xA000, s10;
	s6 =	sadd.s32 $0x2400, s0  }
0x9: {  	s10 =	smul.u32 $0x2800, s10;
	_ =	strace $0x8000004A;
	s7 =	sor.u32 s2, s5  }
0xa: {  	s5 =	sadd.s32 $0x7400, s0;
	s9 =	ssub.s32 $0x2, s2;
	p0 =	seq.s32 s2, $0x1  }
0xb: {  	s2 =	simm.s32 $0x11400;
	s7 =	smul.u32 $0x2A0, s7;
	s8 =	sshrl.u32 s8, $0x2  }
0xc: {  	s23 =	sshrl.u32 s9, $0x1;
	s2 =	simm.s32 @!p0 $0x16400;
	s8 =	sadd.s32 s8, s1  }
0xd: {  	s26 =	sshrl.u32 s10, $0x3;
	s9 =	ssub.s32 s9, s23;
	s12 =	sadd.s32 $0x800, s8  }
0xe: {  	s11 =	sadd.s32 s7, s0;
	s24 =	sadd.s32 $0x1000, s8;
	[dreg:$0x3] =	wrdreg s12  }
0xf: {  	s7 =	sadd.s32 s10, s1;
	s25 =	sadd.s32 $0x1800, s8;
	[dreg:$0x4] =	wrdreg s24  }
0x10: {  	s8 =	sadd.s32 $0x2000, s8;
	s0 =	sadd.s32 s2, s0;
	[dreg:$0x5] =	wrdreg s25  }
0x11: {  	s14 =	smax.u32 s9, $0x1;
	[dreg:$0x6] =	wrdreg s8;
	s12 =	sadd.s32 $0x20400, s11  }
0x12: {  	s13 =	sadd.s32 $0x25800, s11;
	s15 =	sadd.s32 s0, s26;
	s24 =	simm.s32 $0x3400  }
0x13: {  	v0 =	vimm.f32 $0.0e+00;
	s25 =	simm.s32 $0x4400;
	s26 =	simm.s32 $0x180;
	s0 =	simm.s32 $0x2  }
.LBB2_1:
0x14: {  	s2 =	simm.s32 $0x40;
	s8 =	simm.s32 $0x0  }
.LBB2_2:
0x15: {  	p0 =	sne.s32 s2, $0x1FC0;
	[tilespmem:s8+$0x2C00] =	vst v0;
	s8 =	smov.u32 s2;
	s2 =	sadd.s32 $0x40, s2  }
.Ltmp0:
0x16: {  	(pc) =	sbr.rel @p0 .LBB2_2-.Ltmp0, $2  }
0x17: {  	_ =	sdelay $0x2  }
0x18: {  	s8 =	sshra.s32 s8, $0x2  }
0x19: {  	[tilespmem:s8+$0x2C00] =	vst v0  }
0x1a: {  	[spmem:s7] =	stream.linear.scatter [tilespmem:s16], [sflag:$0x7], $0x800, $0x38;
	[tilespmem:$0x8400] =	vst v63  }
0x1b: {  	_ =	swait.ge [sflag:s17], $0x800  }
0x1c: {  	[sflag:s17] =	ssyncset.done $0x0  }
0x1d: {  	s2 =	rddreg [dreg:$0x3];
	[sflag:s17] =	ssyncadd.s32 $0xFFFFF800  }
0x1e: {  	[spmem:s2] =	stream.linear.scatter [tilespmem:s16], [sflag:$0x7], $0x800, $0x38;
	[tilespmem:$0x8400] =	vst v63  }
0x1f: {  	_ =	swait.ge [sflag:s17], $0x800  }
0x20: {  	[sflag:s17] =	ssyncset.done $0x0  }
0x21: {  	s21 =	rddreg [dreg:$0x4];
	[sflag:s17] =	ssyncadd.s32 $0xFFFFF800  }
0x22: {  	[spmem:s21] =	stream.linear.scatter [tilespmem:s16], [sflag:$0x7], $0x800, $0x38;
	[tilespmem:$0x8400] =	vst v63  }
0x23: {  	_ =	swait.ge [sflag:s17], $0x800  }
0x24: {  	[sflag:s17] =	ssyncset.done $0x0  }
0x25: {  	s23 =	rddreg [dreg:$0x5];
	[sflag:s17] =	ssyncadd.s32 $0xFFFFF800  }
0x26: {  	[spmem:s23] =	stream.linear.scatter [tilespmem:s16], [sflag:$0x7], $0x800, $0x38;
	[tilespmem:$0x8400] =	vst v63  }
0x27: {  	_ =	swait.ge [sflag:s17], $0x800  }
0x28: {  	[sflag:s17] =	ssyncset.done $0x0  }
0x29: {  	s8 =	rddreg [dreg:$0x6];
	[sflag:s17] =	ssyncadd.s32 $0xFFFFF800  }
0x2a: {  	[spmem:s8] =	stream.linear.scatter [tilespmem:s16], [sflag:$0x7], $0x800, $0x38;
	[tilespmem:$0x8400] =	vst v63  }
0x2b: {  	_ =	swait.ge [sflag:s17], $0x800  }
0x2c: {  	[sflag:s17] =	ssyncset.done $0x0  }
0x2d: {  	[sflag:s17] =	ssyncadd.s32 $0xFFFFF800  }
0x2e: {  	s9 =	simm.s32 $0x200;
	s21 =	simm.s32 $0x0;
	[bflag:$0x0] =	sbarrier.arrive $0xFFFF  }
0x2f: {  	[tilespmem:s9], [sflag:$0x7] =	stream.linear.gather [hbm4b:s12+s21], $0x1500, $0x38;
	[tilespmem:$0x8400] =	vst v63  }
0x30: {  	_ =	swait.ge [sflag:s17], $0x1500  }
0x31: {  	[sflag:s17] =	ssyncset.done $0x0  }
0x32: {  	s10 =	simm.s32 $0x1700;
	[sflag:s17] =	ssyncadd.s32 $0xFFFFEB00  }
0x33: {  	[tilespmem:s10], [sflag:$0x7] =	stream.linear.gather [hbm4b:s13+s21], $0x1500, $0x38;
	[tilespmem:$0x8400] =	vst v63  }
0x34: {  	_ =	swait.ge [sflag:s17], $0x1500  }
0x35: {  	[sflag:s17] =	ssyncset.done $0x0  }
0x36: {  	[sflag:s17] =	ssyncadd.s32 $0xFFFFEB00  }
0x37: {  	v1 =	vld [tilespmem:$0x200]  }
0x38: {  	v2 =	vld [tilespmem:$0x1700]  }
0x39: {  	v3 =	vld [tilespmem:$0x210]  }
0x3a: {  	v4 =	vld [tilespmem:$0x1710]  }
0x3b: {  	v5 =	vld [tilespmem:$0x220]  }
0x3c: {  	[tilespmem:$0x0] =	vst v1;
	v1 =	vld [tilespmem:$0x1720]  }
0x3d: {  	v60 =	vld [tilespmem:$0x240];
	[tilespmem:$0x100] =	vst v2  }
0x3e: {  	v61 =	vld [tilespmem:$0x1740];
	[tilespmem:$0x10] =	vst v3  }
0x3f: {  	v2 =	vld [tilespmem:$0x230];
	[tilespmem:$0x110] =	vst v4  }
0x40: {  	v3 =	vld [tilespmem:$0x1730];
	[tilespmem:$0x20] =	vst v5  }
0x41: {  	[tilespmem:$0x120] =	vst v1;
	v1 =	vld [tilespmem:$0x250]  }
0x42: {  	v62 =	vld [tilespmem:$0x1760];
	[tilespmem:$0x40] =	vst v60  }
0x43: {  	v63 =	vld [tilespmem:$0x270];
	[tilespmem:$0x140] =	vst v61  }
0x44: {  	[tilespmem:$0x30] =	vst v2;
	v2 =	vld [tilespmem:$0x1750]  }
0x45: {  	[tilespmem:$0x130] =	vst v3;
	v3 =	vld [tilespmem:$0x260]  }
0x46: {  	[tilespmem:$0x50] =	vst v1;
	v1 =	vld [tilespmem:$0x1770]  }
0x47: {  	[tilespmem:$0x160] =	vst v62  }
0x48: {  	[tilespmem:$0x70] =	vst v63  }
0x49: {  	[tilespmem:$0x150] =	vst v2  }
0x4a: {  	[tilespmem:$0x60] =	vst v3  }
0x4b: {  	[tilespmem:$0x170] =	vst v1  }
0x4c: {  	[tilespmem:s16], [sflag:$0x1] =	stream.indirect.gather [hbm4b:s4+s20], $0x10, s21, s20, $0xb8;
	[tilespmem:$0x8400] =	vst v63  }
0x4d: {  	s11 =	simm.s32 $0x3C00  }
0x4e: {  	[tilespmem:s11], [sflag:$0x3] =	stream.indirect.gather [hbm4b:s5+s20], $0x10, s21, s20, $0xb8;
	[tilespmem:$0x8400] =	vst v63  }
0x4f: {  	s23 =	simm.s32 $0x4C00  }
0x50: {  	[tilespmem:s23], [sflag:$0x5] =	stream.indirect.gather [hbm4b:s6+s20], $0x10, s22, s20, $0xb8;
	[tilespmem:$0x8400] =	vst v63  }
.LBB2_4:
0x51: {  	s23 =	sshll.u32 s21, $0x8  }
0x52: {  	v1 =	vld [tilespmem:s23+$0x280];
	_ =	sdelay $0x4  }
0x53: {  	[tilespmem:$0x80] =	vst v1  }
0x54: {  	v1 =	vld [tilespmem:s23+$0x1780];
	_ =	sdelay $0x4  }
0x55: {  	[tilespmem:$0x180] =	vst v1  }
0x56: {  	v1 =	vld [tilespmem:s23+$0x290];
	_ =	sdelay $0x4  }
0x57: {  	[tilespmem:$0x90] =	vst v1  }
0x58: {  	v1 =	vld [tilespmem:s23+$0x1790];
	_ =	sdelay $0x4  }
0x59: {  	[tilespmem:$0x190] =	vst v1  }
0x5a: {  	v1 =	vld [tilespmem:s23+$0x2A0];
	_ =	sdelay $0x4  }
0x5b: {  	[tilespmem:$0xA0] =	vst v1  }
0x5c: {  	v1 =	vld [tilespmem:s23+$0x17A0];
	_ =	sdelay $0x4  }
0x5d: {  	[tilespmem:$0x1A0] =	vst v1  }
0x5e: {  	v1 =	vld [tilespmem:s23+$0x2B0];
	_ =	sdelay $0x4  }
0x5f: {  	[tilespmem:$0xB0] =	vst v1  }
0x60: {  	v1 =	vld [tilespmem:s23+$0x17B0];
	_ =	sdelay $0x4  }
0x61: {  	[tilespmem:$0x1B0] =	vst v1  }
0x62: {  	v1 =	vld [tilespmem:s23+$0x2C0];
	_ =	sdelay $0x4  }
0x63: {  	[tilespmem:$0xC0] =	vst v1  }
0x64: {  	v1 =	vld [tilespmem:s23+$0x17C0];
	_ =	sdelay $0x4  }
0x65: {  	[tilespmem:$0x1C0] =	vst v1  }
0x66: {  	v1 =	vld [tilespmem:s23+$0x2D0];
	_ =	sdelay $0x4  }
0x67: {  	[tilespmem:$0xD0] =	vst v1  }
0x68: {  	v1 =	vld [tilespmem:s23+$0x17D0];
	_ =	sdelay $0x4  }
0x69: {  	[tilespmem:$0x1D0] =	vst v1  }
0x6a: {  	v1 =	vld [tilespmem:s23+$0x2E0];
	_ =	sdelay $0x4  }
0x6b: {  	[tilespmem:$0xE0] =	vst v1  }
0x6c: {  	v1 =	vld [tilespmem:s23+$0x17E0];
	_ =	sdelay $0x4  }
0x6d: {  	[tilespmem:$0x1E0] =	vst v1  }
0x6e: {  	v1 =	vld [tilespmem:s23+$0x2F0];
	_ =	sdelay $0x4  }
0x6f: {  	[tilespmem:$0xF0] =	vst v1  }
0x70: {  	v1 =	vld [tilespmem:s23+$0x17F0];
	_ =	sdelay $0x4  }
0x71: {  	[tilespmem:$0x1F0] =	vst v1  }
0x72: {  	[tilespmem:s24], [sflag:$0x2] =	stream.indirect.gather [hbm4b:s4+s20], $0x10, s20, s20, $0xb8;
	[tilespmem:$0x8400] =	vst v63  }
0x73: {  	_ = 	snop  }
0x74: {  	[tilespmem:s25], [sflag:$0x4] =	stream.indirect.gather [hbm4b:s5+s20], $0x10, s20, s20, $0xb8;
	[tilespmem:$0x8400] =	vst v63  }
0x75: {  	_ = 	snop  }
0x76: {  	[tilespmem:s28], [sflag:$0x6] =	stream.indirect.gather [hbm4b:s6+s20], $0x10, s26, s20, $0xb8;
	[tilespmem:$0x8400] =	vst v63  }
0x77: {  	_ =	swait.ge [sflag:s29], $0x800  }
0x78: {  	[sflag:s29] =	ssyncset.done $0x0  }
0x79: {  	[sflag:s29] =	ssyncadd.s32 $0xFFFFF800  }
0x7a: {  	_ =	swait.ge [sflag:s30], $0x800  }
0x7b: {  	[sflag:s30] =	ssyncset.done $0x0  }
0x7c: {  	[sflag:s30] =	ssyncadd.s32 $0xFFFFF800  }
0x7d: {  	_ =	swait.ge [sflag:s31], $0x800  }
0x7e: {  	[sflag:s31] =	ssyncset.done $0x0  }
0x7f: {  	s2 =	simm.s32 $0x4C10;
	[sflag:s31] =	ssyncadd.s32 $0xFFFFF800  }
0x80: {  	s8 =	simm.s32 $0x3C10;
	v1 =	vld [tilespmem:s2+$0x0]  }
0x81: {  	v2 =	vld [tilespmem:s8+$0x0]  }
0x82: {  	v3 =	vld [tilespmem:s8+$0xFFFFFFF0]  }
0x83: {  	v4 =	vld [tilespmem:s2+$0xFFFFFFF0];
	_ =	sdelay $0x2  }
0x84: {  	s11 =	simm.s32 $0x4C30  }
0x85: {  	s10 =	simm.s32 $0x3C30;
	v5 =	vld [tilespmem:s11+$0x0];
	v1 =	vadd.f32 v1, v2  }
0x86: {  	v6 =	vld [tilespmem:s10+$0x0];
	v3 =	vadd.f32 v4, v3  }
0x87: {  	s9 =	simm.s32 $0x3C50;
	v7 =	vld [tilespmem:s11+$0xFFFFFFF0];
	v4 =	vmul.f32 $2.000000030e-01, v1  }
0x88: {  	v9 =	vld [tilespmem:s9+$0x0];
	vm0 =	vge.f32 v1, $0.0e+00;
	v8 =	vmul.f32 $2.000000030e-01, v3  }
0x89: {  	v2 =	vld [tilespmem:s10+$0xFFFFFFF0];
	s10 =	simm.s32 $0x4C50;
	vm12 =	vge.f32 v3, $0.0e+00;
	v1 =	vsel vm0, v1, v4  }
0x8a: {  	v3 =	vsel vm12, v3, v8;
	v8 =	vld [tilespmem:s10+$0x0];
	v1 =	vmul.f32 $1.442695020e+00, v1;
	_ =	sdelay $0x1  }
0x8b: {  	v4 =	vld [tilespmem:s9+$0xFFFFFFF0];
	v3 =	vmul.f32 $1.442695020e+00, v3;
	(erf) = vpow2.f32 v1  }
0x8c: {  	v5 =	vadd.f32 v5, v6;
	v1 =	vld [tilespmem:s10+$0xFFFFFFF0]  }
0x8d: {  	s11 =	simm.s32 $0x3C70;
	v2 =	vadd.f32 v7, v2;
	(erf) = vpow2.f32 v3  }
0x8e: {  	s2 =	simm.s32 $0x2C10;
	v10 =	vld [tilespmem:s11+$0xFFFFFFF0];
	v3 =	vmul.f32 $2.000000030e-01, v5;
	v8 =	vadd.f32 v8, v9  }
0x8f: {  	v6 =	vld [tilespmem:s2+$0x0];
	vm13 =	vge.f32 v5, $0.0e+00;
	v11 =	vmul.f32 $2.000000030e-01, v2  }
0x90: {  	s9 =	simm.s32 $0x4C70;
	v7 =	vld [tilespmem:s2+$0xFFFFFFF0];
	vm1 =	vge.f32 v2, $0.0e+00;
	v3 =	vsel vm13, v5, v3;
	v5 =	vmul.f32 $2.000000030e-01, v8  }
0x91: {  	v12 =	vld [tilespmem:s9+$0x0];
	v4 =	vadd.f32 v1, v4;
	v1 =	vsel vm1, v2, v11;
	v2 =	vmul.f32 $1.442695020e+00, v3  }
0x92: {  	v9 =	vld [tilespmem:s11+$0x0];
	vm14 =	vge.f32 v8, $0.0e+00;
	v13 =	vmul.f32 $1.442695020e+00, v1  }
0x93: {  	v11 =	vld [tilespmem:s9+$0xFFFFFFF0];
	s9 =	simm.s32 $0x3C90;
	(erf) = vpow2.f32 v2;
	v2 =	vsel vm14, v8, v5  }
0x94: {  	s8 =	simm.s32 $0x2C30;
	v3 =	vld [tilespmem:s9+$0xFFFFFFF0];
	v63 =	vmul.f32 $1.442695020e+00, v2;
	v5 =	vpop (erf);
	(erf) = vpow2.f32 v13  }
0x95: {  	v1 =	vld [tilespmem:s8+$0xFFFFFFF0];
	v14 =	vmul.f32 $2.000000030e-01, v4  }
0x96: {  	s10 =	simm.s32 $0x4C90;
	vm15 =	vge.f32 v4, $0.0e+00;
	v2 =	vld [tilespmem:s8+$0x0];
	v15 =	vmul.f32 v5, v6;
	v8 =	vpop (erf);
	(erf) = vpow2.f32 v63  }
0x97: {  	v4 =	vsel vm15, v4, v14;
	v5 =	vld [tilespmem:s10+$0x0];
	v6 =	vadd.f32 v12, v9  }
0x98: {  	s11 =	simm.s32 $0x8;
	v9 =	vmul.f32 $1.442695020e+00, v4;
	v4 =	vmul.f32 v8, v7;
	v7 =	vld [tilespmem:s9+$0x0];
	v8 =	vadd.f32 v11, v10;
	[tilespmem:s2+$0x0] =	vst v15  }
.LBB2_5:
0x99: {  	s11 =	sadd.s32 $0x2, s11  }
0x9a: {  	v10 =	vld [tilespmem:s10+$0xFFFFFFF0];
	s9 =	sadd.s32 $0x20, s9;
	v11 =	vmul.f32 $2.000000030e-01, v6;
	(erf) = vpow2.f32 v9;
	[tilespmem:s2+$0xFFFFFFF0] =	vst v4;
	v12 =	vmov v3;
	s2 =	smov.u32 s8;
	p0 =	slt.u32 s11, $0x7E  }
.Ltmp1:
0x9b: {  	vm0 =	vge.f32 v6, $0.0e+00;
	s8 =	sadd.s32 $0x20, s8;
	v3 =	vld [tilespmem:s9+$0xFFFFFFF0];
	v4 =	vmul.f32 $2.000000030e-01, v8;
	v13 =	vmov v1;
	(pc) =	sbr.rel @p0 .LBB2_5-.Ltmp1, $4  }
0x9c: {  	vm1 =	vge.f32 v8, $0.0e+00;
	v6 =	vsel vm0, v6, v11;
	v1 =	vld [tilespmem:s8+$0xFFFFFFF0];
	v9 =	vpop (erf)  }
0x9d: {  	s10 =	sadd.s32 $0x20, s10;
	v4 =	vsel vm1, v8, v4;
	v11 =	vmul.f32 $1.442695020e+00, v6;
	v14 =	vmul.f32 v9, v2;
	v2 =	vld [tilespmem:s8+$0x0];
	v8 =	vpop (erf)  }
0x9e: {  	v6 =	vadd.f32 v5, v7;
	v5 =	vld [tilespmem:s10+$0x0];
	v9 =	vmul.f32 $1.442695020e+00, v4;
	v4 =	vmul.f32 v8, v13  }
0x9f: {  	v7 =	vld [tilespmem:s9+$0x0];
	v8 =	vadd.f32 v10, v12;
	(erf) = vpow2.f32 v11;
	[tilespmem:s2+$0x0] =	vst v14  }
0xa0: {  	v10 =	vld [tilespmem:s10+$0xFFFFFFF0];
	_ =	sdelay $0x2  }
0xa1: {  	v11 =	vmul.f32 $2.000000030e-01, v6  }
0xa2: {  	(erf) = vpow2.f32 v9;
	v9 =	vmul.f32 $2.000000030e-01, v8;
	v5 =	vadd.f32 v5, v7  }
0xa3: {  	vm0 =	vge.f32 v6, $0.0e+00;
	vm1 =	vge.f32 v8, $0.0e+00;
	v3 =	vadd.f32 v10, v3  }
0xa4: {  	v6 =	vsel vm0, v6, v11;
	v7 =	vsel vm1, v8, v9;
	v8 =	vmul.f32 $2.000000030e-01, v5  }
0xa5: {  	v6 =	vmul.f32 $1.442695020e+00, v6;
	vm8 =	vge.f32 v5, $0.0e+00;
	v9 =	vmul.f32 $2.000000030e-01, v3  }
0xa6: {  	v7 =	vmul.f32 $1.442695020e+00, v7;
	vm9 =	vge.f32 v3, $0.0e+00;
	v5 =	vsel vm8, v5, v8  }
0xa7: {  	(erf) = vpow2.f32 v6;
	v3 =	vsel vm9, v3, v9;
	v5 =	vmul.f32 $1.442695020e+00, v5  }
0xa8: {  	(erf) = vpow2.f32 v7;
	v3 =	vmul.f32 $1.442695020e+00, v3  }
0xa9: {  	s9 =	sadd.s32 $0x20, s8;
	(erf) = vpow2.f32 v5  }
0xaa: {  	v5 =	vld [tilespmem:s9+$0x0];
	(erf) = vpow2.f32 v3  }
0xab: {  	s10 =	sadd.s32 $0x20, s9;
	v3 =	vld [tilespmem:s9+$0xFFFFFFF0]  }
0xac: {  	v6 =	vpop (erf);
	v7 =	vld [tilespmem:s10+$0x0]  }
0xad: {  	s11 =	sadd.s32 $0x20, s10;
	v2 =	vmul.f32 v6, v2;
	v6 =	vld [tilespmem:s10+$0xFFFFFFF0];
	v8 =	vpop (erf)  }
0xae: {  	[tilespmem:s2+$0xFFFFFFF0] =	vst v4;
	v4 =	vpop (erf);
	v1 =	vmul.f32 v8, v1;
	v8 =	vld [tilespmem:s11+$0x0]  }
0xaf: {  	[tilespmem:s8+$0x0] =	vst v2;
	v9 =	vpop (erf);
	v2 =	vmul.f32 v4, v5;
	v4 =	vld [tilespmem:s11+$0xFFFFFFF0]  }
0xb0: {  	[tilespmem:s8+$0xFFFFFFF0] =	vst v1;
	v1 =	vmul.f32 v9, v3;
	v3 =	vpop (erf)  }
0xb1: {  	[tilespmem:s9+$0x0] =	vst v2;
	v2 =	vmul.f32 v3, v7;
	v3 =	vpop (erf)  }
0xb2: {  	[tilespmem:s9+$0xFFFFFFF0] =	vst v1;
	v1 =	vmul.f32 v3, v6;
	v3 =	vpop (erf)  }
0xb3: {  	[tilespmem:s10+$0x0] =	vst v2;
	v2 =	vmul.f32 v3, v8;
	v3 =	vpop (erf)  }
0xb4: {  	[tilespmem:s10+$0xFFFFFFF0] =	vst v1;
	v1 =	vmul.f32 v3, v4  }
0xb5: {  	[tilespmem:s11+$0x0] =	vst v2  }
0xb6: {  	[tilespmem:s11+$0xFFFFFFF0] =	vst v1  }
0xb7: {  	[spmem:s1] =	stream.indirect.scatter.add.f32 [tilespmem:s16], [sflag:$0x7], $0x10, s22, s20, $0xb8;
	[tilespmem:$0x8400] =	vst v63  }
0xb8: {  	_ =	swait.ge [sflag:s17], $0x800  }
0xb9: {  	[sflag:s17] =	ssyncset.done $0x0  }
0xba: {  	p0 =	seq.s32 s21, $0x14;
	[sflag:s17] =	ssyncadd.s32 $0xFFFFF800  }
0xbb: {  	v1 =	vld @!p0 [tilespmem:s23+$0x300];
	_ =	sdelay $0x4  }
0xbc: {  	[tilespmem:$0x0] =	vst @!p0 v1  }
0xbd: {  	v1 =	vld @!p0 [tilespmem:s23+$0x1800];
	_ =	sdelay $0x4  }
0xbe: {  	[tilespmem:$0x100] =	vst @!p0 v1  }
0xbf: {  	v1 =	vld @!p0 [tilespmem:s23+$0x310];
	_ =	sdelay $0x4  }
0xc0: {  	[tilespmem:$0x10] =	vst @!p0 v1  }
0xc1: {  	v1 =	vld @!p0 [tilespmem:s23+$0x1810];
	_ =	sdelay $0x4  }
0xc2: {  	[tilespmem:$0x110] =	vst @!p0 v1  }
0xc3: {  	v1 =	vld @!p0 [tilespmem:s23+$0x320];
	_ =	sdelay $0x4  }
0xc4: {  	[tilespmem:$0x20] =	vst @!p0 v1  }
0xc5: {  	v1 =	vld @!p0 [tilespmem:s23+$0x1820];
	_ =	sdelay $0x4  }
0xc6: {  	[tilespmem:$0x120] =	vst @!p0 v1  }
0xc7: {  	v1 =	vld @!p0 [tilespmem:s23+$0x330];
	_ =	sdelay $0x4  }
0xc8: {  	[tilespmem:$0x30] =	vst @!p0 v1  }
0xc9: {  	v1 =	vld @!p0 [tilespmem:s23+$0x1830];
	_ =	sdelay $0x4  }
0xca: {  	[tilespmem:$0x130] =	vst @!p0 v1  }
0xcb: {  	v1 =	vld @!p0 [tilespmem:s23+$0x340];
	_ =	sdelay $0x4  }
0xcc: {  	[tilespmem:$0x40] =	vst @!p0 v1  }
0xcd: {  	v1 =	vld @!p0 [tilespmem:s23+$0x1840];
	_ =	sdelay $0x4  }
0xce: {  	[tilespmem:$0x140] =	vst @!p0 v1  }
0xcf: {  	v1 =	vld @!p0 [tilespmem:s23+$0x350];
	_ =	sdelay $0x4  }
0xd0: {  	[tilespmem:$0x50] =	vst @!p0 v1  }
0xd1: {  	v1 =	vld @!p0 [tilespmem:s23+$0x1850];
	_ =	sdelay $0x4  }
0xd2: {  	[tilespmem:$0x150] =	vst @!p0 v1  }
0xd3: {  	v1 =	vld @!p0 [tilespmem:s23+$0x360];
	_ =	sdelay $0x4  }
0xd4: {  	[tilespmem:$0x60] =	vst @!p0 v1  }
0xd5: {  	v1 =	vld @!p0 [tilespmem:s23+$0x1860];
	_ =	sdelay $0x4  }
0xd6: {  	[tilespmem:$0x160] =	vst @!p0 v1  }
0xd7: {  	v1 =	vld @!p0 [tilespmem:s23+$0x370];
	_ =	sdelay $0x4  }
0xd8: {  	[tilespmem:$0x70] =	vst @!p0 v1  }
0xd9: {  	v1 =	vld @!p0 [tilespmem:s23+$0x1870];
	_ =	sdelay $0x4  }
0xda: {  	s2 =	simm.s32 @!p0 $0x80;
	s8 =	simm.s32 @!p0 $0x0;
	s9 =	simm.s32 @!p0 $0x2C00;
	[tilespmem:$0x170] =	vst @!p0 v1  }
0xdb: {  	[tilespmem:s9], [sflag:$0x1] =	stream.indirect.gather @!p0 [hbm4b:s4+s2], $0x10, s8, s2, $0xb8;
	[tilespmem:$0x8400] =	vst v63  }
0xdc: {  	s9 =	simm.s32 @!p0 $0x3C00  }
0xdd: {  	[tilespmem:s9], [sflag:$0x3] =	stream.indirect.gather @!p0 [hbm4b:s5+s2], $0x10, s8, s2, $0xb8;
	[tilespmem:$0x8400] =	vst v63  }
0xde: {  	s8 =	simm.s32 @!p0 $0x100;
	s9 =	simm.s32 @!p0 $0x4C00  }
0xdf: {  	[tilespmem:s9], [sflag:$0x5] =	stream.indirect.gather @!p0 [hbm4b:s6+s2], $0x10, s8, s2, $0xb8;
	[tilespmem:$0x8400] =	vst v63  }
0xe0: {  	_ =	swait.ge [sflag:s0], $0x800  }
0xe1: {  	[sflag:s0] =	ssyncset.done $0x0  }
0xe2: {  	[sflag:s0] =	ssyncadd.s32 $0xFFFFF800  }
0xe3: {  	_ =	swait.ge [sflag:s18], $0x800  }
0xe4: {  	[sflag:s18] =	ssyncset.done $0x0  }
0xe5: {  	[sflag:s18] =	ssyncadd.s32 $0xFFFFF800  }
0xe6: {  	_ =	swait.ge [sflag:s19], $0x800  }
0xe7: {  	[sflag:s19] =	ssyncset.done $0x0  }
0xe8: {  	s9 =	simm.s32 $0x5410;
	[sflag:s19] =	ssyncadd.s32 $0xFFFFF800  }
0xe9: {  	s10 =	simm.s32 $0x4410;
	v1 =	vld [tilespmem:s9+$0x0]  }
0xea: {  	v2 =	vld [tilespmem:s10+$0x0]  }
0xeb: {  	v3 =	vld [tilespmem:s10+$0xFFFFFFF0]  }
0xec: {  	v4 =	vld [tilespmem:s9+$0xFFFFFFF0];
	_ =	sdelay $0x2  }
0xed: {  	s23 =	simm.s32 $0x5430  }
0xee: {  	s11 =	simm.s32 $0x4430;
	v5 =	vld [tilespmem:s23+$0x0];
	v1 =	vadd.f32 v1, v2  }
0xef: {  	v6 =	vld [tilespmem:s11+$0x0];
	v3 =	vadd.f32 v4, v3  }
0xf0: {  	v7 =	vld [tilespmem:s23+$0xFFFFFFF0];
	s9 =	simm.s32 $0x4450;
	v4 =	vmul.f32 $2.000000030e-01, v1  }
0xf1: {  	v9 =	vld [tilespmem:s9+$0x0];
	vm10 =	vge.f32 v1, $0.0e+00;
	v8 =	vmul.f32 $2.000000030e-01, v3  }
0xf2: {  	s10 =	simm.s32 $0x5450;
	v2 =	vld [tilespmem:s11+$0xFFFFFFF0];
	vm11 =	vge.f32 v3, $0.0e+00;
	v1 =	vsel vm10, v1, v4  }
0xf3: {  	v3 =	vsel vm11, v3, v8;
	v8 =	vld [tilespmem:s10+$0x0];
	v1 =	vmul.f32 $1.442695020e+00, v1;
	_ =	sdelay $0x1  }
0xf4: {  	v4 =	vld [tilespmem:s9+$0xFFFFFFF0];
	v3 =	vmul.f32 $1.442695020e+00, v3;
	(erf) = vpow2.f32 v1  }
0xf5: {  	v5 =	vadd.f32 v5, v6;
	v1 =	vld [tilespmem:s10+$0xFFFFFFF0]  }
0xf6: {  	s23 =	simm.s32 $0x5470;
	v2 =	vadd.f32 v7, v2;
	(erf) = vpow2.f32 v3  }
0xf7: {  	s2 =	simm.s32 $0x3410;
	v12 =	vld [tilespmem:s23+$0x0];
	v3 =	vmul.f32 $2.000000030e-01, v5;
	v8 =	vadd.f32 v8, v9  }
0xf8: {  	s11 =	simm.s32 $0x4470;
	v6 =	vld [tilespmem:s2+$0x0];
	vm12 =	vge.f32 v5, $0.0e+00;
	v11 =	vmul.f32 $2.000000030e-01, v2  }
0xf9: {  	v10 =	vld [tilespmem:s11+$0xFFFFFFF0];
	vm13 =	vge.f32 v2, $0.0e+00;
	v3 =	vsel vm12, v5, v3;
	v5 =	vmul.f32 $2.000000030e-01, v8  }
0xfa: {  	v7 =	vld [tilespmem:s2+$0xFFFFFFF0];
	v4 =	vadd.f32 v1, v4;
	v1 =	vsel vm13, v2, v11;
	v2 =	vmul.f32 $1.442695020e+00, v3  }
0xfb: {  	v9 =	vld [tilespmem:s11+$0x0];
	vm14 =	vge.f32 v8, $0.0e+00;
	v13 =	vmul.f32 $1.442695020e+00, v1  }
0xfc: {  	s9 =	simm.s32 $0x4490;
	v11 =	vld [tilespmem:s23+$0xFFFFFFF0];
	(erf) = vpow2.f32 v2;
	v2 =	vsel vm14, v8, v5  }
0xfd: {  	s8 =	simm.s32 $0x3430;
	v3 =	vld [tilespmem:s9+$0xFFFFFFF0];
	v63 =	vmul.f32 $1.442695020e+00, v2;
	v5 =	vpop (erf);
	(erf) = vpow2.f32 v13  }
0xfe: {  	v1 =	vld [tilespmem:s8+$0xFFFFFFF0];
	v14 =	vmul.f32 $2.000000030e-01, v4  }
0xff: {  	s10 =	simm.s32 $0x5490;
	vm15 =	vge.f32 v4, $0.0e+00;
	v2 =	vld [tilespmem:s8+$0x0];
	v15 =	vmul.f32 v5, v6;
	v8 =	vpop (erf);
	(erf) = vpow2.f32 v63  }
0x100: {  	v4 =	vsel vm15, v4, v14;
	v5 =	vld [tilespmem:s10+$0x0];
	v6 =	vadd.f32 v12, v9  }
0x101: {  	s11 =	simm.s32 $0x8;
	v9 =	vmul.f32 $1.442695020e+00, v4;
	v4 =	vmul.f32 v8, v7;
	v7 =	vld [tilespmem:s9+$0x0];
	v8 =	vadd.f32 v11, v10;
	[tilespmem:s2+$0x0] =	vst v15  }
.LBB2_7:
0x102: {  	s11 =	sadd.s32 $0x2, s11  }
0x103: {  	v10 =	vld [tilespmem:s10+$0xFFFFFFF0];
	s9 =	sadd.s32 $0x20, s9;
	v11 =	vmul.f32 $2.000000030e-01, v6;
	(erf) = vpow2.f32 v9;
	[tilespmem:s2+$0xFFFFFFF0] =	vst v4;
	v12 =	vmov v3;
	s2 =	smov.u32 s8;
	p0 =	slt.u32 s11, $0x7E  }
.Ltmp2:
0x104: {  	vm0 =	vge.f32 v6, $0.0e+00;
	s8 =	sadd.s32 $0x20, s8;
	v3 =	vld [tilespmem:s9+$0xFFFFFFF0];
	v4 =	vmul.f32 $2.000000030e-01, v8;
	v13 =	vmov v1;
	(pc) =	sbr.rel @p0 .LBB2_7-.Ltmp2, $4  }
0x105: {  	vm1 =	vge.f32 v8, $0.0e+00;
	v6 =	vsel vm0, v6, v11;
	v1 =	vld [tilespmem:s8+$0xFFFFFFF0];
	v9 =	vpop (erf)  }
0x106: {  	s10 =	sadd.s32 $0x20, s10;
	v4 =	vsel vm1, v8, v4;
	v11 =	vmul.f32 $1.442695020e+00, v6;
	v14 =	vmul.f32 v9, v2;
	v2 =	vld [tilespmem:s8+$0x0];
	v8 =	vpop (erf)  }
0x107: {  	v6 =	vadd.f32 v5, v7;
	v5 =	vld [tilespmem:s10+$0x0];
	v9 =	vmul.f32 $1.442695020e+00, v4;
	v4 =	vmul.f32 v8, v13  }
0x108: {  	v7 =	vld [tilespmem:s9+$0x0];
	v8 =	vadd.f32 v10, v12;
	(erf) = vpow2.f32 v11;
	[tilespmem:s2+$0x0] =	vst v14  }
0x109: {  	v10 =	vld [tilespmem:s10+$0xFFFFFFF0];
	_ =	sdelay $0x2  }
0x10a: {  	v11 =	vmul.f32 $2.000000030e-01, v6  }
0x10b: {  	(erf) = vpow2.f32 v9;
	v51 =	vmul.f32 $2.000000030e-01, v8;
	v5 =	vadd.f32 v5, v7  }
0x10c: {  	vm0 =	vge.f32 v6, $0.0e+00;
	vm1 =	vge.f32 v8, $0.0e+00;
	v3 =	vadd.f32 v10, v3  }
0x10d: {  	v6 =	vsel vm0, v6, v11;
	v52 =	vsel vm1, v8, v51;
	v53 =	vmul.f32 $2.000000030e-01, v5  }
0x10e: {  	v6 =	vmul.f32 $1.442695020e+00, v6;
	vm14 =	vge.f32 v5, $0.0e+00;
	v54 =	vmul.f32 $2.000000030e-01, v3  }
0x10f: {  	v7 =	vmul.f32 $1.442695020e+00, v52;
	vm15 =	vge.f32 v3, $0.0e+00;
	v5 =	vsel vm14, v5, v53  }
0x110: {  	(erf) = vpow2.f32 v6;
	v3 =	vsel vm15, v3, v54;
	v5 =	vmul.f32 $1.442695020e+00, v5  }
0x111: {  	(erf) = vpow2.f32 v7;
	v3 =	vmul.f32 $1.442695020e+00, v3  }
0x112: {  	s9 =	sadd.s32 $0x20, s8;
	(erf) = vpow2.f32 v5  }
0x113: {  	v55 =	vld [tilespmem:s9+$0x0];
	(erf) = vpow2.f32 v3  }
0x114: {  	s23 =	sadd.s32 $0x20, s9;
	v3 =	vld [tilespmem:s9+$0xFFFFFFF0]  }
0x115: {  	v56 =	vpop (erf);
	v57 =	vld [tilespmem:s23+$0x0]  }
0x116: {  	v2 =	vmul.f32 v56, v2;
	v59 =	vld [tilespmem:s23+$0xFFFFFFF0];
	s11 =	sadd.s32 $0x20, s23;
	v58 =	vpop (erf)  }
0x117: {  	[tilespmem:s2+$0xFFFFFFF0] =	vst v4;
	v61 =	vld [tilespmem:s11+$0x0];
	v1 =	vmul.f32 v58, v1;
	v60 =	vpop (erf)  }
0x118: {  	v63 =	vld [tilespmem:s11+$0xFFFFFFF0];
	[tilespmem:s8+$0x0] =	vst v2;
	v62 =	vpop (erf);
	v2 =	vmul.f32 v60, v55  }
0x119: {  	[tilespmem:s8+$0xFFFFFFF0] =	vst v1;
	v1 =	vmul.f32 v62, v3;
	v3 =	vpop (erf)  }
0x11a: {  	[tilespmem:s9+$0x0] =	vst v2;
	v2 =	vmul.f32 v3, v57;
	v3 =	vpop (erf)  }
0x11b: {  	[tilespmem:s9+$0xFFFFFFF0] =	vst v1;
	v1 =	vmul.f32 v3, v59;
	v3 =	vpop (erf)  }
0x11c: {  	[tilespmem:s23+$0x0] =	vst v2;
	v2 =	vmul.f32 v3, v61;
	v3 =	vpop (erf)  }
0x11d: {  	s21 =	sadd.s32 $0x1, s21;
	[tilespmem:s23+$0xFFFFFFF0] =	vst v1;
	v1 =	vmul.f32 v3, v63  }
0x11e: {  	p0 =	sne.s32 s21, $0x15;
	[tilespmem:s11+$0x0] =	vst v2  }
.Ltmp3:
0x11f: {  	[tilespmem:s11+$0xFFFFFFF0] =	vst v1;
	(pc) =	sbr.rel @p0 .LBB2_4-.Ltmp3, $4  }
0x120: {  	[spmem:s1] =	stream.indirect.scatter.add.f32 [tilespmem:s24], [sflag:$0x7], $0x10, s26, s20, $0xb8;
	[tilespmem:$0x8400] =	vst v63  }
0x121: {  	_ =	swait.ge [sflag:s17], $0x800  }
0x122: {  	[sflag:s17] =	ssyncset.done $0x0  }
0x123: {  	[sflag:s17] =	ssyncadd.s32 $0xFFFFF800  }
0x124: {  	s2 =	stileid.u32;
	s3 =	sadd.s32 $0x1, s3  }
0x125: {  	[bflag:$0x0] =	sbarrier.arrive $0xFFFF;
	s2 =	sshll.u32 s2, $0x6;
	p0 =	sne.s32 s3, s14  }
.Ltmp4:
0x126: {  	s8 =	sshrl.u32 s7, $0x3;
	s2 =	sor.u32 $0x1C07, s2;
	(pc) =	sbr.rel @p0 .LBB2_1-.Ltmp4, $4  }
0x127: {  	[hbm:s15], [sflag:s2] =	dma.local [spmem:s8], $0x500  }
0x128: {  	_ =	swait.ge [sflag:s17], $0x500  }
0x129: {  	[sflag:s17] =	ssyncset.done $0x0  }
0x12a: {  	[sflag:s17] =	ssyncadd.s32 $0xFFFFFB00  }
0x12b: {  	_ =	sfence.sel $0x180000  }
0x12c: {  	[bflag:$0x0] =	sbarrier.arrive $0xFFFF  }
0x12d: {  	_ =	strace $0x9000004A  }
0x12e: {  	s0 =	stileid.u32;
	[bflag:$0x2] =	sbarrier.arrive $0xFFFF  }
0x12f: {  	p0 =	sne.s32 s0, $0x0;
	s0 =	rddreg [dreg:$0x2]  }
0x130: {  	s0 =	sadd.s32 @!p0 $0x100000, s0  }
0x131: {  	[sflag:s0] =	ssyncadd.tile.s32 @!p0 $0x1;
	_ =	shalt  }
.Lfunc_end2:
_tile_overlayer_lowered:
.L_overlay_start_2:
0x132: {  	(tag) =	ssettag $0x2  }
0x133: {  	s0 =	rddreg [dreg:$0x0];
	s2 =	stileid.u32  }
0x134: {  	s1 =	rddreg [dreg:$0x1];
	p0 =	sne.s32 s2, $0x0  }
0x135: {  	s3 =	rddreg [dreg:$0x2];
	[bflag:$0x3] =	sbarrier.arrive $0xFFFF;
	s2 =	simm.s32 @!p0 $0x1C07  }
0x136: {  	[timem:s3], [sflag:s2] =	dma.local @!p0 [hbm:s0], s1  }
0x137: {  	s0 =	simm.s32 @!p0 $0x7  }
0x138: {  	_ =	swait.ge @!p0 [sflag:s0], s1  }
0x139: {  	s1 =	ssub.s32 @!p0 $0x0, s1;
	[sflag:s0] =	ssyncset.done @!p0 $0x0  }
0x13a: {  	[sflag:s0] =	ssyncadd.s32 @!p0 s1  }
0x13b: {  	[bflag:$0x3] =	sbarrier.arrive $0xFFFF  }
0x13c: {  	_ =	shalt  }

// kernel: kernel.7.cloned.1.call-start
scs
__scs_entry_jumppad:
0x0: {  	(pc) =	sbr.rel $0x88, $3  }
0x1: {  	(tag) =	ssettag $0x0;
	lr =	simm.s32 $0x1  }
0x2: {  	[smem:$0x3F97] =	sst lr;
	_ =	strace $0xD0000000  }
0x3: {  	_ = 	snop  }
0x4: {  	_ = 	snop  }
0x5: {  	_ = 	snop  }
0x6: {  	_ = 	snop  }
0x7: {  	_ = 	snop  }
__scs_overlays_trampoline_lowered:
0x8: {  	[smem:$0x3FA6] =	sst s0  }
0x9: {  	[smem:$0x3FA7] =	sst s1  }
0xa: {  	[smem:$0x3FA8] =	sst s2  }
0xb: {  	[smem:$0x3FA9] =	sst s3  }
0xc: {  	[smem:$0x3FAA] =	sst s4  }
0xd: {  	[smem:$0x3FAB] =	sst s5  }
0xe: {  	[smem:$0x3FAC] =	sst s6  }
0xf: {  	[smem:$0x3FAD] =	sst s7  }
0x10: {  	[smem:$0x3FAE] =	sst s8  }
0x11: {  	[smem:$0x3FAF] =	sst s9;
	s0 =	simm.s32 @!p0 $0x0  }
0x12: {  	s1 =	sld [smem:$0x3F95];
	s0 =	simm.s32 @p0 $0x1  }
0x13: {  	[smem:$0x3FB0] =	sst s0;
	s0 =	simm.s32 @!p1 $0x0  }
0x14: {  	s2 =	sld [smem:$0x3F94];
	s0 =	simm.s32 @p1 $0x1  }
0x15: {  	[smem:$0x3FB1] =	sst s0;
	s0 =	simm.s32 @!p2 $0x0  }
0x16: {  	s3 =	sld [smem:$0x3FDB];
	s0 =	simm.s32 @p2 $0x1  }
0x17: {  	s4 =	simm.s32 $0x1BF5;
	[smem:$0x3FB3] =	sst s0  }
0x18: {  	s0 =	sld [smem:$0x3F96];
	_ =	swait.ge [sflag:s4], $0x0  }
0x19: {  	s7 =	sld [smem:$0x3F97]  }
0x1a: {  	s8 =	sadd.s32 $0xFFFFE003, lr  }
0x1b: {  	s9 =	sadd.s32 $0xFFFFFEF7, lr;
	s5 =	simm.s32 $0xFFFFFFFF;
	p2 =	slt.u32 s8, $0xFFFFF086  }
0x1c: {  	p1 =	slt.u32 s9, $0xF7A;
	s5 =	simm.s32 @!p2 $0x0  }
0x1d: {  	s5 =	simm.s32 @p1 $0x1;
	p0 =	seq.s32 s7, s2  }
0x1e: {  	s7 =	smul.u32 @!p0 $0xF7A, s2;
	p2 =	seq.s32 @!p0 s5, $0x0  }
0x1f: {  	s9 =	smul.u32 $0xF7A, s1;
	s8 =	simm.s32 @!p0 $0x1BF5;
	p2 =	por !p2, p0  }
0x20: {  	[sflag:s8] =	ssyncset.s32 @!p0 $0xFFFFF086;
	s6 =	sadd.s32 @!p0 s3, s7;
	s7 =	simm.s32 @!p0 $0x108  }
0x21: {  	s3 =	sadd.s32 s3, s9;
	s6 =	sadd.s32 @!p0 $0x88, s6;
	s7 =	simm.s32 @p2 $0x1082  }
0x22: {  	[simem:s7], [sflag:s8] =	dma.local @!p0 [hbm:s6], $0xF7A  }
0x23: {  	s9 =	sor.u32 $0xD0000000, s2;
	s6 =	simm.s32 $0x108;
	_ =	swait.ge @!p0 [sflag:s8], $0x0  }
0x24: {  	s3 =	sadd.s32 $0x88, s3;
	s6 =	simm.s32 @!p1 $0x1082;
	[sflag:s4] =	ssyncset.s32 $0xFFFFF086  }
0x25: {  	[simem:s6], [sflag:s4] =	dma.local [hbm:s3], $0xF7A  }
0x26: {  	[smem:$0x3F97] =	sst s1;
	(tag) =	ssettag s2;
	_ =	strace s9  }
0x27: {  	s1 =	sld [smem:$0x3FA7]  }
0x28: {  	s2 =	sld [smem:$0x3FA8]  }
0x29: {  	s4 =	sld [smem:$0x3FAA]  }
0x2a: {  	p0 =	seq.s32 s5, $0x0;
	s5 =	sld [smem:$0x3FAB]  }
0x2b: {  	s6 =	sld [smem:$0x3FAC]  }
0x2c: {  	s7 =	sld [smem:$0x3FAD]  }
0x2d: {  	s3 =	simm.s32 $0x108;
	s8 =	sld [smem:$0x3FAE]  }
0x2e: {  	s3 =	simm.s32 @!p0 $0x1082;
	s9 =	sld [smem:$0x3FAF]  }
0x2f: {  	lr =	sadd.s32 s0, s3;
	s0 =	sld [smem:$0x3FA6]  }
0x30: {  	s3 =	sld [smem:$0x3FA9]  }
0x31: {  	[smem:$0x3FB2] =	sst s10  }
0x32: {  	s10 =	sld [smem:$0x3FB0];
	_ =	sdelay $0x3  }
0x33: {  	p0 =	seq.s32 s10, $0x1;
	s10 =	sld [smem:$0x3FB2];
	_ =	sdelay $0x3  }
0x34: {  	[smem:$0x3FB2] =	sst s10  }
0x35: {  	s10 =	sld [smem:$0x3FB1];
	_ =	sdelay $0x3  }
0x36: {  	p1 =	seq.s32 s10, $0x1;
	s10 =	sld [smem:$0x3FB2];
	_ =	sdelay $0x3  }
0x37: {  	[smem:$0x3FB2] =	sst s10  }
0x38: {  	s10 =	sld [smem:$0x3FB3]  }
0x39: {  	_ = 	snop;
	(pc) =	sbr.ind lr, $3  }
0x3a: {  	_ = 	snop  }
0x3b: {  	_ = 	snop  }
0x3c: {  	p2 =	seq.s32 s10, $0x1;
	s10 =	sld [smem:$0x3FB2]  }
0x3d: {  	_ =	shalt  }
0x3e: {  	_ =	shalt  }
0x3f: {  	_ =	shalt  }
0x40: {  	_ =	shalt  }
0x41: {  	_ =	shalt  }
0x42: {  	_ =	shalt  }
0x43: {  	_ =	shalt  }
0x44: {  	_ =	shalt  }
0x45: {  	_ =	shalt  }
0x46: {  	_ =	shalt  }
0x47: {  	_ =	shalt  }
0x48: {  	_ =	shalt  }
0x49: {  	_ =	shalt  }
0x4a: {  	_ =	shalt  }
0x4b: {  	_ =	shalt  }
0x4c: {  	_ =	shalt  }
0x4d: {  	_ =	shalt  }
0x4e: {  	_ =	shalt  }
0x4f: {  	_ =	shalt  }
0x50: {  	_ =	shalt  }
0x51: {  	_ =	shalt  }
0x52: {  	_ =	shalt  }
0x53: {  	_ =	shalt  }
0x54: {  	_ =	shalt  }
0x55: {  	_ =	shalt  }
0x56: {  	_ =	shalt  }
0x57: {  	_ =	shalt  }
0x58: {  	_ =	shalt  }
0x59: {  	_ =	shalt  }
0x5a: {  	_ =	shalt  }
0x5b: {  	_ =	shalt  }
0x5c: {  	_ =	shalt  }
0x5d: {  	_ =	shalt  }
0x5e: {  	_ =	shalt  }
0x5f: {  	_ =	shalt  }
0x60: {  	_ =	shalt  }
0x61: {  	_ =	shalt  }
0x62: {  	_ =	shalt  }
0x63: {  	_ =	shalt  }
0x64: {  	_ =	shalt  }
0x65: {  	_ =	shalt  }
0x66: {  	_ =	shalt  }
0x67: {  	_ =	shalt  }
0x68: {  	_ =	shalt  }
0x69: {  	_ =	shalt  }
0x6a: {  	_ =	shalt  }
0x6b: {  	_ =	shalt  }
0x6c: {  	_ =	shalt  }
0x6d: {  	_ =	shalt  }
0x6e: {  	_ =	shalt  }
0x6f: {  	_ =	shalt  }
0x70: {  	_ =	shalt  }
0x71: {  	_ =	shalt  }
0x72: {  	_ =	shalt  }
0x73: {  	_ =	shalt  }
0x74: {  	_ =	shalt  }
0x75: {  	_ =	shalt  }
0x76: {  	_ =	shalt  }
0x77: {  	_ =	shalt  }
0x78: {  	_ =	shalt  }
0x79: {  	_ =	shalt  }
0x7a: {  	_ =	shalt  }
0x7b: {  	_ =	shalt  }
0x7c: {  	_ =	shalt  }
0x7d: {  	_ =	shalt  }
0x7e: {  	_ =	shalt  }
0x7f: {  	_ =	shalt  }
0x80: {  	_ =	shalt  }
0x81: {  	_ =	shalt  }
0x82: {  	_ =	shalt  }
0x83: {  	_ =	shalt  }
0x84: {  	_ =	shalt  }
0x85: {  	_ =	shalt  }
0x86: {  	_ =	shalt  }
0x87: {  	_ =	shalt  }
.Lfunc_end0:
.L_simem_size_0:
called_computation_lowered:
.L_overlay_start_0:
0x88: {  	s2 =	sld [smem:$0x3FD9]  }
0x89: {  	s3 =	sld [smem:$0x3FFE];
	_ =	sdelay $0x1  }
0x8a: {  	s1 =	srdreg.scid  }
0x8b: {  	s0 =	sand.u32 $0x1, s1  }
0x8c: {  	s16 =	sshll.u32 s0, $0xA;
	s2 =	sadd.s32 s3, s2  }
0x8d: {  	s2 =	sadd.s32 s2, s16  }
0x8e: {  	[smem:$0x3FBE] =	sst s2  }
0x8f: {  	_ = 	snop  }
0x90: {  	(tm) =	ssettm $0x1  }
0x91: {  	s17 =	sld [smem:$0x3FFB];
	_ =	sdelay $0x3  }
0x92: {  	_ =	strace s17  }
0x93: {  	s2 =	sld [smem:$0x3FFC];
	_ =	sdelay $0x3  }
0x94: {  	_ =	strace s2  }
0x95: {  	s2 =	sld [smem:$0x3FFD];
	_ =	sdelay $0x3  }
0x96: {  	_ =	strace s2  }
0x97: {  	_ =	strace $0x8FFFFFFF  }
0x98: {  	s18 =	sld [smem:$0x3FDB];
	_ =	sdelay $0x1  }
0x99: {  	s19 =	simm.s32 $_scs_section_size  }
0x9a: {  	s4 =	simm.s32 $_size__tile_overlayer_lowered;
	s5 =	simm.s32 $_tile_overlayer_lowered  }
0x9b: {  	s22 =	simm.s32 $0x1BFF;
	s21 =	sshll.u32 s5, $0x1;
	s2 =	sadd.s32 s19, s18  }
0x9c: {  	s6 =	simm.s32 $0x0;
	s20 =	sshll.u32 s4, $0x1;
	s4 =	sadd.s32 s21, s2  }
0x9d: {  	[timem:s6], [sflag:s22] =	dma.local [hbm:s4], s20  }
0x9e: {  	_ =	swait.ge [sflag:s22], s20  }
0x9f: {  	s3 =	ssub.s32 $0x0, s20;
	[sflag:s22] =	ssyncset.done $0x0  }
0xa0: {  	[sflag:s22] =	ssyncadd.s32 s3;
	_ =	sdelay $0x1  }
0xa1: {  	s23 =	simm.s32 $0x1B8B  }
0xa2: {  	_ =	swait.ge [sflag:s23], $0x1  }
0xa3: {  	[sflag:s23] =	ssyncset.done $0x0  }
0xa4: {  	s25 =	simm.s32 $0x1B8E;
	s24 =	sld [smem:$0x3FFE];
	[sflag:s23] =	ssyncadd.s32 $0xFFFFFFFF  }
0xa5: {  	s26 =	simm.s32 $execute0_lowered;
	[smem:$0x3FD2] =	sst s25  }
0xa6: {  	s4 =	sshll.u32 s26, $0x1;
	_ =	strace $0x80000046;
	[dreg:$0x1] =	wrdreg $0xFFFFFFFF  }
0xa7: {  	s28 =	simm.s32 $_size_execute0_lowered;
	s2 =	sadd.s32 s2, s4;
	[dreg:$0x0] =	wrdreg $0x0  }
0xa8: {  	s4 =	sshll.u32 s28, $0x1;
	[dreg:$0x2] =	wrdreg s2  }
0xa9: {  	[dreg:$0x3] =	wrdreg s4  }
0xaa: {  	[dreg:$0x4] =	wrdreg $0xC0  }
0xab: {  	_ =	task [dreg:s6], $0x5FFFF  }
0xac: {  	[dreg:$0x1] =	wrdreg $0xFFFFFFFF  }
0xad: {  	[dreg:$0x0] =	wrdreg $0x60  }
0xae: {  	[dreg:$0x2] =	wrdreg s24  }
0xaf: {  	[dreg:$0x3] =	wrdreg $0x9C000  }
0xb0: {  	[dreg:$0x4] =	wrdreg $0x9  }
0xb1: {  	_ =	task.clear_ibuf [dreg:s6], $0x5FFFF;
	_ =	strace $0x90000046  }
0xb2: {  	s29 =	simm.s32 $0x9;
	_ =	strace $0x80000048  }
0xb3: {  	_ =	swait.ge [sflag:s29], $0x1  }
0xb4: {  	[sflag:s29] =	ssyncadd.s32 $0xFFFFFFFF  }
0xb5: {  	_ =	strace $0x90000048  }
0xb6: {  	_ =	sfence  }
0xb7: {  	s30 =	sld [smem:$0x0];
	_ =	sdelay $0x2  }
0xb8: {  	s31 =	sshll.u32 s1, $0xD;
	s1 =	sshrl.u32 s1, $0x2  }
0xb9: {  	s3 =	sand.u32 $0x4000, s31;
	s1 =	sadd.s32 s1, s30  }
0xba: {  	s0 =	sor.u32 s3, s0;
	s1 =	sshll.u32 s1, $0x11  }
0xbb: {  	s0 =	sor.u32 s1, s0  }
0xbc: {  	s0 =	sadd.s32 $0x8F2B, s0  }
0xbd: {  	[sflag:s0] =	ssyncadd.remote.s32 $0x1  }
0xbe: {  	_ =	sfence.sel $0xFFFF  }
0xbf: {  	[dreg:$0x0] =	wrdreg $0xFFFFFFFF;
	(pc) =	sbr.abs _section_cstart, $3  }
0xc0: {  	[dreg:$0x1] =	wrdreg $0xFFFFFFFF  }
0xc1: {  	_ =	task.clear_ibuf [dreg:s6], $0x2FFFF;
	_ =	strace $0x9FFFFFFF  }
0xc2: {  	(tm) =	ssettm $0x7FFFFFFF  }
0xc3: {  	_ =	shalt  }
tec
execute0_lowered:
.L_overlay_start_1:
0x0: {  	(tag) =	ssettag $0x1  }
0x1: {  	s0 =	rddreg [dreg:$0x0]  }
0x2: {  	s2 =	rddreg [dreg:$0x1]  }
0x3: {  	s3 =	simm.s32 $0x0;
	s1 =	srdreg.scid;
	s9 =	stileid.u32  }
0x4: {  	s15 =	simm.s32 $0x2C00;
	s16 =	simm.s32 $0x7;
	s19 =	simm.s32 $0x80  }
0x5: {  	s21 =	simm.s32 $0x100;
	s28 =	simm.s32 $0x1;
	s29 =	simm.s32 $0x3  }
0x6: {  	s30 =	simm.s32 $0x5;
	s31 =	simm.s32 $0x2;
	s17 =	simm.s32 $0x6  }
0x7: {  	[smem:$0x7FF] =	sst s3;
	s1 =	sand.u32 $0x1, s1;
	s7 =	smul.u32 $0x32000, s9  }
0x8: {  	s4 =	sshll.u32 s9, $0x1;
	s5 =	sadd.s32 $0x1B400, s0;
	s9 =	smul.u32 $0xC800, s9  }
0x9: {  	_ =	strace $0x80000047;
	s6 =	sor.u32 s1, s4;
	s4 =	sadd.s32 $0x2400, s0  }
0xa: {  	s8 =	ssub.s32 $0x2, s1;
	p0 =	seq.s32 s1, $0x1;
	s1 =	simm.s32 $0x2AC00  }
0xb: {  	s6 =	smul.u32 $0x2A0, s6;
	s7 =	sshrl.u32 s7, $0x2;
	s23 =	sshrl.u32 s8, $0x1  }
0xc: {  	s1 =	simm.s32 @!p0 $0x43C00;
	s26 =	sshrl.u32 s9, $0x3;
	s7 =	sadd.s32 s7, s2  }
0xd: {  	s8 =	ssub.s32 s8, s23;
	s23 =	simm.s32 $0x5400;
	s11 =	sadd.s32 $0x2800, s7  }
0xe: {  	s10 =	sadd.s32 s6, s0;
	s24 =	sadd.s32 $0x5000, s7;
	[dreg:$0x3] =	wrdreg s11  }
0xf: {  	s6 =	sadd.s32 s9, s2;
	s25 =	sadd.s32 $0x7800, s7;
	[dreg:$0x4] =	wrdreg s24  }
0x10: {  	s7 =	sadd.s32 $0xA000, s7;
	s0 =	sadd.s32 s1, s0;
	[dreg:$0x5] =	wrdreg s25  }
0x11: {  	v2 =	vlaneseq.u32;
	s13 =	smax.u32 s8, $0x1;
	[dreg:$0x6] =	wrdreg s7;
	s11 =	sadd.s32 $0x20400, s10  }
0x12: {  	v0 =	vimm.f32 $0.0e+00;
	v1 =	vor.u32 $0x8, v2;
	v2 =	vshrl.u32 v2, $0x3;
	s12 =	sadd.s32 $0x25800, s10;
	s14 =	sadd.s32 s0, s26;
	s24 =	simm.s32 $0x8400  }
0x13: {  	v3 =	vor.u32 $0x2, v2;
	v4 =	vor.u32 $0x4, v2;
	v5 =	vor.u32 $0x6, v2;
	s25 =	simm.s32 $0x180;
	s26 =	simm.s32 $0x9400;
	s0 =	simm.s32 $0x4  }
.LBB2_1:
0x14: {  	s7 =	simm.s32 $0x140;
	s1 =	simm.s32 $0x0  }
.LBB2_2:
0x15: {  	p0 =	sne.s32 s7, $0x9EC0;
	[tilespmem:s1+$0x2C40] =	vst v0;
	s8 =	smov.u32 s7;
	s7 =	sadd.s32 $0x140, s7  }
.Ltmp0:
0x16: {  	[tilespmem:s1+$0x2C30] =	vst v0;
	(pc) =	sbr.rel @p0 .LBB2_2-.Ltmp0, $4  }
0x17: {  	[tilespmem:s1+$0x2C20] =	vst v0  }
0x18: {  	[tilespmem:s1+$0x2C00] =	vst v0  }
0x19: {  	[tilespmem:s1+$0x2C10] =	vst v0  }
0x1a: {  	s1 =	sshra.s32 s8, $0x2  }
0x1b: {  	[tilespmem:s1+$0x2C40] =	vst v0  }
0x1c: {  	[tilespmem:s1+$0x2C30] =	vst v0  }
0x1d: {  	[tilespmem:s1+$0x2C20] =	vst v0  }
0x1e: {  	[tilespmem:s1+$0x2C00] =	vst v0  }
0x1f: {  	[tilespmem:s1+$0x2C10] =	vst v0  }
0x20: {  	[spmem:s6] =	stream.linear.scatter [tilespmem:s15], [sflag:$0x7], $0x2800, $0x38;
	[tilespmem:$0x16400] =	vst v63  }
0x21: {  	_ =	swait.ge [sflag:s16], $0x2800  }
0x22: {  	[sflag:s16] =	ssyncset.done $0x0  }
0x23: {  	s20 =	rddreg [dreg:$0x3];
	[sflag:s16] =	ssyncadd.s32 $0xFFFFD800  }
0x24: {  	[spmem:s20] =	stream.linear.scatter [tilespmem:s15], [sflag:$0x7], $0x2800, $0x38;
	[tilespmem:$0x16400] =	vst v63  }
0x25: {  	_ =	swait.ge [sflag:s16], $0x2800  }
0x26: {  	[sflag:s16] =	ssyncset.done $0x0  }
0x27: {  	s22 =	rddreg [dreg:$0x4];
	[sflag:s16] =	ssyncadd.s32 $0xFFFFD800  }
0x28: {  	[spmem:s22] =	stream.linear.scatter [tilespmem:s15], [sflag:$0x7], $0x2800, $0x38;
	[tilespmem:$0x16400] =	vst v63  }
0x29: {  	_ =	swait.ge [sflag:s16], $0x2800  }
0x2a: {  	[sflag:s16] =	ssyncset.done $0x0  }
0x2b: {  	s7 =	rddreg [dreg:$0x5];
	[sflag:s16] =	ssyncadd.s32 $0xFFFFD800  }
0x2c: {  	[spmem:s7] =	stream.linear.scatter [tilespmem:s15], [sflag:$0x7], $0x2800, $0x38;
	[tilespmem:$0x16400] =	vst v63  }
0x2d: {  	_ =	swait.ge [sflag:s16], $0x2800  }
0x2e: {  	[sflag:s16] =	ssyncset.done $0x0  }
0x2f: {  	s8 =	rddreg [dreg:$0x6];
	[sflag:s16] =	ssyncadd.s32 $0xFFFFD800  }
0x30: {  	[spmem:s8] =	stream.linear.scatter [tilespmem:s15], [sflag:$0x7], $0x2800, $0x38;
	[tilespmem:$0x16400] =	vst v63  }
0x31: {  	_ =	swait.ge [sflag:s16], $0x2800  }
0x32: {  	[sflag:s16] =	ssyncset.done $0x0  }
0x33: {  	[sflag:s16] =	ssyncadd.s32 $0xFFFFD800  }
0x34: {  	s18 =	simm.s32 $0x0;
	s9 =	simm.s32 $0x200;
	[bflag:$0x0] =	sbarrier.arrive $0xFFFF  }
0x35: {  	[tilespmem:s9], [sflag:$0x7] =	stream.linear.gather [hbm4b:s11+s18], $0x1500, $0x38;
	[tilespmem:$0x16400] =	vst v63  }
0x36: {  	_ =	swait.ge [sflag:s16], $0x1500  }
0x37: {  	[sflag:s16] =	ssyncset.done $0x0  }
0x38: {  	s10 =	simm.s32 $0x1700;
	[sflag:s16] =	ssyncadd.s32 $0xFFFFEB00  }
0x39: {  	[tilespmem:s10], [sflag:$0x7] =	stream.linear.gather [hbm4b:s12+s18], $0x1500, $0x38;
	[tilespmem:$0x16400] =	vst v63  }
0x3a: {  	_ =	swait.ge [sflag:s16], $0x1500  }
0x3b: {  	[sflag:s16] =	ssyncset.done $0x0  }
0x3c: {  	[sflag:s16] =	ssyncadd.s32 $0xFFFFEB00  }
0x3d: {  	v6 =	vld [tilespmem:$0x200]  }
0x3e: {  	v7 =	vld [tilespmem:$0x1700]  }
0x3f: {  	v8 =	vld [tilespmem:$0x210]  }
0x40: {  	v9 =	vld [tilespmem:$0x1710]  }
0x41: {  	v10 =	vld [tilespmem:$0x220]  }
0x42: {  	[tilespmem:$0x0] =	vst v6;
	v6 =	vld [tilespmem:$0x1720]  }
0x43: {  	v58 =	vld [tilespmem:$0x1730];
	[tilespmem:$0x100] =	vst v7  }
0x44: {  	v59 =	vld [tilespmem:$0x240];
	[tilespmem:$0x10] =	vst v8  }
0x45: {  	v60 =	vld [tilespmem:$0x1740];
	[tilespmem:$0x110] =	vst v9  }
0x46: {  	v7 =	vld [tilespmem:$0x230];
	[tilespmem:$0x20] =	vst v10  }
0x47: {  	[tilespmem:$0x120] =	vst v6;
	v6 =	vld [tilespmem:$0x250]  }
0x48: {  	v61 =	vld [tilespmem:$0x260];
	[tilespmem:$0x130] =	vst v58  }
0x49: {  	v62 =	vld [tilespmem:$0x1760];
	[tilespmem:$0x40] =	vst v59  }
0x4a: {  	v63 =	vld [tilespmem:$0x270];
	[tilespmem:$0x140] =	vst v60  }
0x4b: {  	[tilespmem:$0x30] =	vst v7;
	v7 =	vld [tilespmem:$0x1750]  }
0x4c: {  	[tilespmem:$0x50] =	vst v6;
	v6 =	vld [tilespmem:$0x1770]  }
0x4d: {  	[tilespmem:$0x60] =	vst v61  }
0x4e: {  	[tilespmem:$0x160] =	vst v62  }
0x4f: {  	[tilespmem:$0x70] =	vst v63  }
0x50: {  	[tilespmem:$0x150] =	vst v7  }
0x51: {  	[tilespmem:$0x170] =	vst v6  }
0x52: {  	[tilespmem:s15], [sflag:$0x1] =	stream.indirect.gather [hbm4b:s4+s19], $0x50, s18, s19, $0xb8;
	[tilespmem:$0x16400] =	vst v63  }
0x53: {  	s20 =	simm.s32 $0x7C00  }
0x54: {  	[tilespmem:s20], [sflag:$0x3] =	stream.indirect.gather [hbm4b:s5+s19], $0x10, s18, s19, $0xb8;
	[tilespmem:$0x16400] =	vst v63  }
0x55: {  	s22 =	simm.s32 $0x8C00  }
0x56: {  	[tilespmem:s22], [sflag:$0x5] =	stream.indirect.gather [hbm4b:s5+s19], $0x10, s21, s19, $0xb8;
	[tilespmem:$0x16400] =	vst v63  }
.LBB2_4:
0x57: {  	s20 =	sshll.u32 s18, $0x8  }
0x58: {  	v6 =	vld [tilespmem:s20+$0x280];
	_ =	sdelay $0x4  }
0x59: {  	[tilespmem:$0x80] =	vst v6  }
0x5a: {  	v6 =	vld [tilespmem:s20+$0x1780];
	_ =	sdelay $0x4  }
0x5b: {  	[tilespmem:$0x180] =	vst v6  }
0x5c: {  	v6 =	vld [tilespmem:s20+$0x290];
	_ =	sdelay $0x4  }
0x5d: {  	[tilespmem:$0x90] =	vst v6  }
0x5e: {  	v6 =	vld [tilespmem:s20+$0x1790];
	_ =	sdelay $0x4  }
0x5f: {  	[tilespmem:$0x190] =	vst v6  }
0x60: {  	v6 =	vld [tilespmem:s20+$0x2A0];
	_ =	sdelay $0x4  }
0x61: {  	[tilespmem:$0xA0] =	vst v6  }
0x62: {  	v6 =	vld [tilespmem:s20+$0x17A0];
	_ =	sdelay $0x4  }
0x63: {  	[tilespmem:$0x1A0] =	vst v6  }
0x64: {  	v6 =	vld [tilespmem:s20+$0x2B0];
	_ =	sdelay $0x4  }
0x65: {  	[tilespmem:$0xB0] =	vst v6  }
0x66: {  	v6 =	vld [tilespmem:s20+$0x17B0];
	_ =	sdelay $0x4  }
0x67: {  	[tilespmem:$0x1B0] =	vst v6  }
0x68: {  	v6 =	vld [tilespmem:s20+$0x2C0];
	_ =	sdelay $0x4  }
0x69: {  	[tilespmem:$0xC0] =	vst v6  }
0x6a: {  	v6 =	vld [tilespmem:s20+$0x17C0];
	_ =	sdelay $0x4  }
0x6b: {  	[tilespmem:$0x1C0] =	vst v6  }
0x6c: {  	v6 =	vld [tilespmem:s20+$0x2D0];
	_ =	sdelay $0x4  }
0x6d: {  	[tilespmem:$0xD0] =	vst v6  }
0x6e: {  	v6 =	vld [tilespmem:s20+$0x17D0];
	_ =	sdelay $0x4  }
0x6f: {  	[tilespmem:$0x1D0] =	vst v6  }
0x70: {  	v6 =	vld [tilespmem:s20+$0x2E0];
	_ =	sdelay $0x4  }
0x71: {  	[tilespmem:$0xE0] =	vst v6  }
0x72: {  	v6 =	vld [tilespmem:s20+$0x17E0];
	_ =	sdelay $0x4  }
0x73: {  	[tilespmem:$0x1E0] =	vst v6  }
0x74: {  	v6 =	vld [tilespmem:s20+$0x2F0];
	_ =	sdelay $0x4  }
0x75: {  	[tilespmem:$0xF0] =	vst v6  }
0x76: {  	v6 =	vld [tilespmem:s20+$0x17F0];
	_ =	sdelay $0x4  }
0x77: {  	[tilespmem:$0x1F0] =	vst v6  }
0x78: {  	[tilespmem:s23], [sflag:$0x2] =	stream.indirect.gather [hbm4b:s4+s19], $0x50, s19, s19, $0xb8;
	[tilespmem:$0x16400] =	vst v63  }
0x79: {  	_ = 	snop  }
0x7a: {  	[tilespmem:s24], [sflag:$0x4] =	stream.indirect.gather [hbm4b:s5+s19], $0x10, s19, s19, $0xb8;
	[tilespmem:$0x16400] =	vst v63  }
0x7b: {  	_ = 	snop  }
0x7c: {  	[tilespmem:s26], [sflag:$0x6] =	stream.indirect.gather [hbm4b:s5+s19], $0x10, s25, s19, $0xb8;
	[tilespmem:$0x16400] =	vst v63  }
0x7d: {  	_ =	swait.ge [sflag:s28], $0x2800  }
0x7e: {  	[sflag:s28] =	ssyncset.done $0x0  }
0x7f: {  	[sflag:s28] =	ssyncadd.s32 $0xFFFFD800  }
0x80: {  	_ =	swait.ge [sflag:s29], $0x800  }
0x81: {  	[sflag:s29] =	ssyncset.done $0x0  }
0x82: {  	[sflag:s29] =	ssyncadd.s32 $0xFFFFF800  }
0x83: {  	_ =	swait.ge [sflag:s30], $0x800  }
0x84: {  	[sflag:s30] =	ssyncset.done $0x0  }
0x85: {  	s1 =	simm.s32 $0x8C10;
	[sflag:s30] =	ssyncadd.s32 $0xFFFFF800  }
0x86: {  	v6 =	vld [tilespmem:s1+$0x0]  }
0x87: {  	s7 =	simm.s32 $0x7C10;
	v7 =	vld [tilespmem:s1+$0xFFFFFFF0]  }
0x88: {  	v8 =	vld [tilespmem:s7+$0x0];
	_ =	sdelay $0x1  }
0x89: {  	v9 =	vld [tilespmem:s7+$0xFFFFFFF0]  }
0x8a: {  	v6 =	vperm.xlane v6, v1;
	_ =	sdelay $0x1  }
0x8b: {  	v7 =	vperm.xlane v7, v1;
	v6 =	vadd.f32 v6, v8;
	_ =	sdelay $0x1  }
0x8c: {  	v7 =	vadd.f32 v7, v9;
	v8 =	vmul.f32 $2.000000030e-01, v6  }
0x8d: {  	s8 =	simm.s32 $0x8C30;
	vm0 =	vge.f32 v6, $0.0e+00  }
0x8e: {  	s9 =	simm.s32 $0x7C30;
	v9 =	vmul.f32 $2.000000030e-01, v7;
	v6 =	vsel vm0, v6, v8;
	v8 =	vld [tilespmem:s8+$0x0]  }
0x8f: {  	v10 =	vld [tilespmem:s9+$0x0];
	vm1 =	vge.f32 v7, $0.0e+00  }
0x90: {  	v7 =	vsel vm1, v7, v9;
	v9 =	vld [tilespmem:s8+$0xFFFFFFF0];
	v6 =	vmul.f32 $1.442695020e+00, v6  }
0x91: {  	v7 =	vmul.f32 $1.442695020e+00, v7  }
0x92: {  	(erf) = vpow2.f32 v6;
	v6 =	vld [tilespmem:s9+$0xFFFFFFF0]  }
0x93: {  	(erf) = vpow2.f32 v7;
	v7 =	vperm.xlane v8, v1;
	_ =	sdelay $0x1  }
0x94: {  	s22 =	simm.s32 $0x2C50;
	v8 =	vperm.xlane v9, v1;
	v7 =	vadd.f32 v7, v10  }
0x95: {  	v11 =	vld [tilespmem:s22+$0xFFFFFFC0]  }
0x96: {  	s10 =	simm.s32 $0x8C50;
	v13 =	vld [tilespmem:s22+$0xFFFFFFD0];
	v8 =	vadd.f32 v8, v6;
	v6 =	vmul.f32 $2.000000030e-01, v7  }
0x97: {  	v19 =	vld [tilespmem:s10+$0x0]  }
0x98: {  	v9 =	vld [tilespmem:s22+$0x30];
	vm12 =	vge.f32 v7, $0.0e+00;
	v12 =	vmul.f32 $2.000000030e-01, v8  }
0x99: {  	v14 =	vld [tilespmem:s22+$0xFFFFFFE0];
	vm13 =	vge.f32 v8, $0.0e+00;
	v7 =	vsel vm12, v7, v6  }
0x9a: {  	v17 =	vld [tilespmem:s22+$0x0];
	v8 =	vsel vm13, v8, v12;
	v7 =	vmul.f32 $1.442695020e+00, v7;
	v6 =	vpop (erf)  }
0x9b: {  	s7 =	simm.s32 $0x7C50;
	v10 =	vld [tilespmem:s22+$0xFFFFFFB0];
	v8 =	vmul.f32 $1.442695020e+00, v8;
	v15 =	vperm.xlane v6, v5  }
0x9c: {  	v20 =	vld [tilespmem:s7+$0x0];
	v19 =	vperm.xlane v19, v1;
	(erf) = vpow2.f32 v7  }
0x9d: {  	v16 =	vpop (erf);
	(erf) = vpow2.f32 v8;
	v7 =	vmul.f32 v15, v9;
	v9 =	vld [tilespmem:s10+$0xFFFFFFF0]  }
0x9e: {  	v12 =	vld [tilespmem:s22+$0xFFFFFFF0];
	v21 =	vperm.xlane v6, v2;
	v18 =	vperm.xlane v16, v2  }
0x9f: {  	v22 =	vld [tilespmem:s7+$0xFFFFFFF0];
	v23 =	vperm.xlane v6, v3;
	v8 =	vperm.xlane v16, v3  }
0xa0: {  	v24 =	vld [tilespmem:s22+$0x10];
	s8 =	simm.s32 $0x2CF0;
	v15 =	vperm.xlane v16, v4;
	v18 =	vmul.f32 v18, v10  }
0xa1: {  	v19 =	vadd.f32 v19, v20;
	v20 =	vld [tilespmem:s8+$0x30];
	v11 =	vmul.f32 v8, v11;
	[tilespmem:s22+$0x30] =	vst v7;
	v7 =	vperm.xlane v16, v5  }
0xa2: {  	v10 =	vld [tilespmem:s22+$0x20];
	v13 =	vmul.f32 v15, v13;
	v15 =	vperm.xlane v9, v1  }
0xa3: {  	v17 =	vmul.f32 v21, v17;
	v25 =	vmul.f32 v12, v16;
	v12 =	vld [tilespmem:s8+$0xFFFFFFB0];
	[tilespmem:s22+$0xFFFFFFB0] =	vst v18  }
0xa4: {  	v8 =	vperm.xlane v6, v4;
	v16 =	vld [tilespmem:s8+$0xFFFFFFE0];
	[tilespmem:s22+$0xFFFFFFC0] =	vst v11;
	v18 =	vmul.f32 v7, v14;
	v21 =	vadd.f32 v15, v22  }
0xa5: {  	[tilespmem:s22+$0xFFFFFFD0] =	vst v13;
	v13 =	vmul.f32 $2.000000030e-01, v19;
	v14 =	vld [tilespmem:s8+$0xFFFFFFC0];
	v7 =	vpop (erf);
	v22 =	vmul.f32 v23, v24  }
0xa6: {  	vm14 =	vge.f32 v19, $0.0e+00;
	v9 =	vld [tilespmem:s22+$0x40];
	[tilespmem:s22+$0xFFFFFFE0] =	vst v18;
	v23 =	vperm.xlane v7, v5;
	v11 =	vpop (erf);
	v18 =	vmul.f32 $2.000000030e-01, v21  }
0xa7: {  	[tilespmem:s22+$0x0] =	vst v17;
	v13 =	vsel vm14, v19, v13;
	v15 =	vld [tilespmem:s8+$0xFFFFFFD0];
	vm15 =	vge.f32 v21, $0.0e+00;
	v17 =	vperm.xlane v11, v2  }
0xa8: {  	[tilespmem:s22+$0xFFFFFFF0] =	vst v25;
	v20 =	vmul.f32 v23, v20;
	v18 =	vsel vm15, v21, v18;
	v21 =	vmul.f32 $1.442695020e+00, v13;
	v13 =	vld [tilespmem:s8+$0xFFFFFFF0]  }
0xa9: {  	s1 =	simm.s32 $0x2CF0;
	s9 =	simm.s32 $0x4;
	s10 =	simm.s32 $0x8C70;
	[tilespmem:s22+$0x10] =	vst v22;
	v19 =	vperm.xlane v11, v3;
	v22 =	vmul.f32 $1.442695020e+00, v18;
	v18 =	vld [tilespmem:s8+$0x0]  }
.LBB2_5:
0xaa: {  	v23 =	vld [tilespmem:s10+$0x0];
	s9 =	sadd.s32 $0x2, s9;
	(erf) = vpow2.f32 v21;
	v21 =	vperm.xlane v11, v4;
	[tilespmem:s8+$0x30] =	vst v20  }
0xab: {  	s7 =	sadd.s32 $0x20, s7;
	v20 =	vld [tilespmem:s10+$0xFFFFFFF0];
	p0 =	slt.u32 s9, $0x7E;
	(erf) = vpow2.f32 v22;
	v22 =	vperm.xlane v11, v5  }
0xac: {  	v25 =	vperm.xlane v7, v2;
	v26 =	vperm.xlane v7, v3;
	v24 =	vld [tilespmem:s7+$0x0]  }
0xad: {  	v12 =	vmul.f32 v17, v12;
	v17 =	vperm.xlane v7, v4;
	v27 =	vld [tilespmem:s7+$0xFFFFFFF0]  }
0xae: {  	v14 =	vmul.f32 v19, v14;
	v15 =	vmul.f32 v21, v15;
	v19 =	vld [tilespmem:s8+$0x10]  }
0xaf: {  	v16 =	vmul.f32 v22, v16;
	v21 =	vperm.xlane v23, v1;
	[tilespmem:s8+$0xFFFFFFB0] =	vst v12;
	v22 =	vld [tilespmem:s8+$0x20]  }
0xb0: {  	v18 =	vmul.f32 v25, v18;
	s8 =	sadd.s32 $0xA0, s8;
	v12 =	vperm.xlane v20, v1;
	[tilespmem:s1+$0xFFFFFFC0] =	vst v14;
	v23 =	vld [tilespmem:s1+$0x40]  }
0xb1: {  	v10 =	vmul.f32 v8, v10;
	v25 =	vmul.f32 v13, v11;
	v20 =	vadd.f32 v21, v24;
	v24 =	vld [tilespmem:s8+$0x30];
	[tilespmem:s1+$0xFFFFFFD0] =	vst v15  }
0xb2: {  	v8 =	vmovc v17;
	v13 =	vadd.f32 v12, v27;
	v12 =	vld [tilespmem:s8+$0xFFFFFFB0];
	[tilespmem:s1+$0xFFFFFFE0] =	vst v16;
	v27 =	vmul.f32 v9, v6;
	v6 =	vmov v7  }
.Ltmp1:
0xb3: {  	v29 =	vmul.f32 $2.000000030e-01, v20;
	v14 =	vld [tilespmem:s8+$0xFFFFFFC0];
	v7 =	vpop (erf);
	[tilespmem:s1+$0x0] =	vst v18;
	v18 =	vmul.f32 v26, v19;
	(pc) =	sbr.rel @p0 .LBB2_5-.Ltmp1, $4  }
0xb4: {  	vm0 =	vge.f32 v20, $0.0e+00;
	v19 =	vmul.f32 $2.000000030e-01, v13;
	v15 =	vld [tilespmem:s8+$0xFFFFFFD0];
	v26 =	vperm.xlane v7, v5;
	v11 =	vpop (erf);
	[tilespmem:s22+$0x20] =	vst v10  }
0xb5: {  	vm1 =	vge.f32 v13, $0.0e+00;
	v10 =	vmovc v22;
	v28 =	vsel vm0, v20, v29;
	v17 =	vperm.xlane v11, v2;
	v16 =	vld [tilespmem:s8+$0xFFFFFFE0];
	[tilespmem:s1+$0x10] =	vst v18  }
0xb6: {  	v9 =	vmovc v23;
	v18 =	vsel vm1, v13, v19;
	v21 =	vmul.f32 $1.442695020e+00, v28;
	v13 =	vld [tilespmem:s8+$0xFFFFFFF0];
	v20 =	vmul.f32 v26, v24;
	[tilespmem:s1+$0xFFFFFFF0] =	vst v25  }
0xb7: {  	s10 =	sadd.s32 $0x20, s10;
	v19 =	vperm.xlane v11, v3;
	v22 =	vmul.f32 $1.442695020e+00, v18;
	v18 =	vld [tilespmem:s8+$0x0];
	[tilespmem:s22+$0x40] =	vst v27;
	s22 =	smov.u32 s1;
	s1 =	smov.u32 s8  }
0xb8: {  	(erf) = vpow2.f32 v21  }
0xb9: {  	(erf) = vpow2.f32 v22  }
0xba: {  	v21 =	vperm.xlane v11, v4  }
0xbb: {  	v12 =	vmul.f32 v17, v12;
	v17 =	vperm.xlane v11, v5  }
0xbc: {  	[tilespmem:s8+$0x30] =	vst v20;
	v20 =	vperm.xlane v7, v2;
	v8 =	vmul.f32 v8, v10  }
0xbd: {  	s7 =	sadd.s32 $0xA0, s8;
	v14 =	vmul.f32 v19, v14;
	v19 =	vld [tilespmem:s8+$0x10];
	[tilespmem:s8+$0xFFFFFFB0] =	vst v12;
	v16 =	vmul.f32 v17, v16  }
0xbe: {  	v10 =	vld [tilespmem:s7+$0xFFFFFFB0];
	v15 =	vmul.f32 v21, v15;
	[tilespmem:s22+$0x20] =	vst v8  }
0xbf: {  	[tilespmem:s1+$0xFFFFFFC0] =	vst v14;
	v18 =	vmul.f32 v20, v18;
	v20 =	vld [tilespmem:s7+$0x30]  }
0xc0: {  	v12 =	vld [tilespmem:s8+$0x20];
	v17 =	vperm.xlane v7, v3;
	[tilespmem:s1+$0xFFFFFFD0] =	vst v15  }
0xc1: {  	v11 =	vmul.f32 v13, v11;
	[tilespmem:s1+$0xFFFFFFE0] =	vst v16;
	v15 =	vld [tilespmem:s7+$0xFFFFFFC0];
	v16 =	vpop (erf)  }
0xc2: {  	v13 =	vld [tilespmem:s7+$0xFFFFFFD0];
	[tilespmem:s1+$0x0] =	vst v18;
	v17 =	vmul.f32 v17, v19;
	v18 =	vperm.xlane v16, v5;
	v19 =	vpop (erf)  }
0xc3: {  	v6 =	vmul.f32 v9, v6;
	v9 =	vld [tilespmem:s7+$0xFFFFFFE0];
	[tilespmem:s1+$0xFFFFFFF0] =	vst v11;
	v8 =	vperm.xlane v19, v2  }
0xc4: {  	v14 =	vld [tilespmem:s1+$0x40];
	[tilespmem:s1+$0x10] =	vst v17;
	v11 =	vperm.xlane v19, v3;
	v17 =	vmul.f32 v18, v20  }
0xc5: {  	[tilespmem:s22+$0x40] =	vst v6;
	v6 =	vperm.xlane v19, v4;
	v18 =	vld [tilespmem:s7+$0x0];
	v8 =	vmul.f32 v8, v10  }
0xc6: {  	v10 =	vperm.xlane v19, v5;
	v11 =	vmul.f32 v11, v15;
	[tilespmem:s7+$0x30] =	vst v17  }
0xc7: {  	v15 =	vld [tilespmem:s7+$0x10];
	v6 =	vmul.f32 v6, v13;
	[tilespmem:s7+$0xFFFFFFB0] =	vst v8  }
0xc8: {  	v20 =	vperm.xlane v16, v2;
	v17 =	vld [tilespmem:s7+$0xFFFFFFF0];
	v9 =	vmul.f32 v10, v9;
	[tilespmem:s7+$0xFFFFFFC0] =	vst v11  }
0xc9: {  	v8 =	vperm.xlane v7, v4;
	v11 =	vld [tilespmem:s7+$0x20];
	[tilespmem:s7+$0xFFFFFFD0] =	vst v6;
	v7 =	vmul.f32 v14, v7  }
0xca: {  	v10 =	vperm.xlane v16, v3;
	v6 =	vld [tilespmem:s7+$0x40];
	v13 =	vmul.f32 v20, v18;
	[tilespmem:s7+$0xFFFFFFE0] =	vst v9  }
0xcb: {  	v8 =	vmul.f32 v8, v12;
	[tilespmem:s1+$0x40] =	vst v7  }
0xcc: {  	v9 =	vmul.f32 v10, v15;
	v10 =	vperm.xlane v16, v4;
	[tilespmem:s7+$0x0] =	vst v13  }
0xcd: {  	v12 =	vmul.f32 v17, v19;
	[tilespmem:s1+$0x20] =	vst v8  }
0xce: {  	[tilespmem:s7+$0x10] =	vst v9;
	v8 =	vmul.f32 v10, v11  }
0xcf: {  	v6 =	vmul.f32 v6, v16;
	[tilespmem:s7+$0xFFFFFFF0] =	vst v12  }
0xd0: {  	[tilespmem:s7+$0x20] =	vst v8  }
0xd1: {  	[tilespmem:s7+$0x40] =	vst v6  }
0xd2: {  	[spmem:s2] =	stream.indirect.scatter.add.f32 [tilespmem:s15], [sflag:$0x7], $0x50, s21, s19, $0xb8;
	[tilespmem:$0x16400] =	vst v63  }
0xd3: {  	_ =	swait.ge [sflag:s16], $0x2800  }
0xd4: {  	[sflag:s16] =	ssyncset.done $0x0  }
0xd5: {  	p0 =	seq.s32 s18, $0x14;
	[sflag:s16] =	ssyncadd.s32 $0xFFFFD800  }
0xd6: {  	v6 =	vld @!p0 [tilespmem:s20+$0x300];
	_ =	sdelay $0x4  }
0xd7: {  	[tilespmem:$0x0] =	vst @!p0 v6  }
0xd8: {  	v6 =	vld @!p0 [tilespmem:s20+$0x1800];
	_ =	sdelay $0x4  }
0xd9: {  	[tilespmem:$0x100] =	vst @!p0 v6  }
0xda: {  	v6 =	vld @!p0 [tilespmem:s20+$0x310];
	_ =	sdelay $0x4  }
0xdb: {  	[tilespmem:$0x10] =	vst @!p0 v6  }
0xdc: {  	v6 =	vld @!p0 [tilespmem:s20+$0x1810];
	_ =	sdelay $0x4  }
0xdd: {  	[tilespmem:$0x110] =	vst @!p0 v6  }
0xde: {  	v6 =	vld @!p0 [tilespmem:s20+$0x320];
	_ =	sdelay $0x4  }
0xdf: {  	[tilespmem:$0x20] =	vst @!p0 v6  }
0xe0: {  	v6 =	vld @!p0 [tilespmem:s20+$0x1820];
	_ =	sdelay $0x4  }
0xe1: {  	[tilespmem:$0x120] =	vst @!p0 v6  }
0xe2: {  	v6 =	vld @!p0 [tilespmem:s20+$0x330];
	_ =	sdelay $0x4  }
0xe3: {  	[tilespmem:$0x30] =	vst @!p0 v6  }
0xe4: {  	v6 =	vld @!p0 [tilespmem:s20+$0x1830];
	_ =	sdelay $0x4  }
0xe5: {  	[tilespmem:$0x130] =	vst @!p0 v6  }
0xe6: {  	v6 =	vld @!p0 [tilespmem:s20+$0x340];
	_ =	sdelay $0x4  }
0xe7: {  	[tilespmem:$0x40] =	vst @!p0 v6  }
0xe8: {  	v6 =	vld @!p0 [tilespmem:s20+$0x1840];
	_ =	sdelay $0x4  }
0xe9: {  	[tilespmem:$0x140] =	vst @!p0 v6  }
0xea: {  	v6 =	vld @!p0 [tilespmem:s20+$0x350];
	_ =	sdelay $0x4  }
0xeb: {  	[tilespmem:$0x50] =	vst @!p0 v6  }
0xec: {  	v6 =	vld @!p0 [tilespmem:s20+$0x1850];
	_ =	sdelay $0x4  }
0xed: {  	[tilespmem:$0x150] =	vst @!p0 v6  }
0xee: {  	v6 =	vld @!p0 [tilespmem:s20+$0x360];
	_ =	sdelay $0x4  }
0xef: {  	[tilespmem:$0x60] =	vst @!p0 v6  }
0xf0: {  	v6 =	vld @!p0 [tilespmem:s20+$0x1860];
	_ =	sdelay $0x4  }
0xf1: {  	[tilespmem:$0x160] =	vst @!p0 v6  }
0xf2: {  	v6 =	vld @!p0 [tilespmem:s20+$0x370];
	_ =	sdelay $0x4  }
0xf3: {  	[tilespmem:$0x70] =	vst @!p0 v6  }
0xf4: {  	v6 =	vld @!p0 [tilespmem:s20+$0x1870];
	_ =	sdelay $0x4  }
0xf5: {  	s8 =	simm.s32 @!p0 $0x2C00;
	s1 =	simm.s32 @!p0 $0x80;
	s7 =	simm.s32 @!p0 $0x0;
	[tilespmem:$0x170] =	vst @!p0 v6  }
0xf6: {  	[tilespmem:s8], [sflag:$0x1] =	stream.indirect.gather @!p0 [hbm4b:s4+s1], $0x50, s7, s1, $0xb8;
	[tilespmem:$0x16400] =	vst v63  }
0xf7: {  	s8 =	simm.s32 @!p0 $0x7C00  }
0xf8: {  	[tilespmem:s8], [sflag:$0x3] =	stream.indirect.gather @!p0 [hbm4b:s5+s1], $0x10, s7, s1, $0xb8;
	[tilespmem:$0x16400] =	vst v63  }
0xf9: {  	s7 =	simm.s32 @!p0 $0x100;
	s8 =	simm.s32 @!p0 $0x8C00  }
0xfa: {  	[tilespmem:s8], [sflag:$0x5] =	stream.indirect.gather @!p0 [hbm4b:s5+s1], $0x10, s7, s1, $0xb8;
	[tilespmem:$0x16400] =	vst v63  }
0xfb: {  	_ =	swait.ge [sflag:s31], $0x2800  }
0xfc: {  	[sflag:s31] =	ssyncset.done $0x0  }
0xfd: {  	[sflag:s31] =	ssyncadd.s32 $0xFFFFD800  }
0xfe: {  	_ =	swait.ge [sflag:s0], $0x800  }
0xff: {  	[sflag:s0] =	ssyncset.done $0x0  }
0x100: {  	[sflag:s0] =	ssyncadd.s32 $0xFFFFF800  }
0x101: {  	_ =	swait.ge [sflag:s17], $0x800  }
0x102: {  	[sflag:s17] =	ssyncset.done $0x0  }
0x103: {  	s8 =	simm.s32 $0x9410;
	[sflag:s17] =	ssyncadd.s32 $0xFFFFF800  }
0x104: {  	v6 =	vld [tilespmem:s8+$0x0]  }
0x105: {  	s9 =	simm.s32 $0x8410;
	v7 =	vld [tilespmem:s8+$0xFFFFFFF0]  }
0x106: {  	v8 =	vld [tilespmem:s9+$0x0];
	_ =	sdelay $0x1  }
0x107: {  	v9 =	vld [tilespmem:s9+$0xFFFFFFF0]  }
0x108: {  	v6 =	vperm.xlane v6, v1;
	_ =	sdelay $0x1  }
0x109: {  	v7 =	vperm.xlane v7, v1;
	v6 =	vadd.f32 v6, v8;
	_ =	sdelay $0x1  }
0x10a: {  	v7 =	vadd.f32 v7, v9;
	v8 =	vmul.f32 $2.000000030e-01, v6  }
0x10b: {  	s10 =	simm.s32 $0x9430;
	vm0 =	vge.f32 v6, $0.0e+00  }
0x10c: {  	s20 =	simm.s32 $0x8430;
	v9 =	vmul.f32 $2.000000030e-01, v7;
	v6 =	vsel vm0, v6, v8;
	v8 =	vld [tilespmem:s10+$0x0]  }
0x10d: {  	v10 =	vld [tilespmem:s20+$0x0];
	vm1 =	vge.f32 v7, $0.0e+00  }
0x10e: {  	v7 =	vsel vm1, v7, v9;
	v9 =	vld [tilespmem:s10+$0xFFFFFFF0];
	v6 =	vmul.f32 $1.442695020e+00, v6  }
0x10f: {  	v7 =	vmul.f32 $1.442695020e+00, v7  }
0x110: {  	(erf) = vpow2.f32 v6;
	v6 =	vld [tilespmem:s20+$0xFFFFFFF0]  }
0x111: {  	(erf) = vpow2.f32 v7;
	v7 =	vperm.xlane v8, v1;
	_ =	sdelay $0x1  }
0x112: {  	s22 =	simm.s32 $0x9450;
	v8 =	vperm.xlane v9, v1;
	v7 =	vadd.f32 v7, v10  }
0x113: {  	s7 =	simm.s32 $0x8450;
	v19 =	vld [tilespmem:s22+$0x0]  }
0x114: {  	v20 =	vld [tilespmem:s7+$0x0];
	v8 =	vadd.f32 v8, v6;
	v6 =	vmul.f32 $2.000000030e-01, v7  }
0x115: {  	v22 =	vld [tilespmem:s7+$0xFFFFFFF0];
	s20 =	simm.s32 $0x5450  }
0x116: {  	v9 =	vld [tilespmem:s20+$0x30];
	vm12 =	vge.f32 v7, $0.0e+00;
	v12 =	vmul.f32 $2.000000030e-01, v8  }
0x117: {  	v11 =	vld [tilespmem:s20+$0xFFFFFFC0];
	vm13 =	vge.f32 v8, $0.0e+00;
	v7 =	vsel vm12, v7, v6  }
0x118: {  	v13 =	vld [tilespmem:s20+$0xFFFFFFD0];
	v8 =	vsel vm13, v8, v12;
	v7 =	vmul.f32 $1.442695020e+00, v7;
	v6 =	vpop (erf)  }
0x119: {  	v10 =	vld [tilespmem:s20+$0xFFFFFFB0];
	v8 =	vmul.f32 $1.442695020e+00, v8;
	v15 =	vperm.xlane v6, v5  }
0x11a: {  	v19 =	vperm.xlane v19, v1;
	v17 =	vld [tilespmem:s20+$0x0];
	(erf) = vpow2.f32 v7  }
0x11b: {  	v16 =	vpop (erf);
	(erf) = vpow2.f32 v8;
	v7 =	vmul.f32 v15, v9;
	v9 =	vld [tilespmem:s22+$0xFFFFFFF0]  }
0x11c: {  	v12 =	vld [tilespmem:s20+$0xFFFFFFF0];
	v21 =	vperm.xlane v6, v2;
	v18 =	vperm.xlane v16, v2  }
0x11d: {  	v14 =	vld [tilespmem:s20+$0xFFFFFFE0];
	v23 =	vperm.xlane v6, v3;
	v8 =	vperm.xlane v16, v3  }
0x11e: {  	s8 =	simm.s32 $0x54F0;
	v24 =	vld [tilespmem:s20+$0x10];
	v15 =	vperm.xlane v16, v4;
	v18 =	vmul.f32 v18, v10  }
0x11f: {  	v19 =	vadd.f32 v19, v20;
	v20 =	vld [tilespmem:s8+$0x30];
	v11 =	vmul.f32 v8, v11;
	[tilespmem:s20+$0x30] =	vst v7;
	v7 =	vperm.xlane v16, v5  }
0x120: {  	v10 =	vld [tilespmem:s20+$0x20];
	v13 =	vmul.f32 v15, v13;
	v15 =	vperm.xlane v9, v1  }
0x121: {  	v17 =	vmul.f32 v21, v17;
	v25 =	vmul.f32 v12, v16;
	v12 =	vld [tilespmem:s8+$0xFFFFFFB0];
	[tilespmem:s20+$0xFFFFFFB0] =	vst v18  }
0x122: {  	v8 =	vperm.xlane v6, v4;
	v16 =	vld [tilespmem:s8+$0xFFFFFFE0];
	[tilespmem:s20+$0xFFFFFFC0] =	vst v11;
	v18 =	vmul.f32 v7, v14;
	v21 =	vadd.f32 v15, v22  }
0x123: {  	[tilespmem:s20+$0xFFFFFFD0] =	vst v13;
	v13 =	vmul.f32 $2.000000030e-01, v19;
	v14 =	vld [tilespmem:s8+$0xFFFFFFC0];
	v7 =	vpop (erf);
	v22 =	vmul.f32 v23, v24  }
0x124: {  	vm14 =	vge.f32 v19, $0.0e+00;
	v9 =	vld [tilespmem:s20+$0x40];
	[tilespmem:s20+$0xFFFFFFE0] =	vst v18;
	v23 =	vperm.xlane v7, v5;
	v11 =	vpop (erf);
	v18 =	vmul.f32 $2.000000030e-01, v21  }
0x125: {  	[tilespmem:s20+$0x0] =	vst v17;
	v13 =	vsel vm14, v19, v13;
	v15 =	vld [tilespmem:s8+$0xFFFFFFD0];
	vm15 =	vge.f32 v21, $0.0e+00;
	v17 =	vperm.xlane v11, v2  }
0x126: {  	[tilespmem:s20+$0xFFFFFFF0] =	vst v25;
	v20 =	vmul.f32 v23, v20;
	v18 =	vsel vm15, v21, v18;
	v21 =	vmul.f32 $1.442695020e+00, v13;
	v13 =	vld [tilespmem:s8+$0xFFFFFFF0]  }
0x127: {  	s1 =	simm.s32 $0x54F0;
	s9 =	simm.s32 $0x4;
	s10 =	simm.s32 $0x9470;
	[tilespmem:s20+$0x10] =	vst v22;
	v19 =	vperm.xlane v11, v3;
	v22 =	vmul.f32 $1.442695020e+00, v18;
	v18 =	vld [tilespmem:s8+$0x0]  }
.LBB2_7:
0x128: {  	v23 =	vld [tilespmem:s10+$0x0];
	s9 =	sadd.s32 $0x2, s9;
	(erf) = vpow2.f32 v21;
	v21 =	vperm.xlane v11, v4;
	[tilespmem:s8+$0x30] =	vst v20  }
0x129: {  	s7 =	sadd.s32 $0x20, s7;
	v20 =	vld [tilespmem:s10+$0xFFFFFFF0];
	p0 =	slt.u32 s9, $0x7E;
	(erf) = vpow2.f32 v22;
	v22 =	vperm.xlane v11, v5  }
0x12a: {  	v25 =	vperm.xlane v7, v2;
	v26 =	vperm.xlane v7, v3;
	v24 =	vld [tilespmem:s7+$0x0]  }
0x12b: {  	v12 =	vmul.f32 v17, v12;
	v17 =	vperm.xlane v7, v4;
	v27 =	vld [tilespmem:s7+$0xFFFFFFF0]  }
0x12c: {  	v14 =	vmul.f32 v19, v14;
	v15 =	vmul.f32 v21, v15;
	v19 =	vld [tilespmem:s8+$0x10]  }
0x12d: {  	v16 =	vmul.f32 v22, v16;
	v21 =	vperm.xlane v23, v1;
	[tilespmem:s8+$0xFFFFFFB0] =	vst v12;
	v22 =	vld [tilespmem:s8+$0x20]  }
0x12e: {  	v18 =	vmul.f32 v25, v18;
	s8 =	sadd.s32 $0xA0, s8;
	v12 =	vperm.xlane v20, v1;
	[tilespmem:s1+$0xFFFFFFC0] =	vst v14;
	v23 =	vld [tilespmem:s1+$0x40]  }
0x12f: {  	v10 =	vmul.f32 v8, v10;
	v25 =	vmul.f32 v13, v11;
	v20 =	vadd.f32 v21, v24;
	v24 =	vld [tilespmem:s8+$0x30];
	[tilespmem:s1+$0xFFFFFFD0] =	vst v15  }
0x130: {  	v8 =	vmovc v17;
	v13 =	vadd.f32 v12, v27;
	v12 =	vld [tilespmem:s8+$0xFFFFFFB0];
	[tilespmem:s1+$0xFFFFFFE0] =	vst v16;
	v27 =	vmul.f32 v9, v6;
	v6 =	vmov v7  }
.Ltmp2:
0x131: {  	v29 =	vmul.f32 $2.000000030e-01, v20;
	v14 =	vld [tilespmem:s8+$0xFFFFFFC0];
	v7 =	vpop (erf);
	[tilespmem:s1+$0x0] =	vst v18;
	v18 =	vmul.f32 v26, v19;
	(pc) =	sbr.rel @p0 .LBB2_7-.Ltmp2, $4  }
0x132: {  	vm0 =	vge.f32 v20, $0.0e+00;
	v19 =	vmul.f32 $2.000000030e-01, v13;
	v15 =	vld [tilespmem:s8+$0xFFFFFFD0];
	v26 =	vperm.xlane v7, v5;
	v11 =	vpop (erf);
	[tilespmem:s20+$0x20] =	vst v10  }
0x133: {  	vm1 =	vge.f32 v13, $0.0e+00;
	v10 =	vmovc v22;
	v28 =	vsel vm0, v20, v29;
	v17 =	vperm.xlane v11, v2;
	v16 =	vld [tilespmem:s8+$0xFFFFFFE0];
	[tilespmem:s1+$0x10] =	vst v18  }
0x134: {  	v9 =	vmovc v23;
	v18 =	vsel vm1, v13, v19;
	v21 =	vmul.f32 $1.442695020e+00, v28;
	v13 =	vld [tilespmem:s8+$0xFFFFFFF0];
	v20 =	vmul.f32 v26, v24;
	[tilespmem:s1+$0xFFFFFFF0] =	vst v25  }
0x135: {  	s10 =	sadd.s32 $0x20, s10;
	v19 =	vperm.xlane v11, v3;
	v22 =	vmul.f32 $1.442695020e+00, v18;
	v18 =	vld [tilespmem:s8+$0x0];
	[tilespmem:s20+$0x40] =	vst v27;
	s20 =	smov.u32 s1;
	s1 =	smov.u32 s8  }
0x136: {  	(erf) = vpow2.f32 v21  }
0x137: {  	v12 =	vmul.f32 v17, v12;
	(erf) = vpow2.f32 v22  }
0x138: {  	[tilespmem:s8+$0x30] =	vst v20;
	v8 =	vmul.f32 v8, v10  }
0x139: {  	v32 =	vperm.xlane v11, v4;
	v34 =	vld [tilespmem:s8+$0x10];
	v6 =	vmul.f32 v9, v6;
	[tilespmem:s8+$0xFFFFFFB0] =	vst v12  }
0x13a: {  	v33 =	vperm.xlane v11, v5;
	v36 =	vld [tilespmem:s8+$0x20];
	v14 =	vmul.f32 v19, v14;
	[tilespmem:s20+$0x20] =	vst v8  }
0x13b: {  	s7 =	sadd.s32 $0xA0, s8;
	v37 =	vld [tilespmem:s1+$0x40];
	v15 =	vmul.f32 v32, v15;
	[tilespmem:s20+$0x40] =	vst v6  }
0x13c: {  	v35 =	vperm.xlane v7, v2;
	v54 =	vld [tilespmem:s7+$0xFFFFFFF0];
	v16 =	vmul.f32 v33, v16;
	[tilespmem:s1+$0xFFFFFFC0] =	vst v14  }
0x13d: {  	v38 =	vperm.xlane v7, v3;
	v39 =	vld [tilespmem:s7+$0x30];
	v43 =	vmul.f32 v13, v11;
	[tilespmem:s1+$0xFFFFFFD0] =	vst v15  }
0x13e: {  	v51 =	vld [tilespmem:s7+$0x0];
	v18 =	vmul.f32 v35, v18;
	[tilespmem:s1+$0xFFFFFFE0] =	vst v16  }
0x13f: {  	v56 =	vperm.xlane v7, v4;
	v44 =	vld [tilespmem:s7+$0xFFFFFFD0];
	v17 =	vmul.f32 v38, v34;
	[tilespmem:s1+$0xFFFFFFF0] =	vst v43;
	v42 =	vpop (erf)  }
0x140: {  	v53 =	vld [tilespmem:s7+$0x10];
	[tilespmem:s1+$0x0] =	vst v18;
	v7 =	vmul.f32 v37, v7;
	v45 =	vperm.xlane v42, v5;
	v46 =	vpop (erf)  }
0x141: {  	v58 =	vld [tilespmem:s7+$0x20];
	[tilespmem:s1+$0x10] =	vst v17;
	v55 =	vperm.xlane v42, v2;
	v62 =	vmul.f32 v54, v46  }
0x142: {  	v40 =	vld [tilespmem:s7+$0xFFFFFFB0];
	[tilespmem:s1+$0x40] =	vst v7;
	v6 =	vperm.xlane v46, v4;
	v49 =	vmul.f32 v45, v39  }
0x143: {  	v41 =	vld [tilespmem:s7+$0xFFFFFFC0];
	v57 =	vperm.xlane v42, v3;
	v59 =	vmul.f32 v55, v51;
	[tilespmem:s7+$0xFFFFFFF0] =	vst v62  }
0x144: {  	v48 =	vld [tilespmem:s7+$0xFFFFFFE0];
	v61 =	vperm.xlane v42, v4;
	v6 =	vmul.f32 v6, v44;
	[tilespmem:s7+$0x30] =	vst v49  }
0x145: {  	v47 =	vperm.xlane v46, v2;
	v60 =	vmul.f32 v57, v53;
	[tilespmem:s7+$0x0] =	vst v59  }
0x146: {  	v50 =	vperm.xlane v46, v3;
	v63 =	vmul.f32 v61, v58;
	[tilespmem:s7+$0xFFFFFFD0] =	vst v6;
	v6 =	vld [tilespmem:s7+$0x40]  }
0x147: {  	v52 =	vperm.xlane v46, v5;
	v8 =	vmul.f32 v47, v40;
	[tilespmem:s7+$0x10] =	vst v60  }
0x148: {  	v11 =	vmul.f32 v50, v41;
	[tilespmem:s7+$0x20] =	vst v63  }
0x149: {  	v9 =	vmul.f32 v52, v48;
	[tilespmem:s7+$0xFFFFFFB0] =	vst v8  }
0x14a: {  	[tilespmem:s7+$0xFFFFFFC0] =	vst v11;
	v8 =	vmul.f32 v56, v36  }
0x14b: {  	s18 =	sadd.s32 $0x1, s18;
	[tilespmem:s7+$0xFFFFFFE0] =	vst v9;
	v6 =	vmul.f32 v6, v42  }
0x14c: {  	p0 =	sne.s32 s18, $0x15;
	[tilespmem:s1+$0x20] =	vst v8  }
.Ltmp3:
0x14d: {  	[tilespmem:s7+$0x40] =	vst v6;
	(pc) =	sbr.rel @p0 .LBB2_4-.Ltmp3, $4  }
0x14e: {  	[spmem:s2] =	stream.indirect.scatter.add.f32 [tilespmem:s23], [sflag:$0x7], $0x50, s25, s19, $0xb8;
	[tilespmem:$0x16400] =	vst v63  }
0x14f: {  	_ =	swait.ge [sflag:s16], $0x2800  }
0x150: {  	[sflag:s16] =	ssyncset.done $0x0  }
0x151: {  	[sflag:s16] =	ssyncadd.s32 $0xFFFFD800  }
0x152: {  	s1 =	stileid.u32;
	s3 =	sadd.s32 $0x1, s3  }
0x153: {  	[bflag:$0x0] =	sbarrier.arrive $0xFFFF;
	s1 =	sshll.u32 s1, $0x6;
	p0 =	sne.s32 s3, s13  }
.Ltmp4:
0x154: {  	s7 =	sshrl.u32 s6, $0x3;
	s1 =	sor.u32 $0x1C07, s1;
	(pc) =	sbr.rel @p0 .LBB2_1-.Ltmp4, $4  }
0x155: {  	[hbm:s14], [sflag:s1] =	dma.local [spmem:s7], $0x1900  }
0x156: {  	_ =	swait.ge [sflag:s16], $0x1900  }
0x157: {  	[sflag:s16] =	ssyncset.done $0x0  }
0x158: {  	[sflag:s16] =	ssyncadd.s32 $0xFFFFE700  }
0x159: {  	_ =	sfence.sel $0x180000  }
0x15a: {  	[bflag:$0x0] =	sbarrier.arrive $0xFFFF  }
0x15b: {  	_ =	strace $0x90000047  }
0x15c: {  	s0 =	stileid.u32;
	[bflag:$0x2] =	sbarrier.arrive $0xFFFF  }
0x15d: {  	p0 =	sne.s32 s0, $0x0;
	s0 =	rddreg [dreg:$0x2]  }
0x15e: {  	s0 =	sadd.s32 @!p0 $0x100000, s0  }
0x15f: {  	[sflag:s0] =	ssyncadd.tile.s32 @!p0 $0x1;
	_ =	shalt  }
.Lfunc_end2:
_tile_overlayer_lowered:
.L_overlay_start_2:
0x160: {  	(tag) =	ssettag $0x2  }
0x161: {  	s0 =	rddreg [dreg:$0x0];
	s2 =	stileid.u32  }
0x162: {  	s1 =	rddreg [dreg:$0x1];
	p0 =	sne.s32 s2, $0x0  }
0x163: {  	s3 =	rddreg [dreg:$0x2];
	[bflag:$0x3] =	sbarrier.arrive $0xFFFF;
	s2 =	simm.s32 @!p0 $0x1C07  }
0x164: {  	[timem:s3], [sflag:s2] =	dma.local @!p0 [hbm:s0], s1  }
0x165: {  	s0 =	simm.s32 @!p0 $0x7  }
0x166: {  	_ =	swait.ge @!p0 [sflag:s0], s1  }
0x167: {  	s1 =	ssub.s32 @!p0 $0x0, s1;
	[sflag:s0] =	ssyncset.done @!p0 $0x0  }
0x168: {  	[sflag:s0] =	ssyncadd.s32 @!p0 s1  }
0x169: {  	[bflag:$0x3] =	sbarrier.arrive $0xFFFF  }
0x16a: {  	_ =	shalt  }

</sc_bundles>
